<compile_context>
chip_gen: v7x
topology: tpu7x:2x2x1
jax: 0.10.2.dev20260603
libtpu: 0.0.44.dev20260713+nightly
codegen_flags: <defaults>
</compile_context>

<pallas_src>
import functools

import jax
import jax.numpy as jnp
from jax import lax
from jax.experimental import pallas as pl
from jax.experimental.pallas import tpu as pltpu
from jax.experimental.pallas import tpu_sc as plsc

B, N, F, H = 256, 128, 9, 768
R = N + 1

_info = plsc.get_sparse_core_info()
NC, NS = _info.num_cores, _info.num_subcores
NW = NC * NS
T = 8
KPG = N // T
GPW = B // NW
CHUNKS = GPW * KPG
NFULL = B * KPG
CW = T * F + 2 * T
LANES = 16
JCH = H // LANES


def _sc_kernel(comb_hbm, atom_hbm, inw_hbm, gtok_hbm, out_hbm,
               idx_a, idx_b, rows_a, rows_b, deg_v, acc_v, gt_v,
               sem_a, sem_b, sem_d, sem_o, sem_ia, sem_ib):
    wid = lax.axis_index("s") * NC + lax.axis_index("c")
    gc0 = wid * CHUNKS
    g0 = wid * GPW

    def stage_row(gc, idx_ref, sem):
        pltpu.async_copy(comb_hbm.at[pl.ds(gc * CW, CW)], idx_ref, sem)

    def wait_idx(idx_ref, sem):
        pltpu.make_async_copy(comb_hbm.at[pl.ds(0, CW)], idx_ref,
                              sem).wait()

    def fire_atoms(idx_ref, rows_ref, sem):
        pltpu.async_copy(atom_hbm.at[idx_ref.at[pl.ds(0, T * F)]],
                         rows_ref, sem)

    def wait_atoms(rows_ref, sem):
        pltpu.make_async_copy(atom_hbm.at[pl.ds(0, T * F)], rows_ref,
                              sem).wait()

    def fire_deg(idx_ref):
        pltpu.async_copy(inw_hbm.at[idx_ref.at[pl.ds(T * F, 2 * T)]],
                         deg_v, sem_d)

    def wait_deg():
        pltpu.make_async_copy(inw_hbm.at[pl.ds(0, 2 * T)], deg_v,
                              sem_d).wait()

    def wait_out():
        pltpu.make_async_copy(out_hbm.at[0, pl.ds(0, T)], acc_v,
                              sem_o).wait()

    def compute(rows_ref):
        def lane_body(j, _):
            s = pl.ds(j * LANES, LANES)
            accs = [rows_ref[t * F, s] for t in range(T)]
            for f in range(1, F):
                for t in range(T):
                    accs[t] = accs[t] + rows_ref[t * F + f, s]
            for t in range(T):
                accs[t] = accs[t] + deg_v[t, s]
            for t in range(T):
                accs[t] = accs[t] + deg_v[t + T, s]
            for t in range(T):
                acc_v[t, s] = accs[t]
            return 0

        lax.fori_loop(0, JCH, lane_body, 0)

    def store_out(c):
        g = g0 + lax.shift_right_logical(c, 4)
        r0 = pl.multiple_of(lax.shift_left(lax.bitwise_and(c, 15), 3), T)
        pltpu.async_copy(acc_v, out_hbm.at[g, pl.ds(r0, T)], sem_o)

    stage_row(gc0, idx_a, sem_ia)
    wait_idx(idx_a, sem_ia)
    fire_atoms(idx_a, rows_a, sem_a)
    fire_deg(idx_a)
    stage_row(gc0 + 1, idx_b, sem_ib)

    pltpu.sync_copy(gtok_hbm, gt_v)

    def pair_body(i, _):
        c0 = i * 2
        wait_idx(idx_b, sem_ib)
        fire_atoms(idx_b, rows_b, sem_b)
        wait_atoms(rows_a, sem_a)
        wait_deg()

        @pl.when(i > 0)
        def _():
            wait_out()

        stage_row(gc0 + c0 + 2, idx_a, sem_ia)
        compute(rows_a)
        fire_deg(idx_b)
        store_out(c0)
        wait_idx(idx_a, sem_ia)
        fire_atoms(idx_a, rows_a, sem_a)
        wait_atoms(rows_b, sem_b)
        wait_deg()
        wait_out()
        stage_row(gc0 + c0 + 3, idx_b, sem_ib)
        compute(rows_b)
        fire_deg(idx_a)
        store_out(c0 + 1)
        return 0

    lax.fori_loop(0, CHUNKS // 2, pair_body, 0)

    wait_idx(idx_b, sem_ib)
    wait_atoms(rows_a, sem_a)
    wait_deg()
    wait_out()

    for gi in range(GPW):
        pltpu.sync_copy(gt_v, out_hbm.at[g0 + gi, pl.ds(0, 1)])

    stage_row(NFULL + wid, idx_a, sem_ia)
    wait_idx(idx_a, sem_ia)
    fire_atoms(idx_a, rows_a, sem_a)
    fire_deg(idx_a)
    wait_atoms(rows_a, sem_a)
    wait_deg()
    compute(rows_a)
    for gi in range(GPW):
        pltpu.sync_copy(acc_v.at[pl.ds(gi, 1)],
                        out_hbm.at[g0 + gi, pl.ds(N, 1)])


@jax.jit
def _run(comb, atom_w, deg_tab, gtok):
    mesh = plsc.VectorSubcoreMesh(core_axis_name="c", subcore_axis_name="s")
    kfn = functools.partial(
        pl.kernel,
        mesh=mesh,
        out_type=jax.ShapeDtypeStruct((B, R, H), jnp.float32),
        scratch_types=[
            pltpu.VMEM((CW,), jnp.int32),
            pltpu.VMEM((CW,), jnp.int32),
            pltpu.VMEM((T * F, H), jnp.float32),
            pltpu.VMEM((T * F, H), jnp.float32),
            pltpu.VMEM((2 * T, H), jnp.float32),
            pltpu.VMEM((T, H), jnp.float32),
            pltpu.VMEM((1, H), jnp.float32),
            pltpu.SemaphoreType.DMA,
            pltpu.SemaphoreType.DMA,
            pltpu.SemaphoreType.DMA,
            pltpu.SemaphoreType.DMA,
            pltpu.SemaphoreType.DMA,
            pltpu.SemaphoreType.DMA,
        ],
    )(_sc_kernel)
    return kfn(comb, atom_w, deg_tab, gtok)


def kernel(input_nodes, in_degree, out_degree, atom_w, in_w, out_w,
           graph_token_w):
    nodes = jnp.asarray(input_nodes, jnp.int32)
    ind = jnp.asarray(in_degree, jnp.int32)
    outd = jnp.asarray(out_degree, jnp.int32)
    atomsP = jnp.concatenate([jnp.zeros((B, 1, F), jnp.int32), nodes],
                             axis=1)
    insP = jnp.concatenate([jnp.zeros((B, 1), jnp.int32), ind], axis=1)
    outsP = jnp.concatenate([jnp.zeros((B, 1), jnp.int32), outd],
                            axis=1) + in_w.shape[0]
    comb_full = jnp.concatenate(
        [atomsP[:, :N].reshape(B, KPG, T * F),
         insP[:, :N].reshape(B, KPG, T),
         outsP[:, :N].reshape(B, KPG, T)], axis=-1).reshape(NFULL, CW)
    comb_tail = jnp.concatenate(
        [atomsP[:, N].reshape(NW, GPW * F),
         insP[:, N].reshape(NW, GPW),
         outsP[:, N].reshape(NW, GPW)], axis=-1)
    comb = jnp.concatenate([comb_full, comb_tail], axis=0).reshape(-1)
    deg_tab = jnp.concatenate([in_w, out_w], axis=0)
    return _run(comb, atom_w, deg_tab, graph_token_w)

# --- scband reference (transcript-rebuilt; emitter-appended) ---
"""Pipeline reference for scband-graphormer-graph-node-feature-55327768707634 (READ-ONLY COPY).

The authoritative reference and input builder live on the scoring server;
editing this copy changes nothing except your own understanding.
"""

import jax, jax.numpy as jnp
import numpy as np

NUM_ATOMS = 100000
NUM_IN_DEGREE = 512
NUM_OUT_DEGREE = 512
HIDDEN = 768
PAD = 0
B, N, F = 256, 128, 9

def setup_inputs(seed: int = 0) -> dict:
    key = jax.random.key(seed)
    k1, k2, k3, k4, k5, k6, k7 = jax.random.split(key, 7)
    input_nodes = jax.random.randint(k1, (B, N, F), 0, NUM_ATOMS + 1)
    in_degree = jax.random.randint(k2, (B, N), 0, NUM_IN_DEGREE)
    out_degree = jax.random.randint(k3, (B, N), 0, NUM_OUT_DEGREE)
    atom_w = jax.random.normal(k4, (NUM_ATOMS + 1, HIDDEN), jnp.float32) * 0.02
    atom_w = atom_w.at[PAD].set(0.0)
    in_w = jax.random.normal(k5, (NUM_IN_DEGREE, HIDDEN), jnp.float32) * 0.02
    in_w = in_w.at[PAD].set(0.0)
    out_w = jax.random.normal(k6, (NUM_OUT_DEGREE, HIDDEN), jnp.float32) * 0.02
    out_w = out_w.at[PAD].set(0.0)
    graph_token_w = jax.random.normal(k7, (1, HIDDEN), jnp.float32) * 0.02
    return {"input_nodes": input_nodes, "in_degree": in_degree, "out_degree": out_degree,
            "atom_w": atom_w, "in_w": in_w, "out_w": out_w, "graph_token_w": graph_token_w}

def reference(input_nodes, in_degree, out_degree, atom_w, in_w, out_w, graph_token_w):
    n_graph = input_nodes.shape[0]
    # atom_encoder(input_nodes).sum(dim=-2): gather [B,N,F,H] then sum over F
    node_feature = jnp.take(atom_w, input_nodes, axis=0).sum(axis=-2)
    node_feature = node_feature + jnp.take(in_w, in_degree, axis=0) + jnp.take(out_w, out_degree, axis=0)
    graph_token_feature = jnp.broadcast_to(graph_token_w[None, :, :], (n_graph, 1, graph_token_w.shape[-1]))
    graph_node_feature = jnp.concatenate([graph_token_feature, node_feature], axis=1)
    return graph_node_feature

if __name__ == "__main__":
    import jax
    _d = setup_inputs()
    print(jax.jit(kernel)(*tuple(_d.values())))

</pallas_src>

<mosaic_0001>
#map = affine_map<(d0, d1) -> (0)>
#map1 = affine_map<(d0, d1) -> (0, 0)>
#map2 = affine_map<(d0, d1) -> (0, 0, 0)>
module attributes {stable_mosaic.version = 14 : i64} {
  func.func @_sc_kernel(%arg0: i32, %arg1: i32, %arg2: memref<363264xi32, #tpu.memory_space<hbm>>, %arg3: memref<100001x768xf32, #tpu.memory_space<hbm>>, %arg4: memref<1024x768xf32, #tpu.memory_space<hbm>>, %arg5: memref<1x768xf32, #tpu.memory_space<hbm>>, %arg6: memref<256x129x768xf32, #tpu.memory_space<hbm>>, %arg7: memref<88xi32, #tpu.memory_space<vmem>>, %arg8: memref<88xi32, #tpu.memory_space<vmem>>, %arg9: memref<72x768xf32, #tpu.memory_space<vmem>>, %arg10: memref<72x768xf32, #tpu.memory_space<vmem>>, %arg11: memref<16x768xf32, #tpu.memory_space<vmem>>, %arg12: memref<8x768xf32, #tpu.memory_space<vmem>>, %arg13: memref<1x768xf32, #tpu.memory_space<vmem>>, %arg14: memref<!tpu.dma_semaphore, #tpu.memory_space<semaphore_mem>>, %arg15: memref<!tpu.dma_semaphore, #tpu.memory_space<semaphore_mem>>, %arg16: memref<!tpu.dma_semaphore, #tpu.memory_space<semaphore_mem>>, %arg17: memref<!tpu.dma_semaphore, #tpu.memory_space<semaphore_mem>>, %arg18: memref<!tpu.dma_semaphore, #tpu.memory_space<semaphore_mem>>, %arg19: memref<!tpu.dma_semaphore, #tpu.memory_space<semaphore_mem>>) attributes {dimension_semantics = [#tpu.dimension_semantics<core_parallel>, #tpu.dimension_semantics<subcore_parallel>], iteration_bounds = array<i64: 2, 16>, scalar_prefetch = 0 : i64, scratch_operands = 13 : i64, tpu.core_type = #tpu.core_type<sc_vector_subcore>, window_params = [{transform_indices = #map}, {transform_indices = #map1}, {transform_indices = #map1}, {transform_indices = #map1}, {transform_indices = #map2}]} {
    %mul3A = arith.constant 2 : i32
    %mul3A_0 = arith.muli %arg1, %mul3A : i32
    %add3A = arith.addi %mul3A_0, %arg0 : i32
    %mul3A_1 = arith.constant 128 : i32
    %mul3A_2 = arith.muli %add3A, %mul3A_1 : i32
    %mul3A_3 = arith.constant 8 : i32
    %mul3A_4 = arith.muli %add3A, %mul3A_3 : i32
    %mul3A_5 = arith.constant 88 : i32
    %mul3A_6 = arith.muli %mul3A_2, %mul3A_5 : i32
    %dma_start3A = tpu.memref_slice %arg2[%mul3A_6] : memref<363264xi32, #tpu.memory_space<hbm>> -> memref<88xi32, #tpu.memory_space<hbm>>
    %dma_start3A_7 = tpu.memref_slice %arg2[%mul3A_6] : memref<363264xi32, #tpu.memory_space<hbm>> -> memref<88xi32, #tpu.memory_space<hbm>>
    tpu.enqueue_dma source(%dma_start3A_7 : memref<88xi32, #tpu.memory_space<hbm>>) target(%arg7 : memref<88xi32, #tpu.memory_space<vmem>>) target_semaphore(%arg18 : memref<!tpu.dma_semaphore, #tpu.memory_space<semaphore_mem>>)
    %dma_wait3A = arith.constant 0 : i32
    %dma_wait3A_8 = tpu.memref_slice %arg2[%dma_wait3A] : memref<363264xi32, #tpu.memory_space<hbm>> -> memref<88xi32, #tpu.memory_space<hbm>>
    %dma_wait3A_9 = arith.constant 0 : i32
    %dma_wait3A_10 = tpu.memref_slice %arg2[%dma_wait3A_9] : memref<363264xi32, #tpu.memory_space<hbm>> -> memref<88xi32, #tpu.memory_space<hbm>>
    tpu.wait_dma2 semaphore(%arg18 : memref<!tpu.dma_semaphore, #tpu.memory_space<semaphore_mem>>) src(%dma_wait3A_10 : memref<88xi32, #tpu.memory_space<hbm>>) dst(%arg7 : memref<88xi32, #tpu.memory_space<vmem>>)
    %dma_start3A_11 = arith.constant 0 : i32
    %dma_start3A_12 = tpu.memref_slice %arg7[%dma_start3A_11] : memref<88xi32, #tpu.memory_space<vmem>> -> memref<72xi32, #tpu.memory_space<vmem>>
    %dma_start3A_13 = arith.constant 0 : i32
    %dma_start3A_14 = arith.constant 0 : i32
    %dma_start3A_15 = tpu.memref_slice %arg3[%dma_start3A_13, %dma_start3A_14] : memref<100001x768xf32, #tpu.memory_space<hbm>> -> memref<100001x768xf32, #tpu.memory_space<hbm>>
    tpu.enqueue_indirect_dma source(%dma_start3A_15 : memref<100001x768xf32, #tpu.memory_space<hbm>>) target(%arg9 : memref<72x768xf32, #tpu.memory_space<vmem>>) offsets(%dma_start3A_12 : memref<72xi32, #tpu.memory_space<vmem>>) semaphore(%arg14 : memref<!tpu.dma_semaphore, #tpu.memory_space<semaphore_mem>>)
    %dma_start3A_16 = arith.constant 72 : i32
    %dma_start3A_17 = tpu.memref_slice %arg7[%dma_start3A_16] : memref<88xi32, #tpu.memory_space<vmem>> -> memref<16xi32, #tpu.memory_space<vmem>>
    %dma_start3A_18 = arith.constant 0 : i32
    %dma_start3A_19 = arith.constant 0 : i32
    %dma_start3A_20 = tpu.memref_slice %arg4[%dma_start3A_18, %dma_start3A_19] : memref<1024x768xf32, #tpu.memory_space<hbm>> -> memref<1024x768xf32, #tpu.memory_space<hbm>>
    tpu.enqueue_indirect_dma source(%dma_start3A_20 : memref<1024x768xf32, #tpu.memory_space<hbm>>) target(%arg11 : memref<16x768xf32, #tpu.memory_space<vmem>>) offsets(%dma_start3A_17 : memref<16xi32, #tpu.memory_space<vmem>>) semaphore(%arg16 : memref<!tpu.dma_semaphore, #tpu.memory_space<semaphore_mem>>)
    %add3A_21 = arith.constant 1 : i32
    %add3A_22 = arith.addi %mul3A_2, %add3A_21 : i32
    %mul3A_23 = arith.constant 88 : i32
    %mul3A_24 = arith.muli %add3A_22, %mul3A_23 : i32
    %dma_start3A_25 = tpu.memref_slice %arg2[%mul3A_24] : memref<363264xi32, #tpu.memory_space<hbm>> -> memref<88xi32, #tpu.memory_space<hbm>>
    %dma_start3A_26 = tpu.memref_slice %arg2[%mul3A_24] : memref<363264xi32, #tpu.memory_space<hbm>> -> memref<88xi32, #tpu.memory_space<hbm>>
    tpu.enqueue_dma source(%dma_start3A_26 : memref<88xi32, #tpu.memory_space<hbm>>) target(%arg8 : memref<88xi32, #tpu.memory_space<vmem>>) target_semaphore(%arg19 : memref<!tpu.dma_semaphore, #tpu.memory_space<semaphore_mem>>)
    "tpu.region"() ({
      %run_scoped3A = tpu.sem_alloc : memref<!tpu.dma_semaphore, #tpu.memory_space<semaphore_mem>>
      tpu.enqueue_dma source(%arg5 : memref<1x768xf32, #tpu.memory_space<hbm>>) target(%arg13 : memref<1x768xf32, #tpu.memory_space<vmem>>) target_semaphore(%run_scoped3A : memref<!tpu.dma_semaphore, #tpu.memory_space<semaphore_mem>>)
      tpu.wait_dma2 semaphore(%run_scoped3A : memref<!tpu.dma_semaphore, #tpu.memory_space<semaphore_mem>>) src(%arg5 : memref<1x768xf32, #tpu.memory_space<hbm>>) dst(%arg13 : memref<1x768xf32, #tpu.memory_space<vmem>>)
      tpu.yield
    }) : () -> ()
    %scan3A = arith.constant 0 : i32
    %scan3A_27 = arith.constant 0 : i32
    %scan3A_28 = arith.constant 64 : i32
    %scan3A_29 = arith.addi %scan3A_27, %scan3A_28 : i32
    %scan3A_30 = arith.constant 1 : i32
    %scan3A_31 = scf.for %scan3A_129 = %scan3A_27 to %scan3A_29 step %scan3A_30 iter_args(%scan3A_130 = %scan3A) -> (i32)  : i32 {
      %mul3A_131 = arith.constant 2 : i32
      %mul3A_132 = arith.muli %scan3A_129, %mul3A_131 : i32
      %dma_wait3A_133 = arith.constant 0 : i32
      %dma_wait3A_134 = tpu.memref_slice %arg2[%dma_wait3A_133] : memref<363264xi32, #tpu.memory_space<hbm>> -> memref<88xi32, #tpu.memory_space<hbm>>
      %dma_wait3A_135 = arith.constant 0 : i32
      %dma_wait3A_136 = tpu.memref_slice %arg2[%dma_wait3A_135] : memref<363264xi32, #tpu.memory_space<hbm>> -> memref<88xi32, #tpu.memory_space<hbm>>
      tpu.wait_dma2 semaphore(%arg19 : memref<!tpu.dma_semaphore, #tpu.memory_space<semaphore_mem>>) src(%dma_wait3A_136 : memref<88xi32, #tpu.memory_space<hbm>>) dst(%arg8 : memref<88xi32, #tpu.memory_space<vmem>>)
      %dma_start3A_137 = arith.constant 0 : i32
      %dma_start3A_138 = tpu.memref_slice %arg8[%dma_start3A_137] : memref<88xi32, #tpu.memory_space<vmem>> -> memref<72xi32, #tpu.memory_space<vmem>>
      %dma_start3A_139 = arith.constant 0 : i32
      %dma_start3A_140 = arith.constant 0 : i32
      %dma_start3A_141 = tpu.memref_slice %arg3[%dma_start3A_139, %dma_start3A_140] : memref<100001x768xf32, #tpu.memory_space<hbm>> -> memref<100001x768xf32, #tpu.memory_space<hbm>>
      tpu.enqueue_indirect_dma source(%dma_start3A_141 : memref<100001x768xf32, #tpu.memory_space<hbm>>) target(%arg10 : memref<72x768xf32, #tpu.memory_space<vmem>>) offsets(%dma_start3A_138 : memref<72xi32, #tpu.memory_space<vmem>>) semaphore(%arg15 : memref<!tpu.dma_semaphore, #tpu.memory_space<semaphore_mem>>)
      %dma_wait3A_142 = arith.constant 0 : i32
      %dma_wait3A_143 = arith.constant 0 : i32
      %dma_wait3A_144 = tpu.memref_slice %arg3[%dma_wait3A_142, %dma_wait3A_143] : memref<100001x768xf32, #tpu.memory_space<hbm>> -> memref<72x768xf32, #tpu.memory_space<hbm>>
      %dma_wait3A_145 = arith.constant 0 : i32
      %dma_wait3A_146 = arith.constant 0 : i32
      %dma_wait3A_147 = tpu.memref_slice %arg3[%dma_wait3A_145, %dma_wait3A_146] : memref<100001x768xf32, #tpu.memory_space<hbm>> -> memref<72x768xf32, #tpu.memory_space<hbm>>
      tpu.wait_dma2 semaphore(%arg14 : memref<!tpu.dma_semaphore, #tpu.memory_space<semaphore_mem>>) src(%dma_wait3A_147 : memref<72x768xf32, #tpu.memory_space<hbm>>) dst(%arg9 : memref<72x768xf32, #tpu.memory_space<vmem>>)
      %dma_wait3A_148 = arith.constant 0 : i32
      %dma_wait3A_149 = arith.constant 0 : i32
      %dma_wait3A_150 = tpu.memref_slice %arg4[%dma_wait3A_148, %dma_wait3A_149] : memref<1024x768xf32, #tpu.memory_space<hbm>> -> memref<16x768xf32, #tpu.memory_space<hbm>>
      %dma_wait3A_151 = arith.constant 0 : i32
      %dma_wait3A_152 = arith.constant 0 : i32
      %dma_wait3A_153 = tpu.memref_slice %arg4[%dma_wait3A_151, %dma_wait3A_152] : memref<1024x768xf32, #tpu.memory_space<hbm>> -> memref<16x768xf32, #tpu.memory_space<hbm>>
      tpu.wait_dma2 semaphore(%arg16 : memref<!tpu.dma_semaphore, #tpu.memory_space<semaphore_mem>>) src(%dma_wait3A_153 : memref<16x768xf32, #tpu.memory_space<hbm>>) dst(%arg11 : memref<16x768xf32, #tpu.memory_space<vmem>>)
      %gt3A = arith.constant 0 : i32
      %gt3A_154 = arith.cmpi sgt, %scan3A_129, %gt3A : i32
      %convert_element_type3A = arith.extui %gt3A_154 : i1 to i32
      %cond3A = arith.constant 0 : i32
      %cond3A_155 = arith.cmpi ne, %convert_element_type3A, %cond3A : i32
      scf.if %cond3A_155 {
        %dma_wait3A_251 = arith.constant 0 : i32
        %dma_wait3A_252 = arith.constant 0 : i32
        %dma_wait3A_253 = arith.constant 0 : i32
        %dma_wait3A_254 = tpu.memref_slice %arg6[%dma_wait3A_251, %dma_wait3A_252, %dma_wait3A_253] : memref<256x129x768xf32, #tpu.memory_space<hbm>> -> memref<1x8x768xf32, #tpu.memory_space<hbm>>
        %dma_wait3A_255 = tpu.memref_squeeze %dma_wait3A_254 : memref<1x8x768xf32, #tpu.memory_space<hbm>> -> memref<8x768xf32, #tpu.memory_space<hbm>>
        %dma_wait3A_256 = arith.constant 0 : i32
        %dma_wait3A_257 = arith.constant 0 : i32
        %dma_wait3A_258 = tpu.memref_slice %arg6[%dma_wait3A_251, %dma_wait3A_256, %dma_wait3A_257] : memref<256x129x768xf32, #tpu.memory_space<hbm>> -> memref<1x8x768xf32, #tpu.memory_space<hbm>>
        %dma_wait3A_259 = tpu.memref_squeeze %dma_wait3A_258 : memref<1x8x768xf32, #tpu.memory_space<hbm>> -> memref<8x768xf32, #tpu.memory_space<hbm>>
        tpu.wait_dma2 semaphore(%arg17 : memref<!tpu.dma_semaphore, #tpu.memory_space<semaphore_mem>>) src(%dma_wait3A_259 : memref<8x768xf32, #tpu.memory_space<hbm>>) dst(%arg12 : memref<8x768xf32, #tpu.memory_space<vmem>>)
      } else {
      }
      %add3A_156 = arith.addi %mul3A_2, %mul3A_132 : i32
      %add3A_157 = arith.constant 2 : i32
      %add3A_158 = arith.addi %add3A_156, %add3A_157 : i32
      %mul3A_159 = arith.constant 88 : i32
      %mul3A_160 = arith.muli %add3A_158, %mul3A_159 : i32
      %dma_start3A_161 = tpu.memref_slice %arg2[%mul3A_160] : memref<363264xi32, #tpu.memory_space<hbm>> -> memref<88xi32, #tpu.memory_space<hbm>>
      %dma_start3A_162 = tpu.memref_slice %arg2[%mul3A_160] : memref<363264xi32, #tpu.memory_space<hbm>> -> memref<88xi32, #tpu.memory_space<hbm>>
      tpu.enqueue_dma source(%dma_start3A_162 : memref<88xi32, #tpu.memory_space<hbm>>) target(%arg7 : memref<88xi32, #tpu.memory_space<vmem>>) target_semaphore(%arg18 : memref<!tpu.dma_semaphore, #tpu.memory_space<semaphore_mem>>)
      %scan3A_163 = arith.constant 0 : i32
      %scan3A_164 = arith.constant 0 : i32
      %scan3A_165 = arith.constant 48 : i32
      %scan3A_166 = arith.addi %scan3A_164, %scan3A_165 : i32
      %scan3A_167 = arith.constant 1 : i32
      %scan3A_168 = scf.for %scan3A_251 = %scan3A_164 to %scan3A_166 step %scan3A_167 iter_args(%scan3A_252 = %scan3A_163) -> (i32)  : i32 {
        %mul3A_253 = arith.constant 16 : i32
        %mul3A_254 = arith.muli %scan3A_251, %mul3A_253 : i32
        %get3A = arith.constant 0 : i32
        %get3A_255 = arith.index_cast %get3A : i32 to index
        %get3A_256 = arith.index_cast %mul3A_254 : i32 to index
        %get3A_257 = tpu.vector_load %arg9[%get3A_255, %get3A_256] {strides = array<i32>} : memref<72x768xf32, #tpu.memory_space<vmem>>, vector<1x16xf32>,
        %get3A_258 = vector.shape_cast %get3A_257 : vector<1x16xf32> to vector<16xf32>
        %get3A_259 = arith.constant 9 : i32
        %get3A_260 = arith.index_cast %get3A_259 : i32 to index
        %get3A_261 = arith.index_cast %mul3A_254 : i32 to index
        %get3A_262 = tpu.vector_load %arg9[%get3A_260, %get3A_261] {strides = array<i32>} : memref<72x768xf32, #tpu.memory_space<vmem>>, vector<1x16xf32>,
        %get3A_263 = vector.shape_cast %get3A_262 : vector<1x16xf32> to vector<16xf32>
        %get3A_264 = arith.constant 18 : i32
        %get3A_265 = arith.index_cast %get3A_264 : i32 to index
        %get3A_266 = arith.index_cast %mul3A_254 : i32 to index
        %get3A_267 = tpu.vector_load %arg9[%get3A_265, %get3A_266] {strides = array<i32>} : memref<72x768xf32, #tpu.memory_space<vmem>>, vector<1x16xf32>,
        %get3A_268 = vector.shape_cast %get3A_267 : vector<1x16xf32> to vector<16xf32>
        %get3A_269 = arith.constant 27 : i32
        %get3A_270 = arith.index_cast %get3A_269 : i32 to index
        %get3A_271 = arith.index_cast %mul3A_254 : i32 to index
        %get3A_272 = tpu.vector_load %arg9[%get3A_270, %get3A_271] {strides = array<i32>} : memref<72x768xf32, #tpu.memory_space<vmem>>, vector<1x16xf32>,
        %get3A_273 = vector.shape_cast %get3A_272 : vector<1x16xf32> to vector<16xf32>
        %get3A_274 = arith.constant 36 : i32
        %get3A_275 = arith.index_cast %get3A_274 : i32 to index
        %get3A_276 = arith.index_cast %mul3A_254 : i32 to index
        %get3A_277 = tpu.vector_load %arg9[%get3A_275, %get3A_276] {strides = array<i32>} : memref<72x768xf32, #tpu.memory_space<vmem>>, vector<1x16xf32>,
        %get3A_278 = vector.shape_cast %get3A_277 : vector<1x16xf32> to vector<16xf32>
        %get3A_279 = arith.constant 45 : i32
        %get3A_280 = arith.index_cast %get3A_279 : i32 to index
        %get3A_281 = arith.index_cast %mul3A_254 : i32 to index
        %get3A_282 = tpu.vector_load %arg9[%get3A_280, %get3A_281] {strides = array<i32>} : memref<72x768xf32, #tpu.memory_space<vmem>>, vector<1x16xf32>,
        %get3A_283 = vector.shape_cast %get3A_282 : vector<1x16xf32> to vector<16xf32>
        %get3A_284 = arith.constant 54 : i32
        %get3A_285 = arith.index_cast %get3A_284 : i32 to index
        %get3A_286 = arith.index_cast %mul3A_254 : i32 to index
        %get3A_287 = tpu.vector_load %arg9[%get3A_285, %get3A_286] {strides = array<i32>} : memref<72x768xf32, #tpu.memory_space<vmem>>, vector<1x16xf32>,
        %get3A_288 = vector.shape_cast %get3A_287 : vector<1x16xf32> to vector<16xf32>
        %get3A_289 = arith.constant 63 : i32
        %get3A_290 = arith.index_cast %get3A_289 : i32 to index
        %get3A_291 = arith.index_cast %mul3A_254 : i32 to index
        %get3A_292 = tpu.vector_load %arg9[%get3A_290, %get3A_291] {strides = array<i32>} : memref<72x768xf32, #tpu.memory_space<vmem>>, vector<1x16xf32>,
        %get3A_293 = vector.shape_cast %get3A_292 : vector<1x16xf32> to vector<16xf32>
        %get3A_294 = arith.constant 1 : i32
        %get3A_295 = arith.index_cast %get3A_294 : i32 to index
        %get3A_296 = arith.index_cast %mul3A_254 : i32 to index
        %get3A_297 = tpu.vector_load %arg9[%get3A_295, %get3A_296] {strides = array<i32>} : memref<72x768xf32, #tpu.memory_space<vmem>>, vector<1x16xf32>,
        %get3A_298 = vector.shape_cast %get3A_297 : vector<1x16xf32> to vector<16xf32>
        %add3A_299 = arith.addf %get3A_258, %get3A_298 : vector<16xf32>
        %get3A_300 = arith.constant 10 : i32
        %get3A_301 = arith.index_cast %get3A_300 : i32 to index
        %get3A_302 = arith.index_cast %mul3A_254 : i32 to index
        %get3A_303 = tpu.vector_load %arg9[%get3A_301, %get3A_302] {strides = array<i32>} : memref<72x768xf32, #tpu.memory_space<vmem>>, vector<1x16xf32>,
        %get3A_304 = vector.shape_cast %get3A_303 : vector<1x16xf32> to vector<16xf32>
        %add3A_305 = arith.addf %get3A_263, %get3A_304 : vector<16xf32>
        %get3A_306 = arith.constant 19 : i32
        %get3A_307 = arith.index_cast %get3A_306 : i32 to index
        %get3A_308 = arith.index_cast %mul3A_254 : i32 to index
        %get3A_309 = tpu.vector_load %arg9[%get3A_307, %get3A_308] {strides = array<i32>} : memref<72x768xf32, #tpu.memory_space<vmem>>, vector<1x16xf32>,
        %get3A_310 = vector.shape_cast %get3A_309 : vector<1x16xf32> to vector<16xf32>
        %add3A_311 = arith.addf %get3A_268, %get3A_310 : vector<16xf32>
        %get3A_312 = arith.constant 28 : i32
        %get3A_313 = arith.index_cast %get3A_312 : i32 to index
        %get3A_314 = arith.index_cast %mul3A_254 : i32 to index
        %get3A_315 = tpu.vector_load %arg9[%get3A_313, %get3A_314] {strides = array<i32>} : memref<72x768xf32, #tpu.memory_space<vmem>>, vector<1x16xf32>,
        %get3A_316 = vector.shape_cast %get3A_315 : vector<1x16xf32> to vector<16xf32>
        %add3A_317 = arith.addf %get3A_273, %get3A_316 : vector<16xf32>
        %get3A_318 = arith.constant 37 : i32
        %get3A_319 = arith.index_cast %get3A_318 : i32 to index
        %get3A_320 = arith.index_cast %mul3A_254 : i32 to index
        %get3A_321 = tpu.vector_load %arg9[%get3A_319, %get3A_320] {strides = array<i32>} : memref<72x768xf32, #tpu.memory_space<vmem>>, vector<1x16xf32>,
        %get3A_322 = vector.shape_cast %get3A_321 : vector<1x16xf32> to vector<16xf32>
        %add3A_323 = arith.addf %get3A_278, %get3A_322 : vector<16xf32>
        %get3A_324 = arith.constant 46 : i32
        %get3A_325 = arith.index_cast %get3A_324 : i32 to index
        %get3A_326 = arith.index_cast %mul3A_254 : i32 to index
        %get3A_327 = tpu.vector_load %arg9[%get3A_325, %get3A_326] {strides = array<i32>} : memref<72x768xf32, #tpu.memory_space<vmem>>, vector<1x16xf32>,
        %get3A_328 = vector.shape_cast %get3A_327 : vector<1x16xf32> to vector<16xf32>
        %add3A_329 = arith.addf %get3A_283, %get3A_328 : vector<16xf32>
        %get3A_330 = arith.constant 55 : i32
        %get3A_331 = arith.index_cast %get3A_330 : i32 to index
        %get3A_332 = arith.index_cast %mul3A_254 : i32 to index
        %get3A_333 = tpu.vector_load %arg9[%get3A_331, %get3A_332] {strides = array<i32>} : memref<72x768xf32, #tpu.memory_space<vmem>>, vector<1x16xf32>,
        %get3A_334 = vector.shape_cast %get3A_333 : vector<1x16xf32> to vector<16xf32>
        %add3A_335 = arith.addf %get3A_288, %get3A_334 : vector<16xf32>
        %get3A_336 = arith.constant 64 : i32
        %get3A_337 = arith.index_cast %get3A_336 : i32 to index
        %get3A_338 = arith.index_cast %mul3A_254 : i32 to index
        %get3A_339 = tpu.vector_load %arg9[%get3A_337, %get3A_338] {strides = array<i32>} : memref<72x768xf32, #tpu.memory_space<vmem>>, vector<1x16xf32>,
        %get3A_340 = vector.shape_cast %get3A_339 : vector<1x16xf32> to vector<16xf32>
        %add3A_341 = arith.addf %get3A_293, %get3A_340 : vector<16xf32>
        %get3A_342 = arith.constant 2 : i32
        %get3A_343 = arith.index_cast %get3A_342 : i32 to index
        %get3A_344 = arith.index_cast %mul3A_254 : i32 to index
        %get3A_345 = tpu.vector_load %arg9[%get3A_343, %get3A_344] {strides = array<i32>} : memref<72x768xf32, #tpu.memory_space<vmem>>, vector<1x16xf32>,
        %get3A_346 = vector.shape_cast %get3A_345 : vector<1x16xf32> to vector<16xf32>
        %add3A_347 = arith.addf %add3A_299, %get3A_346 : vector<16xf32>
        %get3A_348 = arith.constant 11 : i32
        %get3A_349 = arith.index_cast %get3A_348 : i32 to index
        %get3A_350 = arith.index_cast %mul3A_254 : i32 to index
        %get3A_351 = tpu.vector_load %arg9[%get3A_349, %get3A_350] {strides = array<i32>} : memref<72x768xf32, #tpu.memory_space<vmem>>, vector<1x16xf32>,
        %get3A_352 = vector.shape_cast %get3A_351 : vector<1x16xf32> to vector<16xf32>
        %add3A_353 = arith.addf %add3A_305, %get3A_352 : vector<16xf32>
        %get3A_354 = arith.constant 20 : i32
        %get3A_355 = arith.index_cast %get3A_354 : i32 to index
        %get3A_356 = arith.index_cast %mul3A_254 : i32 to index
        %get3A_357 = tpu.vector_load %arg9[%get3A_355, %get3A_356] {strides = array<i32>} : memref<72x768xf32, #tpu.memory_space<vmem>>, vector<1x16xf32>,
        %get3A_358 = vector.shape_cast %get3A_357 : vector<1x16xf32> to vector<16xf32>
        %add3A_359 = arith.addf %add3A_311, %get3A_358 : vector<16xf32>
        %get3A_360 = arith.constant 29 : i32
        %get3A_361 = arith.index_cast %get3A_360 : i32 to index
        %get3A_362 = arith.index_cast %mul3A_254 : i32 to index
        %get3A_363 = tpu.vector_load %arg9[%get3A_361, %get3A_362] {strides = array<i32>} : memref<72x768xf32, #tpu.memory_space<vmem>>, vector<1x16xf32>,
        %get3A_364 = vector.shape_cast %get3A_363 : vector<1x16xf32> to vector<16xf32>
        %add3A_365 = arith.addf %add3A_317, %get3A_364 : vector<16xf32>
        %get3A_366 = arith.constant 38 : i32
        %get3A_367 = arith.index_cast %get3A_366 : i32 to index
        %get3A_368 = arith.index_cast %mul3A_254 : i32 to index
        %get3A_369 = tpu.vector_load %arg9[%get3A_367, %get3A_368] {strides = array<i32>} : memref<72x768xf32, #tpu.memory_space<vmem>>, vector<1x16xf32>,
        %get3A_370 = vector.shape_cast %get3A_369 : vector<1x16xf32> to vector<16xf32>
        %add3A_371 = arith.addf %add3A_323, %get3A_370 : vector<16xf32>
        %get3A_372 = arith.constant 47 : i32
        %get3A_373 = arith.index_cast %get3A_372 : i32 to index
        %get3A_374 = arith.index_cast %mul3A_254 : i32 to index
        %get3A_375 = tpu.vector_load %arg9[%get3A_373, %get3A_374] {strides = array<i32>} : memref<72x768xf32, #tpu.memory_space<vmem>>, vector<1x16xf32>,
        %get3A_376 = vector.shape_cast %get3A_375 : vector<1x16xf32> to vector<16xf32>
        %add3A_377 = arith.addf %add3A_329, %get3A_376 : vector<16xf32>
        %get3A_378 = arith.constant 56 : i32
        %get3A_379 = arith.index_cast %get3A_378 : i32 to index
        %get3A_380 = arith.index_cast %mul3A_254 : i32 to index
        %get3A_381 = tpu.vector_load %arg9[%get3A_379, %get3A_380] {strides = array<i32>} : memref<72x768xf32, #tpu.memory_space<vmem>>, vector<1x16xf32>,
        %get3A_382 = vector.shape_cast %get3A_381 : vector<1x16xf32> to vector<16xf32>
        %add3A_383 = arith.addf %add3A_335, %get3A_382 : vector<16xf32>
        %get3A_384 = arith.constant 65 : i32
        %get3A_385 = arith.index_cast %get3A_384 : i32 to index
        %get3A_386 = arith.index_cast %mul3A_254 : i32 to index
        %get3A_387 = tpu.vector_load %arg9[%get3A_385, %get3A_386] {strides = array<i32>} : memref<72x768xf32, #tpu.memory_space<vmem>>, vector<1x16xf32>,
        %get3A_388 = vector.shape_cast %get3A_387 : vector<1x16xf32> to vector<16xf32>
        %add3A_389 = arith.addf %add3A_341, %get3A_388 : vector<16xf32>
        %get3A_390 = arith.constant 3 : i32
        %get3A_391 = arith.index_cast %get3A_390 : i32 to index
        %get3A_392 = arith.index_cast %mul3A_254 : i32 to index
        %get3A_393 = tpu.vector_load %arg9[%get3A_391, %get3A_392] {strides = array<i32>} : memref<72x768xf32, #tpu.memory_space<vmem>>, vector<1x16xf32>,
        %get3A_394 = vector.shape_cast %get3A_393 : vector<1x16xf32> to vector<16xf32>
        %add3A_395 = arith.addf %add3A_347, %get3A_394 : vector<16xf32>
        %get3A_396 = arith.constant 12 : i32
        %get3A_397 = arith.index_cast %get3A_396 : i32 to index
        %get3A_398 = arith.index_cast %mul3A_254 : i32 to index
        %get3A_399 = tpu.vector_load %arg9[%get3A_397, %get3A_398] {strides = array<i32>} : memref<72x768xf32, #tpu.memory_space<vmem>>, vector<1x16xf32>,
        %get3A_400 = vector.shape_cast %get3A_399 : vector<1x16xf32> to vector<16xf32>
        %add3A_401 = arith.addf %add3A_353, %get3A_400 : vector<16xf32>
        %get3A_402 = arith.constant 21 : i32
        %get3A_403 = arith.index_cast %get3A_402 : i32 to index
        %get3A_404 = arith.index_cast %mul3A_254 : i32 to index
        %get3A_405 = tpu.vector_load %arg9[%get3A_403, %get3A_404] {strides = array<i32>} : memref<72x768xf32, #tpu.memory_space<vmem>>, vector<1x16xf32>,
        %get3A_406 = vector.shape_cast %get3A_405 : vector<1x16xf32> to vector<16xf32>
        %add3A_407 = arith.addf %add3A_359, %get3A_406 : vector<16xf32>
        %get3A_408 = arith.constant 30 : i32
        %get3A_409 = arith.index_cast %get3A_408 : i32 to index
        %get3A_410 = arith.index_cast %mul3A_254 : i32 to index
        %get3A_411 = tpu.vector_load %arg9[%get3A_409, %get3A_410] {strides = array<i32>} : memref<72x768xf32, #tpu.memory_space<vmem>>, vector<1x16xf32>,
        %get3A_412 = vector.shape_cast %get3A_411 : vector<1x16xf32> to vector<16xf32>
        %add3A_413 = arith.addf %add3A_365, %get3A_412 : vector<16xf32>
        %get3A_414 = arith.constant 39 : i32
        %get3A_415 = arith.index_cast %get3A_414 : i32 to index
        %get3A_416 = arith.index_cast %mul3A_254 : i32 to index
        %get3A_417 = tpu.vector_load %arg9[%get3A_415, %get3A_416] {strides = array<i32>} : memref<72x768xf32, #tpu.memory_space<vmem>>, vector<1x16xf32>,
        %get3A_418 = vector.shape_cast %get3A_417 : vector<1x16xf32> to vector<16xf32>
        %add3A_419 = arith.addf %add3A_371, %get3A_418 : vector<16xf32>
        %get3A_420 = arith.constant 48 : i32
        %get3A_421 = arith.index_cast %get3A_420 : i32 to index
        %get3A_422 = arith.index_cast %mul3A_254 : i32 to index
        %get3A_423 = tpu.vector_load %arg9[%get3A_421, %get3A_422] {strides = array<i32>} : memref<72x768xf32, #tpu.memory_space<vmem>>, vector<1x16xf32>,
        %get3A_424 = vector.shape_cast %get3A_423 : vector<1x16xf32> to vector<16xf32>
        %add3A_425 = arith.addf %add3A_377, %get3A_424 : vector<16xf32>
        %get3A_426 = arith.constant 57 : i32
        %get3A_427 = arith.index_cast %get3A_426 : i32 to index
        %get3A_428 = arith.index_cast %mul3A_254 : i32 to index
        %get3A_429 = tpu.vector_load %arg9[%get3A_427, %get3A_428] {strides = array<i32>} : memref<72x768xf32, #tpu.memory_space<vmem>>, vector<1x16xf32>,
        %get3A_430 = vector.shape_cast %get3A_429 : vector<1x16xf32> to vector<16xf32>
        %add3A_431 = arith.addf %add3A_383, %get3A_430 : vector<16xf32>
        %get3A_432 = arith.constant 66 : i32
        %get3A_433 = arith.index_cast %get3A_432 : i32 to index
        %get3A_434 = arith.index_cast %mul3A_254 : i32 to index
        %get3A_435 = tpu.vector_load %arg9[%get3A_433, %get3A_434] {strides = array<i32>} : memref<72x768xf32, #tpu.memory_space<vmem>>, vector<1x16xf32>,
        %get3A_436 = vector.shape_cast %get3A_435 : vector<1x16xf32> to vector<16xf32>
        %add3A_437 = arith.addf %add3A_389, %get3A_436 : vector<16xf32>
        %get3A_438 = arith.constant 4 : i32
        %get3A_439 = arith.index_cast %get3A_438 : i32 to index
        %get3A_440 = arith.index_cast %mul3A_254 : i32 to index
        %get3A_441 = tpu.vector_load %arg9[%get3A_439, %get3A_440] {strides = array<i32>} : memref<72x768xf32, #tpu.memory_space<vmem>>, vector<1x16xf32>,
        %get3A_442 = vector.shape_cast %get3A_441 : vector<1x16xf32> to vector<16xf32>
        %add3A_443 = arith.addf %add3A_395, %get3A_442 : vector<16xf32>
        %get3A_444 = arith.constant 13 : i32
        %get3A_445 = arith.index_cast %get3A_444 : i32 to index
        %get3A_446 = arith.index_cast %mul3A_254 : i32 to index
        %get3A_447 = tpu.vector_load %arg9[%get3A_445, %get3A_446] {strides = array<i32>} : memref<72x768xf32, #tpu.memory_space<vmem>>, vector<1x16xf32>,
        %get3A_448 = vector.shape_cast %get3A_447 : vector<1x16xf32> to vector<16xf32>
        %add3A_449 = arith.addf %add3A_401, %get3A_448 : vector<16xf32>
        %get3A_450 = arith.constant 22 : i32
        %get3A_451 = arith.index_cast %get3A_450 : i32 to index
        %get3A_452 = arith.index_cast %mul3A_254 : i32 to index
        %get3A_453 = tpu.vector_load %arg9[%get3A_451, %get3A_452] {strides = array<i32>} : memref<72x768xf32, #tpu.memory_space<vmem>>, vector<1x16xf32>,
        %get3A_454 = vector.shape_cast %get3A_453 : vector<1x16xf32> to vector<16xf32>
        %add3A_455 = arith.addf %add3A_407, %get3A_454 : vector<16xf32>
        %get3A_456 = arith.constant 31 : i32
        %get3A_457 = arith.index_cast %get3A_456 : i32 to index
        %get3A_458 = arith.index_cast %mul3A_254 : i32 to index
        %get3A_459 = tpu.vector_load %arg9[%get3A_457, %get3A_458] {strides = array<i32>} : memref<72x768xf32, #tpu.memory_space<vmem>>, vector<1x16xf32>,
        %get3A_460 = vector.shape_cast %get3A_459 : vector<1x16xf32> to vector<16xf32>
        %add3A_461 = arith.addf %add3A_413, %get3A_460 : vector<16xf32>
        %get3A_462 = arith.constant 40 : i32
        %get3A_463 = arith.index_cast %get3A_462 : i32 to index
        %get3A_464 = arith.index_cast %mul3A_254 : i32 to index
        %get3A_465 = tpu.vector_load %arg9[%get3A_463, %get3A_464] {strides = array<i32>} : memref<72x768xf32, #tpu.memory_space<vmem>>, vector<1x16xf32>,
        %get3A_466 = vector.shape_cast %get3A_465 : vector<1x16xf32> to vector<16xf32>
        %add3A_467 = arith.addf %add3A_419, %get3A_466 : vector<16xf32>
        %get3A_468 = arith.constant 49 : i32
        %get3A_469 = arith.index_cast %get3A_468 : i32 to index
        %get3A_470 = arith.index_cast %mul3A_254 : i32 to index
        %get3A_471 = tpu.vector_load %arg9[%get3A_469, %get3A_470] {strides = array<i32>} : memref<72x768xf32, #tpu.memory_space<vmem>>, vector<1x16xf32>,
        %get3A_472 = vector.shape_cast %get3A_471 : vector<1x16xf32> to vector<16xf32>
        %add3A_473 = arith.addf %add3A_425, %get3A_472 : vector<16xf32>
        %get3A_474 = arith.constant 58 : i32
        %get3A_475 = arith.index_cast %get3A_474 : i32 to index
        %get3A_476 = arith.index_cast %mul3A_254 : i32 to index
        %get3A_477 = tpu.vector_load %arg9[%get3A_475, %get3A_476] {strides = array<i32>} : memref<72x768xf32, #tpu.memory_space<vmem>>, vector<1x16xf32>,
        %get3A_478 = vector.shape_cast %get3A_477 : vector<1x16xf32> to vector<16xf32>
        %add3A_479 = arith.addf %add3A_431, %get3A_478 : vector<16xf32>
        %get3A_480 = arith.constant 67 : i32
        %get3A_481 = arith.index_cast %get3A_480 : i32 to index
        %get3A_482 = arith.index_cast %mul3A_254 : i32 to index
        %get3A_483 = tpu.vector_load %arg9[%get3A_481, %get3A_482] {strides = array<i32>} : memref<72x768xf32, #tpu.memory_space<vmem>>, vector<1x16xf32>,
        %get3A_484 = vector.shape_cast %get3A_483 : vector<1x16xf32> to vector<16xf32>
        %add3A_485 = arith.addf %add3A_437, %get3A_484 : vector<16xf32>
        %get3A_486 = arith.constant 5 : i32
        %get3A_487 = arith.index_cast %get3A_486 : i32 to index
        %get3A_488 = arith.index_cast %mul3A_254 : i32 to index
        %get3A_489 = tpu.vector_load %arg9[%get3A_487, %get3A_488] {strides = array<i32>} : memref<72x768xf32, #tpu.memory_space<vmem>>, vector<1x16xf32>,
        %get3A_490 = vector.shape_cast %get3A_489 : vector<1x16xf32> to vector<16xf32>
        %add3A_491 = arith.addf %add3A_443, %get3A_490 : vector<16xf32>
        %get3A_492 = arith.constant 14 : i32
        %get3A_493 = arith.index_cast %get3A_492 : i32 to index
        %get3A_494 = arith.index_cast %mul3A_254 : i32 to index
        %get3A_495 = tpu.vector_load %arg9[%get3A_493, %get3A_494] {strides = array<i32>} : memref<72x768xf32, #tpu.memory_space<vmem>>, vector<1x16xf32>,
        %get3A_496 = vector.shape_cast %get3A_495 : vector<1x16xf32> to vector<16xf32>
        %add3A_497 = arith.addf %add3A_449, %get3A_496 : vector<16xf32>
        %get3A_498 = arith.constant 23 : i32
        %get3A_499 = arith.index_cast %get3A_498 : i32 to index
        %get3A_500 = arith.index_cast %mul3A_254 : i32 to index
        %get3A_501 = tpu.vector_load %arg9[%get3A_499, %get3A_500] {strides = array<i32>} : memref<72x768xf32, #tpu.memory_space<vmem>>, vector<1x16xf32>,
        %get3A_502 = vector.shape_cast %get3A_501 : vector<1x16xf32> to vector<16xf32>
        %add3A_503 = arith.addf %add3A_455, %get3A_502 : vector<16xf32>
        %get3A_504 = arith.constant 32 : i32
        %get3A_505 = arith.index_cast %get3A_504 : i32 to index
        %get3A_506 = arith.index_cast %mul3A_254 : i32 to index
        %get3A_507 = tpu.vector_load %arg9[%get3A_505, %get3A_506] {strides = array<i32>} : memref<72x768xf32, #tpu.memory_space<vmem>>, vector<1x16xf32>,
        %get3A_508 = vector.shape_cast %get3A_507 : vector<1x16xf32> to vector<16xf32>
        %add3A_509 = arith.addf %add3A_461, %get3A_508 : vector<16xf32>
        %get3A_510 = arith.constant 41 : i32
        %get3A_511 = arith.index_cast %get3A_510 : i32 to index
        %get3A_512 = arith.index_cast %mul3A_254 : i32 to index
        %get3A_513 = tpu.vector_load %arg9[%get3A_511, %get3A_512] {strides = array<i32>} : memref<72x768xf32, #tpu.memory_space<vmem>>, vector<1x16xf32>,
        %get3A_514 = vector.shape_cast %get3A_513 : vector<1x16xf32> to vector<16xf32>
        %add3A_515 = arith.addf %add3A_467, %get3A_514 : vector<16xf32>
        %get3A_516 = arith.constant 50 : i32
        %get3A_517 = arith.index_cast %get3A_516 : i32 to index
        %get3A_518 = arith.index_cast %mul3A_254 : i32 to index
        %get3A_519 = tpu.vector_load %arg9[%get3A_517, %get3A_518] {strides = array<i32>} : memref<72x768xf32, #tpu.memory_space<vmem>>, vector<1x16xf32>,
        %get3A_520 = vector.shape_cast %get3A_519 : vector<1x16xf32> to vector<16xf32>
        %add3A_521 = arith.addf %add3A_473, %get3A_520 : vector<16xf32>
        %get3A_522 = arith.constant 59 : i32
        %get3A_523 = arith.index_cast %get3A_522 : i32 to index
        %get3A_524 = arith.index_cast %mul3A_254 : i32 to index
        %get3A_525 = tpu.vector_load %arg9[%get3A_523, %get3A_524] {strides = array<i32>} : memref<72x768xf32, #tpu.memory_space<vmem>>, vector<1x16xf32>,
        %get3A_526 = vector.shape_cast %get3A_525 : vector<1x16xf32> to vector<16xf32>
        %add3A_527 = arith.addf %add3A_479, %get3A_526 : vector<16xf32>
        %get3A_528 = arith.constant 68 : i32
        %get3A_529 = arith.index_cast %get3A_528 : i32 to index
        %get3A_530 = arith.index_cast %mul3A_254 : i32 to index
        %get3A_531 = tpu.vector_load %arg9[%get3A_529, %get3A_530] {strides = array<i32>} : memref<72x768xf32, #tpu.memory_space<vmem>>, vector<1x16xf32>,
        %get3A_532 = vector.shape_cast %get3A_531 : vector<1x16xf32> to vector<16xf32>
        %add3A_533 = arith.addf %add3A_485, %get3A_532 : vector<16xf32>
        %get3A_534 = arith.constant 6 : i32
        %get3A_535 = arith.index_cast %get3A_534 : i32 to index
        %get3A_536 = arith.index_cast %mul3A_254 : i32 to index
        %get3A_537 = tpu.vector_load %arg9[%get3A_535, %get3A_536] {strides = array<i32>} : memref<72x768xf32, #tpu.memory_space<vmem>>, vector<1x16xf32>,
        %get3A_538 = vector.shape_cast %get3A_537 : vector<1x16xf32> to vector<16xf32>
        %add3A_539 = arith.addf %add3A_491, %get3A_538 : vector<16xf32>
        %get3A_540 = arith.constant 15 : i32
        %get3A_541 = arith.index_cast %get3A_540 : i32 to index
        %get3A_542 = arith.index_cast %mul3A_254 : i32 to index
        %get3A_543 = tpu.vector_load %arg9[%get3A_541, %get3A_542] {strides = array<i32>} : memref<72x768xf32, #tpu.memory_space<vmem>>, vector<1x16xf32>,
        %get3A_544 = vector.shape_cast %get3A_543 : vector<1x16xf32> to vector<16xf32>
        %add3A_545 = arith.addf %add3A_497, %get3A_544 : vector<16xf32>
        %get3A_546 = arith.constant 24 : i32
        %get3A_547 = arith.index_cast %get3A_546 : i32 to index
        %get3A_548 = arith.index_cast %mul3A_254 : i32 to index
        %get3A_549 = tpu.vector_load %arg9[%get3A_547, %get3A_548] {strides = array<i32>} : memref<72x768xf32, #tpu.memory_space<vmem>>, vector<1x16xf32>,
        %get3A_550 = vector.shape_cast %get3A_549 : vector<1x16xf32> to vector<16xf32>
        %add3A_551 = arith.addf %add3A_503, %get3A_550 : vector<16xf32>
        %get3A_552 = arith.constant 33 : i32
        %get3A_553 = arith.index_cast %get3A_552 : i32 to index
        %get3A_554 = arith.index_cast %mul3A_254 : i32 to index
        %get3A_555 = tpu.vector_load %arg9[%get3A_553, %get3A_554] {strides = array<i32>} : memref<72x768xf32, #tpu.memory_space<vmem>>, vector<1x16xf32>,
        %get3A_556 = vector.shape_cast %get3A_555 : vector<1x16xf32> to vector<16xf32>
        %add3A_557 = arith.addf %add3A_509, %get3A_556 : vector<16xf32>
        %get3A_558 = arith.constant 42 : i32
        %get3A_559 = arith.index_cast %get3A_558 : i32 to index
        %get3A_560 = arith.index_cast %mul3A_254 : i32 to index
        %get3A_561 = tpu.vector_load %arg9[%get3A_559, %get3A_560] {strides = array<i32>} : memref<72x768xf32, #tpu.memory_space<vmem>>, vector<1x16xf32>,
        %get3A_562 = vector.shape_cast %get3A_561 : vector<1x16xf32> to vector<16xf32>
        %add3A_563 = arith.addf %add3A_515, %get3A_562 : vector<16xf32>
        %get3A_564 = arith.constant 51 : i32
        %get3A_565 = arith.index_cast %get3A_564 : i32 to index
        %get3A_566 = arith.index_cast %mul3A_254 : i32 to index
        %get3A_567 = tpu.vector_load %arg9[%get3A_565, %get3A_566] {strides = array<i32>} : memref<72x768xf32, #tpu.memory_space<vmem>>, vector<1x16xf32>,
        %get3A_568 = vector.shape_cast %get3A_567 : vector<1x16xf32> to vector<16xf32>
        %add3A_569 = arith.addf %add3A_521, %get3A_568 : vector<16xf32>
        %get3A_570 = arith.constant 60 : i32
        %get3A_571 = arith.index_cast %get3A_570 : i32 to index
        %get3A_572 = arith.index_cast %mul3A_254 : i32 to index
        %get3A_573 = tpu.vector_load %arg9[%get3A_571, %get3A_572] {strides = array<i32>} : memref<72x768xf32, #tpu.memory_space<vmem>>, vector<1x16xf32>,
        %get3A_574 = vector.shape_cast %get3A_573 : vector<1x16xf32> to vector<16xf32>
        %add3A_575 = arith.addf %add3A_527, %get3A_574 : vector<16xf32>
        %get3A_576 = arith.constant 69 : i32
        %get3A_577 = arith.index_cast %get3A_576 : i32 to index
        %get3A_578 = arith.index_cast %mul3A_254 : i32 to index
        %get3A_579 = tpu.vector_load %arg9[%get3A_577, %get3A_578] {strides = array<i32>} : memref<72x768xf32, #tpu.memory_space<vmem>>, vector<1x16xf32>,
        %get3A_580 = vector.shape_cast %get3A_579 : vector<1x16xf32> to vector<16xf32>
        %add3A_581 = arith.addf %add3A_533, %get3A_580 : vector<16xf32>
        %get3A_582 = arith.constant 7 : i32
        %get3A_583 = arith.index_cast %get3A_582 : i32 to index
        %get3A_584 = arith.index_cast %mul3A_254 : i32 to index
        %get3A_585 = tpu.vector_load %arg9[%get3A_583, %get3A_584] {strides = array<i32>} : memref<72x768xf32, #tpu.memory_space<vmem>>, vector<1x16xf32>,
        %get3A_586 = vector.shape_cast %get3A_585 : vector<1x16xf32> to vector<16xf32>
        %add3A_587 = arith.addf %add3A_539, %get3A_586 : vector<16xf32>
        %get3A_588 = arith.constant 16 : i32
        %get3A_589 = arith.index_cast %get3A_588 : i32 to index
        %get3A_590 = arith.index_cast %mul3A_254 : i32 to index
        %get3A_591 = tpu.vector_load %arg9[%get3A_589, %get3A_590] {strides = array<i32>} : memref<72x768xf32, #tpu.memory_space<vmem>>, vector<1x16xf32>,
        %get3A_592 = vector.shape_cast %get3A_591 : vector<1x16xf32> to vector<16xf32>
        %add3A_593 = arith.addf %add3A_545, %get3A_592 : vector<16xf32>
        %get3A_594 = arith.constant 25 : i32
        %get3A_595 = arith.index_cast %get3A_594 : i32 to index
        %get3A_596 = arith.index_cast %mul3A_254 : i32 to index
        %get3A_597 = tpu.vector_load %arg9[%get3A_595, %get3A_596] {strides = array<i32>} : memref<72x768xf32, #tpu.memory_space<vmem>>, vector<1x16xf32>,
        %get3A_598 = vector.shape_cast %get3A_597 : vector<1x16xf32> to vector<16xf32>
        %add3A_599 = arith.addf %add3A_551, %get3A_598 : vector<16xf32>
        %get3A_600 = arith.constant 34 : i32
        %get3A_601 = arith.index_cast %get3A_600 : i32 to index
        %get3A_602 = arith.index_cast %mul3A_254 : i32 to index
        %get3A_603 = tpu.vector_load %arg9[%get3A_601, %get3A_602] {strides = array<i32>} : memref<72x768xf32, #tpu.memory_space<vmem>>, vector<1x16xf32>,
        %get3A_604 = vector.shape_cast %get3A_603 : vector<1x16xf32> to vector<16xf32>
        %add3A_605 = arith.addf %add3A_557, %get3A_604 : vector<16xf32>
        %get3A_606 = arith.constant 43 : i32
        %get3A_607 = arith.index_cast %get3A_606 : i32 to index
        %get3A_608 = arith.index_cast %mul3A_254 : i32 to index
        %get3A_609 = tpu.vector_load %arg9[%get3A_607, %get3A_608] {strides = array<i32>} : memref<72x768xf32, #tpu.memory_space<vmem>>, vector<1x16xf32>,
        %get3A_610 = vector.shape_cast %get3A_609 : vector<1x16xf32> to vector<16xf32>
        %add3A_611 = arith.addf %add3A_563, %get3A_610 : vector<16xf32>
        %get3A_612 = arith.constant 52 : i32
        %get3A_613 = arith.index_cast %get3A_612 : i32 to index
        %get3A_614 = arith.index_cast %mul3A_254 : i32 to index
        %get3A_615 = tpu.vector_load %arg9[%get3A_613, %get3A_614] {strides = array<i32>} : memref<72x768xf32, #tpu.memory_space<vmem>>, vector<1x16xf32>,
        %get3A_616 = vector.shape_cast %get3A_615 : vector<1x16xf32> to vector<16xf32>
        %add3A_617 = arith.addf %add3A_569, %get3A_616 : vector<16xf32>
        %get3A_618 = arith.constant 61 : i32
        %get3A_619 = arith.index_cast %get3A_618 : i32 to index
        %get3A_620 = arith.index_cast %mul3A_254 : i32 to index
        %get3A_621 = tpu.vector_load %arg9[%get3A_619, %get3A_620] {strides = array<i32>} : memref<72x768xf32, #tpu.memory_space<vmem>>, vector<1x16xf32>,
        %get3A_622 = vector.shape_cast %get3A_621 : vector<1x16xf32> to vector<16xf32>
        %add3A_623 = arith.addf %add3A_575, %get3A_622 : vector<16xf32>
        %get3A_624 = arith.constant 70 : i32
        %get3A_625 = arith.index_cast %get3A_624 : i32 to index
        %get3A_626 = arith.index_cast %mul3A_254 : i32 to index
        %get3A_627 = tpu.vector_load %arg9[%get3A_625, %get3A_626] {strides = array<i32>} : memref<72x768xf32, #tpu.memory_space<vmem>>, vector<1x16xf32>,
        %get3A_628 = vector.shape_cast %get3A_627 : vector<1x16xf32> to vector<16xf32>
        %add3A_629 = arith.addf %add3A_581, %get3A_628 : vector<16xf32>
        %get3A_630 = arith.constant 8 : i32
        %get3A_631 = arith.index_cast %get3A_630 : i32 to index
        %get3A_632 = arith.index_cast %mul3A_254 : i32 to index
        %get3A_633 = tpu.vector_load %arg9[%get3A_631, %get3A_632] {strides = array<i32>} : memref<72x768xf32, #tpu.memory_space<vmem>>, vector<1x16xf32>,
        %get3A_634 = vector.shape_cast %get3A_633 : vector<1x16xf32> to vector<16xf32>
        %add3A_635 = arith.addf %add3A_587, %get3A_634 : vector<16xf32>
        %get3A_636 = arith.constant 17 : i32
        %get3A_637 = arith.index_cast %get3A_636 : i32 to index
        %get3A_638 = arith.index_cast %mul3A_254 : i32 to index
        %get3A_639 = tpu.vector_load %arg9[%get3A_637, %get3A_638] {strides = array<i32>} : memref<72x768xf32, #tpu.memory_space<vmem>>, vector<1x16xf32>,
        %get3A_640 = vector.shape_cast %get3A_639 : vector<1x16xf32> to vector<16xf32>
        %add3A_641 = arith.addf %add3A_593, %get3A_640 : vector<16xf32>
        %get3A_642 = arith.constant 26 : i32
        %get3A_643 = arith.index_cast %get3A_642 : i32 to index
        %get3A_644 = arith.index_cast %mul3A_254 : i32 to index
        %get3A_645 = tpu.vector_load %arg9[%get3A_643, %get3A_644] {strides = array<i32>} : memref<72x768xf32, #tpu.memory_space<vmem>>, vector<1x16xf32>,
        %get3A_646 = vector.shape_cast %get3A_645 : vector<1x16xf32> to vector<16xf32>
        %add3A_647 = arith.addf %add3A_599, %get3A_646 : vector<16xf32>
        %get3A_648 = arith.constant 35 : i32
        %get3A_649 = arith.index_cast %get3A_648 : i32 to index
        %get3A_650 = arith.index_cast %mul3A_254 : i32 to index
        %get3A_651 = tpu.vector_load %arg9[%get3A_649, %get3A_650] {strides = array<i32>} : memref<72x768xf32, #tpu.memory_space<vmem>>, vector<1x16xf32>,
        %get3A_652 = vector.shape_cast %get3A_651 : vector<1x16xf32> to vector<16xf32>
        %add3A_653 = arith.addf %add3A_605, %get3A_652 : vector<16xf32>
        %get3A_654 = arith.constant 44 : i32
        %get3A_655 = arith.index_cast %get3A_654 : i32 to index
        %get3A_656 = arith.index_cast %mul3A_254 : i32 to index
        %get3A_657 = tpu.vector_load %arg9[%get3A_655, %get3A_656] {strides = array<i32>} : memref<72x768xf32, #tpu.memory_space<vmem>>, vector<1x16xf32>,
        %get3A_658 = vector.shape_cast %get3A_657 : vector<1x16xf32> to vector<16xf32>
        %add3A_659 = arith.addf %add3A_611, %get3A_658 : vector<16xf32>
        %get3A_660 = arith.constant 53 : i32
        %get3A_661 = arith.index_cast %get3A_660 : i32 to index
        %get3A_662 = arith.index_cast %mul3A_254 : i32 to index
        %get3A_663 = tpu.vector_load %arg9[%get3A_661, %get3A_662] {strides = array<i32>} : memref<72x768xf32, #tpu.memory_space<vmem>>, vector<1x16xf32>,
        %get3A_664 = vector.shape_cast %get3A_663 : vector<1x16xf32> to vector<16xf32>
        %add3A_665 = arith.addf %add3A_617, %get3A_664 : vector<16xf32>
        %get3A_666 = arith.constant 62 : i32
        %get3A_667 = arith.index_cast %get3A_666 : i32 to index
        %get3A_668 = arith.index_cast %mul3A_254 : i32 to index
        %get3A_669 = tpu.vector_load %arg9[%get3A_667, %get3A_668] {strides = array<i32>} : memref<72x768xf32, #tpu.memory_space<vmem>>, vector<1x16xf32>,
        %get3A_670 = vector.shape_cast %get3A_669 : vector<1x16xf32> to vector<16xf32>
        %add3A_671 = arith.addf %add3A_623, %get3A_670 : vector<16xf32>
        %get3A_672 = arith.constant 71 : i32
        %get3A_673 = arith.index_cast %get3A_672 : i32 to index
        %get3A_674 = arith.index_cast %mul3A_254 : i32 to index
        %get3A_675 = tpu.vector_load %arg9[%get3A_673, %get3A_674] {strides = array<i32>} : memref<72x768xf32, #tpu.memory_space<vmem>>, vector<1x16xf32>,
        %get3A_676 = vector.shape_cast %get3A_675 : vector<1x16xf32> to vector<16xf32>
        %add3A_677 = arith.addf %add3A_629, %get3A_676 : vector<16xf32>
        %get3A_678 = arith.constant 0 : i32
        %get3A_679 = arith.index_cast %get3A_678 : i32 to index
        %get3A_680 = arith.index_cast %mul3A_254 : i32 to index
        %get3A_681 = tpu.vector_load %arg11[%get3A_679, %get3A_680] {strides = array<i32>} : memref<16x768xf32, #tpu.memory_space<vmem>>, vector<1x16xf32>,
        %get3A_682 = vector.shape_cast %get3A_681 : vector<1x16xf32> to vector<16xf32>
        %add3A_683 = arith.addf %add3A_635, %get3A_682 : vector<16xf32>
        %get3A_684 = arith.constant 1 : i32
        %get3A_685 = arith.index_cast %get3A_684 : i32 to index
        %get3A_686 = arith.index_cast %mul3A_254 : i32 to index
        %get3A_687 = tpu.vector_load %arg11[%get3A_685, %get3A_686] {strides = array<i32>} : memref<16x768xf32, #tpu.memory_space<vmem>>, vector<1x16xf32>,
        %get3A_688 = vector.shape_cast %get3A_687 : vector<1x16xf32> to vector<16xf32>
        %add3A_689 = arith.addf %add3A_641, %get3A_688 : vector<16xf32>
        %get3A_690 = arith.constant 2 : i32
        %get3A_691 = arith.index_cast %get3A_690 : i32 to index
        %get3A_692 = arith.index_cast %mul3A_254 : i32 to index
        %get3A_693 = tpu.vector_load %arg11[%get3A_691, %get3A_692] {strides = array<i32>} : memref<16x768xf32, #tpu.memory_space<vmem>>, vector<1x16xf32>,
        %get3A_694 = vector.shape_cast %get3A_693 : vector<1x16xf32> to vector<16xf32>
        %add3A_695 = arith.addf %add3A_647, %get3A_694 : vector<16xf32>
        %get3A_696 = arith.constant 3 : i32
        %get3A_697 = arith.index_cast %get3A_696 : i32 to index
        %get3A_698 = arith.index_cast %mul3A_254 : i32 to index
        %get3A_699 = tpu.vector_load %arg11[%get3A_697, %get3A_698] {strides = array<i32>} : memref<16x768xf32, #tpu.memory_space<vmem>>, vector<1x16xf32>,
        %get3A_700 = vector.shape_cast %get3A_699 : vector<1x16xf32> to vector<16xf32>
        %add3A_701 = arith.addf %add3A_653, %get3A_700 : vector<16xf32>
        %get3A_702 = arith.constant 4 : i32
        %get3A_703 = arith.index_cast %get3A_702 : i32 to index
        %get3A_704 = arith.index_cast %mul3A_254 : i32 to index
        %get3A_705 = tpu.vector_load %arg11[%get3A_703, %get3A_704] {strides = array<i32>} : memref<16x768xf32, #tpu.memory_space<vmem>>, vector<1x16xf32>,
        %get3A_706 = vector.shape_cast %get3A_705 : vector<1x16xf32> to vector<16xf32>
        %add3A_707 = arith.addf %add3A_659, %get3A_706 : vector<16xf32>
        %get3A_708 = arith.constant 5 : i32
        %get3A_709 = arith.index_cast %get3A_708 : i32 to index
        %get3A_710 = arith.index_cast %mul3A_254 : i32 to index
        %get3A_711 = tpu.vector_load %arg11[%get3A_709, %get3A_710] {strides = array<i32>} : memref<16x768xf32, #tpu.memory_space<vmem>>, vector<1x16xf32>,
        %get3A_712 = vector.shape_cast %get3A_711 : vector<1x16xf32> to vector<16xf32>
        %add3A_713 = arith.addf %add3A_665, %get3A_712 : vector<16xf32>
        %get3A_714 = arith.constant 6 : i32
        %get3A_715 = arith.index_cast %get3A_714 : i32 to index
        %get3A_716 = arith.index_cast %mul3A_254 : i32 to index
        %get3A_717 = tpu.vector_load %arg11[%get3A_715, %get3A_716] {strides = array<i32>} : memref<16x768xf32, #tpu.memory_space<vmem>>, vector<1x16xf32>,
        %get3A_718 = vector.shape_cast %get3A_717 : vector<1x16xf32> to vector<16xf32>
        %add3A_719 = arith.addf %add3A_671, %get3A_718 : vector<16xf32>
        %get3A_720 = arith.constant 7 : i32
        %get3A_721 = arith.index_cast %get3A_720 : i32 to index
        %get3A_722 = arith.index_cast %mul3A_254 : i32 to index
        %get3A_723 = tpu.vector_load %arg11[%get3A_721, %get3A_722] {strides = array<i32>} : memref<16x768xf32, #tpu.memory_space<vmem>>, vector<1x16xf32>,
        %get3A_724 = vector.shape_cast %get3A_723 : vector<1x16xf32> to vector<16xf32>
        %add3A_725 = arith.addf %add3A_677, %get3A_724 : vector<16xf32>
        %get3A_726 = arith.constant 8 : i32
        %get3A_727 = arith.index_cast %get3A_726 : i32 to index
        %get3A_728 = arith.index_cast %mul3A_254 : i32 to index
        %get3A_729 = tpu.vector_load %arg11[%get3A_727, %get3A_728] {strides = array<i32>} : memref<16x768xf32, #tpu.memory_space<vmem>>, vector<1x16xf32>,
        %get3A_730 = vector.shape_cast %get3A_729 : vector<1x16xf32> to vector<16xf32>
        %add3A_731 = arith.addf %add3A_683, %get3A_730 : vector<16xf32>
        %get3A_732 = arith.constant 9 : i32
        %get3A_733 = arith.index_cast %get3A_732 : i32 to index
        %get3A_734 = arith.index_cast %mul3A_254 : i32 to index
        %get3A_735 = tpu.vector_load %arg11[%get3A_733, %get3A_734] {strides = array<i32>} : memref<16x768xf32, #tpu.memory_space<vmem>>, vector<1x16xf32>,
        %get3A_736 = vector.shape_cast %get3A_735 : vector<1x16xf32> to vector<16xf32>
        %add3A_737 = arith.addf %add3A_689, %get3A_736 : vector<16xf32>
        %get3A_738 = arith.constant 10 : i32
        %get3A_739 = arith.index_cast %get3A_738 : i32 to index
        %get3A_740 = arith.index_cast %mul3A_254 : i32 to index
        %get3A_741 = tpu.vector_load %arg11[%get3A_739, %get3A_740] {strides = array<i32>} : memref<16x768xf32, #tpu.memory_space<vmem>>, vector<1x16xf32>,
        %get3A_742 = vector.shape_cast %get3A_741 : vector<1x16xf32> to vector<16xf32>
        %add3A_743 = arith.addf %add3A_695, %get3A_742 : vector<16xf32>
        %get3A_744 = arith.constant 11 : i32
        %get3A_745 = arith.index_cast %get3A_744 : i32 to index
        %get3A_746 = arith.index_cast %mul3A_254 : i32 to index
        %get3A_747 = tpu.vector_load %arg11[%get3A_745, %get3A_746] {strides = array<i32>} : memref<16x768xf32, #tpu.memory_space<vmem>>, vector<1x16xf32>,
        %get3A_748 = vector.shape_cast %get3A_747 : vector<1x16xf32> to vector<16xf32>
        %add3A_749 = arith.addf %add3A_701, %get3A_748 : vector<16xf32>
        %get3A_750 = arith.constant 12 : i32
        %get3A_751 = arith.index_cast %get3A_750 : i32 to index
        %get3A_752 = arith.index_cast %mul3A_254 : i32 to index
        %get3A_753 = tpu.vector_load %arg11[%get3A_751, %get3A_752] {strides = array<i32>} : memref<16x768xf32, #tpu.memory_space<vmem>>, vector<1x16xf32>,
        %get3A_754 = vector.shape_cast %get3A_753 : vector<1x16xf32> to vector<16xf32>
        %add3A_755 = arith.addf %add3A_707, %get3A_754 : vector<16xf32>
        %get3A_756 = arith.constant 13 : i32
        %get3A_757 = arith.index_cast %get3A_756 : i32 to index
        %get3A_758 = arith.index_cast %mul3A_254 : i32 to index
        %get3A_759 = tpu.vector_load %arg11[%get3A_757, %get3A_758] {strides = array<i32>} : memref<16x768xf32, #tpu.memory_space<vmem>>, vector<1x16xf32>,
        %get3A_760 = vector.shape_cast %get3A_759 : vector<1x16xf32> to vector<16xf32>
        %add3A_761 = arith.addf %add3A_713, %get3A_760 : vector<16xf32>
        %get3A_762 = arith.constant 14 : i32
        %get3A_763 = arith.index_cast %get3A_762 : i32 to index
        %get3A_764 = arith.index_cast %mul3A_254 : i32 to index
        %get3A_765 = tpu.vector_load %arg11[%get3A_763, %get3A_764] {strides = array<i32>} : memref<16x768xf32, #tpu.memory_space<vmem>>, vector<1x16xf32>,
        %get3A_766 = vector.shape_cast %get3A_765 : vector<1x16xf32> to vector<16xf32>
        %add3A_767 = arith.addf %add3A_719, %get3A_766 : vector<16xf32>
        %get3A_768 = arith.constant 15 : i32
        %get3A_769 = arith.index_cast %get3A_768 : i32 to index
        %get3A_770 = arith.index_cast %mul3A_254 : i32 to index
        %get3A_771 = tpu.vector_load %arg11[%get3A_769, %get3A_770] {strides = array<i32>} : memref<16x768xf32, #tpu.memory_space<vmem>>, vector<1x16xf32>,
        %get3A_772 = vector.shape_cast %get3A_771 : vector<1x16xf32> to vector<16xf32>
        %add3A_773 = arith.addf %add3A_725, %get3A_772 : vector<16xf32>
        %swap3A = arith.constant 0 : i32
        %swap3A_774 = arith.index_cast %swap3A : i32 to index
        %swap3A_775 = arith.index_cast %mul3A_254 : i32 to index
        %swap3A_776 = tpu.vector_load %arg12[%swap3A_774, %swap3A_775] {strides = array<i32>} : memref<8x768xf32, #tpu.memory_space<vmem>>, vector<1x16xf32>,
        %swap3A_777 = vector.shape_cast %swap3A_776 : vector<1x16xf32> to vector<16xf32>
        %swap3A_778 = vector.shape_cast %add3A_731 : vector<16xf32> to vector<1x16xf32>
        tpu.vector_store %arg12[%swap3A_774, %swap3A_775], %swap3A_778 {strides = array<i32>} : memref<8x768xf32, #tpu.memory_space<vmem>>, vector<1x16xf32>,
        %swap3A_779 = arith.constant 1 : i32
        %swap3A_780 = arith.index_cast %swap3A_779 : i32 to index
        %swap3A_781 = arith.index_cast %mul3A_254 : i32 to index
        %swap3A_782 = tpu.vector_load %arg12[%swap3A_780, %swap3A_781] {strides = array<i32>} : memref<8x768xf32, #tpu.memory_space<vmem>>, vector<1x16xf32>,
        %swap3A_783 = vector.shape_cast %swap3A_782 : vector<1x16xf32> to vector<16xf32>
        %swap3A_784 = vector.shape_cast %add3A_737 : vector<16xf32> to vector<1x16xf32>
        tpu.vector_store %arg12[%swap3A_780, %swap3A_781], %swap3A_784 {strides = array<i32>} : memref<8x768xf32, #tpu.memory_space<vmem>>, vector<1x16xf32>,
        %swap3A_785 = arith.constant 2 : i32
        %swap3A_786 = arith.index_cast %swap3A_785 : i32 to index
        %swap3A_787 = arith.index_cast %mul3A_254 : i32 to index
        %swap3A_788 = tpu.vector_load %arg12[%swap3A_786, %swap3A_787] {strides = array<i32>} : memref<8x768xf32, #tpu.memory_space<vmem>>, vector<1x16xf32>,
        %swap3A_789 = vector.shape_cast %swap3A_788 : vector<1x16xf32> to vector<16xf32>
        %swap3A_790 = vector.shape_cast %add3A_743 : vector<16xf32> to vector<1x16xf32>
        tpu.vector_store %arg12[%swap3A_786, %swap3A_787], %swap3A_790 {strides = array<i32>} : memref<8x768xf32, #tpu.memory_space<vmem>>, vector<1x16xf32>,
        %swap3A_791 = arith.constant 3 : i32
        %swap3A_792 = arith.index_cast %swap3A_791 : i32 to index
        %swap3A_793 = arith.index_cast %mul3A_254 : i32 to index
        %swap3A_794 = tpu.vector_load %arg12[%swap3A_792, %swap3A_793] {strides = array<i32>} : memref<8x768xf32, #tpu.memory_space<vmem>>, vector<1x16xf32>,
        %swap3A_795 = vector.shape_cast %swap3A_794 : vector<1x16xf32> to vector<16xf32>
        %swap3A_796 = vector.shape_cast %add3A_749 : vector<16xf32> to vector<1x16xf32>
        tpu.vector_store %arg12[%swap3A_792, %swap3A_793], %swap3A_796 {strides = array<i32>} : memref<8x768xf32, #tpu.memory_space<vmem>>, vector<1x16xf32>,
        %swap3A_797 = arith.constant 4 : i32
        %swap3A_798 = arith.index_cast %swap3A_797 : i32 to index
        %swap3A_799 = arith.index_cast %mul3A_254 : i32 to index
        %swap3A_800 = tpu.vector_load %arg12[%swap3A_798, %swap3A_799] {strides = array<i32>} : memref<8x768xf32, #tpu.memory_space<vmem>>, vector<1x16xf32>,
        %swap3A_801 = vector.shape_cast %swap3A_800 : vector<1x16xf32> to vector<16xf32>
        %swap3A_802 = vector.shape_cast %add3A_755 : vector<16xf32> to vector<1x16xf32>
        tpu.vector_store %arg12[%swap3A_798, %swap3A_799], %swap3A_802 {strides = array<i32>} : memref<8x768xf32, #tpu.memory_space<vmem>>, vector<1x16xf32>,
        %swap3A_803 = arith.constant 5 : i32
        %swap3A_804 = arith.index_cast %swap3A_803 : i32 to index
        %swap3A_805 = arith.index_cast %mul3A_254 : i32 to index
        %swap3A_806 = tpu.vector_load %arg12[%swap3A_804, %swap3A_805] {strides = array<i32>} : memref<8x768xf32, #tpu.memory_space<vmem>>, vector<1x16xf32>,
        %swap3A_807 = vector.shape_cast %swap3A_806 : vector<1x16xf32> to vector<16xf32>
        %swap3A_808 = vector.shape_cast %add3A_761 : vector<16xf32> to vector<1x16xf32>
        tpu.vector_store %arg12[%swap3A_804, %swap3A_805], %swap3A_808 {strides = array<i32>} : memref<8x768xf32, #tpu.memory_space<vmem>>, vector<1x16xf32>,
        %swap3A_809 = arith.constant 6 : i32
        %swap3A_810 = arith.index_cast %swap3A_809 : i32 to index
        %swap3A_811 = arith.index_cast %mul3A_254 : i32 to index
        %swap3A_812 = tpu.vector_load %arg12[%swap3A_810, %swap3A_811] {strides = array<i32>} : memref<8x768xf32, #tpu.memory_space<vmem>>, vector<1x16xf32>,
        %swap3A_813 = vector.shape_cast %swap3A_812 : vector<1x16xf32> to vector<16xf32>
        %swap3A_814 = vector.shape_cast %add3A_767 : vector<16xf32> to vector<1x16xf32>
        tpu.vector_store %arg12[%swap3A_810, %swap3A_811], %swap3A_814 {strides = array<i32>} : memref<8x768xf32, #tpu.memory_space<vmem>>, vector<1x16xf32>,
        %swap3A_815 = arith.constant 7 : i32
        %swap3A_816 = arith.index_cast %swap3A_815 : i32 to index
        %swap3A_817 = arith.index_cast %mul3A_254 : i32 to index
        %swap3A_818 = tpu.vector_load %arg12[%swap3A_816, %swap3A_817] {strides = array<i32>} : memref<8x768xf32, #tpu.memory_space<vmem>>, vector<1x16xf32>,
        %swap3A_819 = vector.shape_cast %swap3A_818 : vector<1x16xf32> to vector<16xf32>
        %swap3A_820 = vector.shape_cast %add3A_773 : vector<16xf32> to vector<1x16xf32>
        tpu.vector_store %arg12[%swap3A_816, %swap3A_817], %swap3A_820 {strides = array<i32>} : memref<8x768xf32, #tpu.memory_space<vmem>>, vector<1x16xf32>,
        %scan3A_821 = arith.constant 0 : i32
        scf.yield %scan3A_821 : i32
      }
      %scan3A_169 = arith.constant 48 : i32
      %dma_start3A_170 = arith.constant 72 : i32
      %dma_start3A_171 = tpu.memref_slice %arg8[%dma_start3A_170] : memref<88xi32, #tpu.memory_space<vmem>> -> memref<16xi32, #tpu.memory_space<vmem>>
      %dma_start3A_172 = arith.constant 0 : i32
      %dma_start3A_173 = arith.constant 0 : i32
      %dma_start3A_174 = tpu.memref_slice %arg4[%dma_start3A_172, %dma_start3A_173] : memref<1024x768xf32, #tpu.memory_space<hbm>> -> memref<1024x768xf32, #tpu.memory_space<hbm>>
      tpu.enqueue_indirect_dma source(%dma_start3A_174 : memref<1024x768xf32, #tpu.memory_space<hbm>>) target(%arg11 : memref<16x768xf32, #tpu.memory_space<vmem>>) offsets(%dma_start3A_171 : memref<16xi32, #tpu.memory_space<vmem>>) semaphore(%arg16 : memref<!tpu.dma_semaphore, #tpu.memory_space<semaphore_mem>>)
      %shift_right_logical3A = arith.constant 4 : i32
      %shift_right_logical3A_175 = arith.shrui %mul3A_132, %shift_right_logical3A : i32
      %add3A_176 = arith.addi %mul3A_4, %shift_right_logical3A_175 : i32
      %and3A = arith.constant 15 : i32
      %and3A_177 = arith.andi %mul3A_132, %and3A : i32
      %shift_left3A = arith.constant 3 : i32
      %shift_left3A_178 = arith.shli %and3A_177, %shift_left3A : i32
      %multiple_of3A = tpu.assume_multiple %shift_left3A_178, 8 : i32
      %dma_start3A_179 = arith.constant 0 : i32
      %dma_start3A_180 = tpu.memref_slice %arg6[%add3A_176, %multiple_of3A, %dma_start3A_179] : memref<256x129x768xf32, #tpu.memory_space<hbm>> -> memref<1x8x768xf32, #tpu.memory_space<hbm>>
      %dma_start3A_181 = tpu.memref_squeeze %dma_start3A_180 : memref<1x8x768xf32, #tpu.memory_space<hbm>> -> memref<8x768xf32, #tpu.memory_space<hbm>>
      %dma_start3A_182 = arith.constant 0 : i32
      %dma_start3A_183 = tpu.memref_slice %arg6[%add3A_176, %multiple_of3A, %dma_start3A_182] : memref<256x129x768xf32, #tpu.memory_space<hbm>> -> memref<1x8x768xf32, #tpu.memory_space<hbm>>
      %dma_start3A_184 = tpu.memref_squeeze %dma_start3A_183 : memref<1x8x768xf32, #tpu.memory_space<hbm>> -> memref<8x768xf32, #tpu.memory_space<hbm>>
      tpu.enqueue_dma source(%arg12 : memref<8x768xf32, #tpu.memory_space<vmem>>) target(%dma_start3A_184 : memref<8x768xf32, #tpu.memory_space<hbm>>) target_semaphore(%arg17 : memref<!tpu.dma_semaphore, #tpu.memory_space<semaphore_mem>>)
      %dma_wait3A_185 = arith.constant 0 : i32
      %dma_wait3A_186 = tpu.memref_slice %arg2[%dma_wait3A_185] : memref<363264xi32, #tpu.memory_space<hbm>> -> memref<88xi32, #tpu.memory_space<hbm>>
      %dma_wait3A_187 = arith.constant 0 : i32
      %dma_wait3A_188 = tpu.memref_slice %arg2[%dma_wait3A_187] : memref<363264xi32, #tpu.memory_space<hbm>> -> memref<88xi32, #tpu.memory_space<hbm>>
      tpu.wait_dma2 semaphore(%arg18 : memref<!tpu.dma_semaphore, #tpu.memory_space<semaphore_mem>>) src(%dma_wait3A_188 : memref<88xi32, #tpu.memory_space<hbm>>) dst(%arg7 : memref<88xi32, #tpu.memory_space<vmem>>)
      %dma_start3A_189 = arith.constant 0 : i32
      %dma_start3A_190 = tpu.memref_slice %arg7[%dma_start3A_189] : memref<88xi32, #tpu.memory_space<vmem>> -> memref<72xi32, #tpu.memory_space<vmem>>
      %dma_start3A_191 = arith.constant 0 : i32
      %dma_start3A_192 = arith.constant 0 : i32
      %dma_start3A_193 = tpu.memref_slice %arg3[%dma_start3A_191, %dma_start3A_192] : memref<100001x768xf32, #tpu.memory_space<hbm>> -> memref<100001x768xf32, #tpu.memory_space<hbm>>
      tpu.enqueue_indirect_dma source(%dma_start3A_193 : memref<100001x768xf32, #tpu.memory_space<hbm>>) target(%arg9 : memref<72x768xf32, #tpu.memory_space<vmem>>) offsets(%dma_start3A_190 : memref<72xi32, #tpu.memory_space<vmem>>) semaphore(%arg14 : memref<!tpu.dma_semaphore, #tpu.memory_space<semaphore_mem>>)
      %dma_wait3A_194 = arith.constant 0 : i32
      %dma_wait3A_195 = arith.constant 0 : i32
      %dma_wait3A_196 = tpu.memref_slice %arg3[%dma_wait3A_194, %dma_wait3A_195] : memref<100001x768xf32, #tpu.memory_space<hbm>> -> memref<72x768xf32, #tpu.memory_space<hbm>>
      %dma_wait3A_197 = arith.constant 0 : i32
      %dma_wait3A_198 = arith.constant 0 : i32
      %dma_wait3A_199 = tpu.memref_slice %arg3[%dma_wait3A_197, %dma_wait3A_198] : memref<100001x768xf32, #tpu.memory_space<hbm>> -> memref<72x768xf32, #tpu.memory_space<hbm>>
      tpu.wait_dma2 semaphore(%arg15 : memref<!tpu.dma_semaphore, #tpu.memory_space<semaphore_mem>>) src(%dma_wait3A_199 : memref<72x768xf32, #tpu.memory_space<hbm>>) dst(%arg10 : memref<72x768xf32, #tpu.memory_space<vmem>>)
      %dma_wait3A_200 = arith.constant 0 : i32
      %dma_wait3A_201 = arith.constant 0 : i32
      %dma_wait3A_202 = tpu.memref_slice %arg4[%dma_wait3A_200, %dma_wait3A_201] : memref<1024x768xf32, #tpu.memory_space<hbm>> -> memref<16x768xf32, #tpu.memory_space<hbm>>
      %dma_wait3A_203 = arith.constant 0 : i32
      %dma_wait3A_204 = arith.constant 0 : i32
      %dma_wait3A_205 = tpu.memref_slice %arg4[%dma_wait3A_203, %dma_wait3A_204] : memref<1024x768xf32, #tpu.memory_space<hbm>> -> memref<16x768xf32, #tpu.memory_space<hbm>>
      tpu.wait_dma2 semaphore(%arg16 : memref<!tpu.dma_semaphore, #tpu.memory_space<semaphore_mem>>) src(%dma_wait3A_205 : memref<16x768xf32, #tpu.memory_space<hbm>>) dst(%arg11 : memref<16x768xf32, #tpu.memory_space<vmem>>)
      %dma_wait3A_206 = arith.constant 0 : i32
      %dma_wait3A_207 = arith.constant 0 : i32
      %dma_wait3A_208 = arith.constant 0 : i32
      %dma_wait3A_209 = tpu.memref_slice %arg6[%dma_wait3A_206, %dma_wait3A_207, %dma_wait3A_208] : memref<256x129x768xf32, #tpu.memory_space<hbm>> -> memref<1x8x768xf32, #tpu.memory_space<hbm>>
      %dma_wait3A_210 = tpu.memref_squeeze %dma_wait3A_209 : memref<1x8x768xf32, #tpu.memory_space<hbm>> -> memref<8x768xf32, #tpu.memory_space<hbm>>
      %dma_wait3A_211 = arith.constant 0 : i32
      %dma_wait3A_212 = arith.constant 0 : i32
      %dma_wait3A_213 = tpu.memref_slice %arg6[%dma_wait3A_206, %dma_wait3A_211, %dma_wait3A_212] : memref<256x129x768xf32, #tpu.memory_space<hbm>> -> memref<1x8x768xf32, #tpu.memory_space<hbm>>
      %dma_wait3A_214 = tpu.memref_squeeze %dma_wait3A_213 : memref<1x8x768xf32, #tpu.memory_space<hbm>> -> memref<8x768xf32, #tpu.memory_space<hbm>>
      tpu.wait_dma2 semaphore(%arg17 : memref<!tpu.dma_semaphore, #tpu.memory_space<semaphore_mem>>) src(%dma_wait3A_214 : memref<8x768xf32, #tpu.memory_space<hbm>>) dst(%arg12 : memref<8x768xf32, #tpu.memory_space<vmem>>)
      %add3A_215 = arith.addi %mul3A_2, %mul3A_132 : i32
      %add3A_216 = arith.constant 3 : i32
      %add3A_217 = arith.addi %add3A_215, %add3A_216 : i32
      %mul3A_218 = arith.constant 88 : i32
      %mul3A_219 = arith.muli %add3A_217, %mul3A_218 : i32
      %dma_start3A_220 = tpu.memref_slice %arg2[%mul3A_219] : memref<363264xi32, #tpu.memory_space<hbm>> -> memref<88xi32, #tpu.memory_space<hbm>>
      %dma_start3A_221 = tpu.memref_slice %arg2[%mul3A_219] : memref<363264xi32, #tpu.memory_space<hbm>> -> memref<88xi32, #tpu.memory_space<hbm>>
      tpu.enqueue_dma source(%dma_start3A_221 : memref<88xi32, #tpu.memory_space<hbm>>) target(%arg8 : memref<88xi32, #tpu.memory_space<vmem>>) target_semaphore(%arg19 : memref<!tpu.dma_semaphore, #tpu.memory_space<semaphore_mem>>)
      %scan3A_222 = arith.constant 0 : i32
      %scan3A_223 = arith.constant 0 : i32
      %scan3A_224 = arith.constant 48 : i32
      %scan3A_225 = arith.addi %scan3A_223, %scan3A_224 : i32
      %scan3A_226 = arith.constant 1 : i32
      %scan3A_227 = scf.for %scan3A_251 = %scan3A_223 to %scan3A_225 step %scan3A_226 iter_args(%scan3A_252 = %scan3A_222) -> (i32)  : i32 {
        %mul3A_253 = arith.constant 16 : i32
        %mul3A_254 = arith.muli %scan3A_251, %mul3A_253 : i32
        %get3A = arith.constant 0 : i32
        %get3A_255 = arith.index_cast %get3A : i32 to index
        %get3A_256 = arith.index_cast %mul3A_254 : i32 to index
        %get3A_257 = tpu.vector_load %arg10[%get3A_255, %get3A_256] {strides = array<i32>} : memref<72x768xf32, #tpu.memory_space<vmem>>, vector<1x16xf32>,
        %get3A_258 = vector.shape_cast %get3A_257 : vector<1x16xf32> to vector<16xf32>
        %get3A_259 = arith.constant 9 : i32
        %get3A_260 = arith.index_cast %get3A_259 : i32 to index
        %get3A_261 = arith.index_cast %mul3A_254 : i32 to index
        %get3A_262 = tpu.vector_load %arg10[%get3A_260, %get3A_261] {strides = array<i32>} : memref<72x768xf32, #tpu.memory_space<vmem>>, vector<1x16xf32>,
        %get3A_263 = vector.shape_cast %get3A_262 : vector<1x16xf32> to vector<16xf32>
        %get3A_264 = arith.constant 18 : i32
        %get3A_265 = arith.index_cast %get3A_264 : i32 to index
        %get3A_266 = arith.index_cast %mul3A_254 : i32 to index
        %get3A_267 = tpu.vector_load %arg10[%get3A_265, %get3A_266] {strides = array<i32>} : memref<72x768xf32, #tpu.memory_space<vmem>>, vector<1x16xf32>,
        %get3A_268 = vector.shape_cast %get3A_267 : vector<1x16xf32> to vector<16xf32>
        %get3A_269 = arith.constant 27 : i32
        %get3A_270 = arith.index_cast %get3A_269 : i32 to index
        %get3A_271 = arith.index_cast %mul3A_254 : i32 to index
        %get3A_272 = tpu.vector_load %arg10[%get3A_270, %get3A_271] {strides = array<i32>} : memref<72x768xf32, #tpu.memory_space<vmem>>, vector<1x16xf32>,
        %get3A_273 = vector.shape_cast %get3A_272 : vector<1x16xf32> to vector<16xf32>
        %get3A_274 = arith.constant 36 : i32
        %get3A_275 = arith.index_cast %get3A_274 : i32 to index
        %get3A_276 = arith.index_cast %mul3A_254 : i32 to index
        %get3A_277 = tpu.vector_load %arg10[%get3A_275, %get3A_276] {strides = array<i32>} : memref<72x768xf32, #tpu.memory_space<vmem>>, vector<1x16xf32>,
        %get3A_278 = vector.shape_cast %get3A_277 : vector<1x16xf32> to vector<16xf32>
        %get3A_279 = arith.constant 45 : i32
        %get3A_280 = arith.index_cast %get3A_279 : i32 to index
        %get3A_281 = arith.index_cast %mul3A_254 : i32 to index
        %get3A_282 = tpu.vector_load %arg10[%get3A_280, %get3A_281] {strides = array<i32>} : memref<72x768xf32, #tpu.memory_space<vmem>>, vector<1x16xf32>,
        %get3A_283 = vector.shape_cast %get3A_282 : vector<1x16xf32> to vector<16xf32>
        %get3A_284 = arith.constant 54 : i32
        %get3A_285 = arith.index_cast %get3A_284 : i32 to index
        %get3A_286 = arith.index_cast %mul3A_254 : i32 to index
        %get3A_287 = tpu.vector_load %arg10[%get3A_285, %get3A_286] {strides = array<i32>} : memref<72x768xf32, #tpu.memory_space<vmem>>, vector<1x16xf32>,
        %get3A_288 = vector.shape_cast %get3A_287 : vector<1x16xf32> to vector<16xf32>
        %get3A_289 = arith.constant 63 : i32
        %get3A_290 = arith.index_cast %get3A_289 : i32 to index
        %get3A_291 = arith.index_cast %mul3A_254 : i32 to index
        %get3A_292 = tpu.vector_load %arg10[%get3A_290, %get3A_291] {strides = array<i32>} : memref<72x768xf32, #tpu.memory_space<vmem>>, vector<1x16xf32>,
        %get3A_293 = vector.shape_cast %get3A_292 : vector<1x16xf32> to vector<16xf32>
        %get3A_294 = arith.constant 1 : i32
        %get3A_295 = arith.index_cast %get3A_294 : i32 to index
        %get3A_296 = arith.index_cast %mul3A_254 : i32 to index
        %get3A_297 = tpu.vector_load %arg10[%get3A_295, %get3A_296] {strides = array<i32>} : memref<72x768xf32, #tpu.memory_space<vmem>>, vector<1x16xf32>,
        %get3A_298 = vector.shape_cast %get3A_297 : vector<1x16xf32> to vector<16xf32>
        %add3A_299 = arith.addf %get3A_258, %get3A_298 : vector<16xf32>
        %get3A_300 = arith.constant 10 : i32
        %get3A_301 = arith.index_cast %get3A_300 : i32 to index
        %get3A_302 = arith.index_cast %mul3A_254 : i32 to index
        %get3A_303 = tpu.vector_load %arg10[%get3A_301, %get3A_302] {strides = array<i32>} : memref<72x768xf32, #tpu.memory_space<vmem>>, vector<1x16xf32>,
        %get3A_304 = vector.shape_cast %get3A_303 : vector<1x16xf32> to vector<16xf32>
        %add3A_305 = arith.addf %get3A_263, %get3A_304 : vector<16xf32>
        %get3A_306 = arith.constant 19 : i32
        %get3A_307 = arith.index_cast %get3A_306 : i32 to index
        %get3A_308 = arith.index_cast %mul3A_254 : i32 to index
        %get3A_309 = tpu.vector_load %arg10[%get3A_307, %get3A_308] {strides = array<i32>} : memref<72x768xf32, #tpu.memory_space<vmem>>, vector<1x16xf32>,
        %get3A_310 = vector.shape_cast %get3A_309 : vector<1x16xf32> to vector<16xf32>
        %add3A_311 = arith.addf %get3A_268, %get3A_310 : vector<16xf32>
        %get3A_312 = arith.constant 28 : i32
        %get3A_313 = arith.index_cast %get3A_312 : i32 to index
        %get3A_314 = arith.index_cast %mul3A_254 : i32 to index
        %get3A_315 = tpu.vector_load %arg10[%get3A_313, %get3A_314] {strides = array<i32>} : memref<72x768xf32, #tpu.memory_space<vmem>>, vector<1x16xf32>,
        %get3A_316 = vector.shape_cast %get3A_315 : vector<1x16xf32> to vector<16xf32>
        %add3A_317 = arith.addf %get3A_273, %get3A_316 : vector<16xf32>
        %get3A_318 = arith.constant 37 : i32
        %get3A_319 = arith.index_cast %get3A_318 : i32 to index
        %get3A_320 = arith.index_cast %mul3A_254 : i32 to index
        %get3A_321 = tpu.vector_load %arg10[%get3A_319, %get3A_320] {strides = array<i32>} : memref<72x768xf32, #tpu.memory_space<vmem>>, vector<1x16xf32>,
        %get3A_322 = vector.shape_cast %get3A_321 : vector<1x16xf32> to vector<16xf32>
        %add3A_323 = arith.addf %get3A_278, %get3A_322 : vector<16xf32>
        %get3A_324 = arith.constant 46 : i32
        %get3A_325 = arith.index_cast %get3A_324 : i32 to index
        %get3A_326 = arith.index_cast %mul3A_254 : i32 to index
        %get3A_327 = tpu.vector_load %arg10[%get3A_325, %get3A_326] {strides = array<i32>} : memref<72x768xf32, #tpu.memory_space<vmem>>, vector<1x16xf32>,
        %get3A_328 = vector.shape_cast %get3A_327 : vector<1x16xf32> to vector<16xf32>
        %add3A_329 = arith.addf %get3A_283, %get3A_328 : vector<16xf32>
        %get3A_330 = arith.constant 55 : i32
        %get3A_331 = arith.index_cast %get3A_330 : i32 to index
        %get3A_332 = arith.index_cast %mul3A_254 : i32 to index
        %get3A_333 = tpu.vector_load %arg10[%get3A_331, %get3A_332] {strides = array<i32>} : memref<72x768xf32, #tpu.memory_space<vmem>>, vector<1x16xf32>,
        %get3A_334 = vector.shape_cast %get3A_333 : vector<1x16xf32> to vector<16xf32>
        %add3A_335 = arith.addf %get3A_288, %get3A_334 : vector<16xf32>
        %get3A_336 = arith.constant 64 : i32
        %get3A_337 = arith.index_cast %get3A_336 : i32 to index
        %get3A_338 = arith.index_cast %mul3A_254 : i32 to index
        %get3A_339 = tpu.vector_load %arg10[%get3A_337, %get3A_338] {strides = array<i32>} : memref<72x768xf32, #tpu.memory_space<vmem>>, vector<1x16xf32>,
        %get3A_340 = vector.shape_cast %get3A_339 : vector<1x16xf32> to vector<16xf32>
        %add3A_341 = arith.addf %get3A_293, %get3A_340 : vector<16xf32>
        %get3A_342 = arith.constant 2 : i32
        %get3A_343 = arith.index_cast %get3A_342 : i32 to index
        %get3A_344 = arith.index_cast %mul3A_254 : i32 to index
        %get3A_345 = tpu.vector_load %arg10[%get3A_343, %get3A_344] {strides = array<i32>} : memref<72x768xf32, #tpu.memory_space<vmem>>, vector<1x16xf32>,
        %get3A_346 = vector.shape_cast %get3A_345 : vector<1x16xf32> to vector<16xf32>
        %add3A_347 = arith.addf %add3A_299, %get3A_346 : vector<16xf32>
        %get3A_348 = arith.constant 11 : i32
        %get3A_349 = arith.index_cast %get3A_348 : i32 to index
        %get3A_350 = arith.index_cast %mul3A_254 : i32 to index
        %get3A_351 = tpu.vector_load %arg10[%get3A_349, %get3A_350] {strides = array<i32>} : memref<72x768xf32, #tpu.memory_space<vmem>>, vector<1x16xf32>,
        %get3A_352 = vector.shape_cast %get3A_351 : vector<1x16xf32> to vector<16xf32>
        %add3A_353 = arith.addf %add3A_305, %get3A_352 : vector<16xf32>
        %get3A_354 = arith.constant 20 : i32
        %get3A_355 = arith.index_cast %get3A_354 : i32 to index
        %get3A_356 = arith.index_cast %mul3A_254 : i32 to index
        %get3A_357 = tpu.vector_load %arg10[%get3A_355, %get3A_356] {strides = array<i32>} : memref<72x768xf32, #tpu.memory_space<vmem>>, vector<1x16xf32>,
        %get3A_358 = vector.shape_cast %get3A_357 : vector<1x16xf32> to vector<16xf32>
        %add3A_359 = arith.addf %add3A_311, %get3A_358 : vector<16xf32>
        %get3A_360 = arith.constant 29 : i32
        %get3A_361 = arith.index_cast %get3A_360 : i32 to index
        %get3A_362 = arith.index_cast %mul3A_254 : i32 to index
        %get3A_363 = tpu.vector_load %arg10[%get3A_361, %get3A_362] {strides = array<i32>} : memref<72x768xf32, #tpu.memory_space<vmem>>, vector<1x16xf32>,
        %get3A_364 = vector.shape_cast %get3A_363 : vector<1x16xf32> to vector<16xf32>
        %add3A_365 = arith.addf %add3A_317, %get3A_364 : vector<16xf32>
        %get3A_366 = arith.constant 38 : i32
        %get3A_367 = arith.index_cast %get3A_366 : i32 to index
        %get3A_368 = arith.index_cast %mul3A_254 : i32 to index
        %get3A_369 = tpu.vector_load %arg10[%get3A_367, %get3A_368] {strides = array<i32>} : memref<72x768xf32, #tpu.memory_space<vmem>>, vector<1x16xf32>,
        %get3A_370 = vector.shape_cast %get3A_369 : vector<1x16xf32> to vector<16xf32>
        %add3A_371 = arith.addf %add3A_323, %get3A_370 : vector<16xf32>
        %get3A_372 = arith.constant 47 : i32
        %get3A_373 = arith.index_cast %get3A_372 : i32 to index
        %get3A_374 = arith.index_cast %mul3A_254 : i32 to index
        %get3A_375 = tpu.vector_load %arg10[%get3A_373, %get3A_374] {strides = array<i32>} : memref<72x768xf32, #tpu.memory_space<vmem>>, vector<1x16xf32>,
        %get3A_376 = vector.shape_cast %get3A_375 : vector<1x16xf32> to vector<16xf32>
        %add3A_377 = arith.addf %add3A_329, %get3A_376 : vector<16xf32>
        %get3A_378 = arith.constant 56 : i32
        %get3A_379 = arith.index_cast %get3A_378 : i32 to index
        %get3A_380 = arith.index_cast %mul3A_254 : i32 to index
        %get3A_381 = tpu.vector_load %arg10[%get3A_379, %get3A_380] {strides = array<i32>} : memref<72x768xf32, #tpu.memory_space<vmem>>, vector<1x16xf32>,
        %get3A_382 = vector.shape_cast %get3A_381 : vector<1x16xf32> to vector<16xf32>
        %add3A_383 = arith.addf %add3A_335, %get3A_382 : vector<16xf32>
        %get3A_384 = arith.constant 65 : i32
        %get3A_385 = arith.index_cast %get3A_384 : i32 to index
        %get3A_386 = arith.index_cast %mul3A_254 : i32 to index
        %get3A_387 = tpu.vector_load %arg10[%get3A_385, %get3A_386] {strides = array<i32>} : memref<72x768xf32, #tpu.memory_space<vmem>>, vector<1x16xf32>,
        %get3A_388 = vector.shape_cast %get3A_387 : vector<1x16xf32> to vector<16xf32>
        %add3A_389 = arith.addf %add3A_341, %get3A_388 : vector<16xf32>
        %get3A_390 = arith.constant 3 : i32
        %get3A_391 = arith.index_cast %get3A_390 : i32 to index
        %get3A_392 = arith.index_cast %mul3A_254 : i32 to index
        %get3A_393 = tpu.vector_load %arg10[%get3A_391, %get3A_392] {strides = array<i32>} : memref<72x768xf32, #tpu.memory_space<vmem>>, vector<1x16xf32>,
        %get3A_394 = vector.shape_cast %get3A_393 : vector<1x16xf32> to vector<16xf32>
        %add3A_395 = arith.addf %add3A_347, %get3A_394 : vector<16xf32>
        %get3A_396 = arith.constant 12 : i32
        %get3A_397 = arith.index_cast %get3A_396 : i32 to index
        %get3A_398 = arith.index_cast %mul3A_254 : i32 to index
        %get3A_399 = tpu.vector_load %arg10[%get3A_397, %get3A_398] {strides = array<i32>} : memref<72x768xf32, #tpu.memory_space<vmem>>, vector<1x16xf32>,
        %get3A_400 = vector.shape_cast %get3A_399 : vector<1x16xf32> to vector<16xf32>
        %add3A_401 = arith.addf %add3A_353, %get3A_400 : vector<16xf32>
        %get3A_402 = arith.constant 21 : i32
        %get3A_403 = arith.index_cast %get3A_402 : i32 to index
        %get3A_404 = arith.index_cast %mul3A_254 : i32 to index
        %get3A_405 = tpu.vector_load %arg10[%get3A_403, %get3A_404] {strides = array<i32>} : memref<72x768xf32, #tpu.memory_space<vmem>>, vector<1x16xf32>,
        %get3A_406 = vector.shape_cast %get3A_405 : vector<1x16xf32> to vector<16xf32>
        %add3A_407 = arith.addf %add3A_359, %get3A_406 : vector<16xf32>
        %get3A_408 = arith.constant 30 : i32
        %get3A_409 = arith.index_cast %get3A_408 : i32 to index
        %get3A_410 = arith.index_cast %mul3A_254 : i32 to index
        %get3A_411 = tpu.vector_load %arg10[%get3A_409, %get3A_410] {strides = array<i32>} : memref<72x768xf32, #tpu.memory_space<vmem>>, vector<1x16xf32>,
        %get3A_412 = vector.shape_cast %get3A_411 : vector<1x16xf32> to vector<16xf32>
        %add3A_413 = arith.addf %add3A_365, %get3A_412 : vector<16xf32>
        %get3A_414 = arith.constant 39 : i32
        %get3A_415 = arith.index_cast %get3A_414 : i32 to index
        %get3A_416 = arith.index_cast %mul3A_254 : i32 to index
        %get3A_417 = tpu.vector_load %arg10[%get3A_415, %get3A_416] {strides = array<i32>} : memref<72x768xf32, #tpu.memory_space<vmem>>, vector<1x16xf32>,
        %get3A_418 = vector.shape_cast %get3A_417 : vector<1x16xf32> to vector<16xf32>
        %add3A_419 = arith.addf %add3A_371, %get3A_418 : vector<16xf32>
        %get3A_420 = arith.constant 48 : i32
        %get3A_421 = arith.index_cast %get3A_420 : i32 to index
        %get3A_422 = arith.index_cast %mul3A_254 : i32 to index
        %get3A_423 = tpu.vector_load %arg10[%get3A_421, %get3A_422] {strides = array<i32>} : memref<72x768xf32, #tpu.memory_space<vmem>>, vector<1x16xf32>,
        %get3A_424 = vector.shape_cast %get3A_423 : vector<1x16xf32> to vector<16xf32>
        %add3A_425 = arith.addf %add3A_377, %get3A_424 : vector<16xf32>
        %get3A_426 = arith.constant 57 : i32
        %get3A_427 = arith.index_cast %get3A_426 : i32 to index
        %get3A_428 = arith.index_cast %mul3A_254 : i32 to index
        %get3A_429 = tpu.vector_load %arg10[%get3A_427, %get3A_428] {strides = array<i32>} : memref<72x768xf32, #tpu.memory_space<vmem>>, vector<1x16xf32>,
        %get3A_430 = vector.shape_cast %get3A_429 : vector<1x16xf32> to vector<16xf32>
        %add3A_431 = arith.addf %add3A_383, %get3A_430 : vector<16xf32>
        %get3A_432 = arith.constant 66 : i32
        %get3A_433 = arith.index_cast %get3A_432 : i32 to index
        %get3A_434 = arith.index_cast %mul3A_254 : i32 to index
        %get3A_435 = tpu.vector_load %arg10[%get3A_433, %get3A_434] {strides = array<i32>} : memref<72x768xf32, #tpu.memory_space<vmem>>, vector<1x16xf32>,
        %get3A_436 = vector.shape_cast %get3A_435 : vector<1x16xf32> to vector<16xf32>
        %add3A_437 = arith.addf %add3A_389, %get3A_436 : vector<16xf32>
        %get3A_438 = arith.constant 4 : i32
        %get3A_439 = arith.index_cast %get3A_438 : i32 to index
        %get3A_440 = arith.index_cast %mul3A_254 : i32 to index
        %get3A_441 = tpu.vector_load %arg10[%get3A_439, %get3A_440] {strides = array<i32>} : memref<72x768xf32, #tpu.memory_space<vmem>>, vector<1x16xf32>,
        %get3A_442 = vector.shape_cast %get3A_441 : vector<1x16xf32> to vector<16xf32>
        %add3A_443 = arith.addf %add3A_395, %get3A_442 : vector<16xf32>
        %get3A_444 = arith.constant 13 : i32
        %get3A_445 = arith.index_cast %get3A_444 : i32 to index
        %get3A_446 = arith.index_cast %mul3A_254 : i32 to index
        %get3A_447 = tpu.vector_load %arg10[%get3A_445, %get3A_446] {strides = array<i32>} : memref<72x768xf32, #tpu.memory_space<vmem>>, vector<1x16xf32>,
        %get3A_448 = vector.shape_cast %get3A_447 : vector<1x16xf32> to vector<16xf32>
        %add3A_449 = arith.addf %add3A_401, %get3A_448 : vector<16xf32>
        %get3A_450 = arith.constant 22 : i32
        %get3A_451 = arith.index_cast %get3A_450 : i32 to index
        %get3A_452 = arith.index_cast %mul3A_254 : i32 to index
        %get3A_453 = tpu.vector_load %arg10[%get3A_451, %get3A_452] {strides = array<i32>} : memref<72x768xf32, #tpu.memory_space<vmem>>, vector<1x16xf32>,
        %get3A_454 = vector.shape_cast %get3A_453 : vector<1x16xf32> to vector<16xf32>
        %add3A_455 = arith.addf %add3A_407, %get3A_454 : vector<16xf32>
        %get3A_456 = arith.constant 31 : i32
        %get3A_457 = arith.index_cast %get3A_456 : i32 to index
        %get3A_458 = arith.index_cast %mul3A_254 : i32 to index
        %get3A_459 = tpu.vector_load %arg10[%get3A_457, %get3A_458] {strides = array<i32>} : memref<72x768xf32, #tpu.memory_space<vmem>>, vector<1x16xf32>,
        %get3A_460 = vector.shape_cast %get3A_459 : vector<1x16xf32> to vector<16xf32>
        %add3A_461 = arith.addf %add3A_413, %get3A_460 : vector<16xf32>
        %get3A_462 = arith.constant 40 : i32
        %get3A_463 = arith.index_cast %get3A_462 : i32 to index
        %get3A_464 = arith.index_cast %mul3A_254 : i32 to index
        %get3A_465 = tpu.vector_load %arg10[%get3A_463, %get3A_464] {strides = array<i32>} : memref<72x768xf32, #tpu.memory_space<vmem>>, vector<1x16xf32>,
        %get3A_466 = vector.shape_cast %get3A_465 : vector<1x16xf32> to vector<16xf32>
        %add3A_467 = arith.addf %add3A_419, %get3A_466 : vector<16xf32>
        %get3A_468 = arith.constant 49 : i32
        %get3A_469 = arith.index_cast %get3A_468 : i32 to index
        %get3A_470 = arith.index_cast %mul3A_254 : i32 to index
        %get3A_471 = tpu.vector_load %arg10[%get3A_469, %get3A_470] {strides = array<i32>} : memref<72x768xf32, #tpu.memory_space<vmem>>, vector<1x16xf32>,
        %get3A_472 = vector.shape_cast %get3A_471 : vector<1x16xf32> to vector<16xf32>
        %add3A_473 = arith.addf %add3A_425, %get3A_472 : vector<16xf32>
        %get3A_474 = arith.constant 58 : i32
        %get3A_475 = arith.index_cast %get3A_474 : i32 to index
        %get3A_476 = arith.index_cast %mul3A_254 : i32 to index
        %get3A_477 = tpu.vector_load %arg10[%get3A_475, %get3A_476] {strides = array<i32>} : memref<72x768xf32, #tpu.memory_space<vmem>>, vector<1x16xf32>,
        %get3A_478 = vector.shape_cast %get3A_477 : vector<1x16xf32> to vector<16xf32>
        %add3A_479 = arith.addf %add3A_431, %get3A_478 : vector<16xf32>
        %get3A_480 = arith.constant 67 : i32
        %get3A_481 = arith.index_cast %get3A_480 : i32 to index
        %get3A_482 = arith.index_cast %mul3A_254 : i32 to index
        %get3A_483 = tpu.vector_load %arg10[%get3A_481, %get3A_482] {strides = array<i32>} : memref<72x768xf32, #tpu.memory_space<vmem>>, vector<1x16xf32>,
        %get3A_484 = vector.shape_cast %get3A_483 : vector<1x16xf32> to vector<16xf32>
        %add3A_485 = arith.addf %add3A_437, %get3A_484 : vector<16xf32>
        %get3A_486 = arith.constant 5 : i32
        %get3A_487 = arith.index_cast %get3A_486 : i32 to index
        %get3A_488 = arith.index_cast %mul3A_254 : i32 to index
        %get3A_489 = tpu.vector_load %arg10[%get3A_487, %get3A_488] {strides = array<i32>} : memref<72x768xf32, #tpu.memory_space<vmem>>, vector<1x16xf32>,
        %get3A_490 = vector.shape_cast %get3A_489 : vector<1x16xf32> to vector<16xf32>
        %add3A_491 = arith.addf %add3A_443, %get3A_490 : vector<16xf32>
        %get3A_492 = arith.constant 14 : i32
        %get3A_493 = arith.index_cast %get3A_492 : i32 to index
        %get3A_494 = arith.index_cast %mul3A_254 : i32 to index
        %get3A_495 = tpu.vector_load %arg10[%get3A_493, %get3A_494] {strides = array<i32>} : memref<72x768xf32, #tpu.memory_space<vmem>>, vector<1x16xf32>,
        %get3A_496 = vector.shape_cast %get3A_495 : vector<1x16xf32> to vector<16xf32>
        %add3A_497 = arith.addf %add3A_449, %get3A_496 : vector<16xf32>
        %get3A_498 = arith.constant 23 : i32
        %get3A_499 = arith.index_cast %get3A_498 : i32 to index
        %get3A_500 = arith.index_cast %mul3A_254 : i32 to index
        %get3A_501 = tpu.vector_load %arg10[%get3A_499, %get3A_500] {strides = array<i32>} : memref<72x768xf32, #tpu.memory_space<vmem>>, vector<1x16xf32>,
        %get3A_502 = vector.shape_cast %get3A_501 : vector<1x16xf32> to vector<16xf32>
        %add3A_503 = arith.addf %add3A_455, %get3A_502 : vector<16xf32>
        %get3A_504 = arith.constant 32 : i32
        %get3A_505 = arith.index_cast %get3A_504 : i32 to index
        %get3A_506 = arith.index_cast %mul3A_254 : i32 to index
        %get3A_507 = tpu.vector_load %arg10[%get3A_505, %get3A_506] {strides = array<i32>} : memref<72x768xf32, #tpu.memory_space<vmem>>, vector<1x16xf32>,
        %get3A_508 = vector.shape_cast %get3A_507 : vector<1x16xf32> to vector<16xf32>
        %add3A_509 = arith.addf %add3A_461, %get3A_508 : vector<16xf32>
        %get3A_510 = arith.constant 41 : i32
        %get3A_511 = arith.index_cast %get3A_510 : i32 to index
        %get3A_512 = arith.index_cast %mul3A_254 : i32 to index
        %get3A_513 = tpu.vector_load %arg10[%get3A_511, %get3A_512] {strides = array<i32>} : memref<72x768xf32, #tpu.memory_space<vmem>>, vector<1x16xf32>,
        %get3A_514 = vector.shape_cast %get3A_513 : vector<1x16xf32> to vector<16xf32>
        %add3A_515 = arith.addf %add3A_467, %get3A_514 : vector<16xf32>
        %get3A_516 = arith.constant 50 : i32
        %get3A_517 = arith.index_cast %get3A_516 : i32 to index
        %get3A_518 = arith.index_cast %mul3A_254 : i32 to index
        %get3A_519 = tpu.vector_load %arg10[%get3A_517, %get3A_518] {strides = array<i32>} : memref<72x768xf32, #tpu.memory_space<vmem>>, vector<1x16xf32>,
        %get3A_520 = vector.shape_cast %get3A_519 : vector<1x16xf32> to vector<16xf32>
        %add3A_521 = arith.addf %add3A_473, %get3A_520 : vector<16xf32>
        %get3A_522 = arith.constant 59 : i32
        %get3A_523 = arith.index_cast %get3A_522 : i32 to index
        %get3A_524 = arith.index_cast %mul3A_254 : i32 to index
        %get3A_525 = tpu.vector_load %arg10[%get3A_523, %get3A_524] {strides = array<i32>} : memref<72x768xf32, #tpu.memory_space<vmem>>, vector<1x16xf32>,
        %get3A_526 = vector.shape_cast %get3A_525 : vector<1x16xf32> to vector<16xf32>
        %add3A_527 = arith.addf %add3A_479, %get3A_526 : vector<16xf32>
        %get3A_528 = arith.constant 68 : i32
        %get3A_529 = arith.index_cast %get3A_528 : i32 to index
        %get3A_530 = arith.index_cast %mul3A_254 : i32 to index
        %get3A_531 = tpu.vector_load %arg10[%get3A_529, %get3A_530] {strides = array<i32>} : memref<72x768xf32, #tpu.memory_space<vmem>>, vector<1x16xf32>,
        %get3A_532 = vector.shape_cast %get3A_531 : vector<1x16xf32> to vector<16xf32>
        %add3A_533 = arith.addf %add3A_485, %get3A_532 : vector<16xf32>
        %get3A_534 = arith.constant 6 : i32
        %get3A_535 = arith.index_cast %get3A_534 : i32 to index
        %get3A_536 = arith.index_cast %mul3A_254 : i32 to index
        %get3A_537 = tpu.vector_load %arg10[%get3A_535, %get3A_536] {strides = array<i32>} : memref<72x768xf32, #tpu.memory_space<vmem>>, vector<1x16xf32>,
        %get3A_538 = vector.shape_cast %get3A_537 : vector<1x16xf32> to vector<16xf32>
        %add3A_539 = arith.addf %add3A_491, %get3A_538 : vector<16xf32>
        %get3A_540 = arith.constant 15 : i32
        %get3A_541 = arith.index_cast %get3A_540 : i32 to index
        %get3A_542 = arith.index_cast %mul3A_254 : i32 to index
        %get3A_543 = tpu.vector_load %arg10[%get3A_541, %get3A_542] {strides = array<i32>} : memref<72x768xf32, #tpu.memory_space<vmem>>, vector<1x16xf32>,
        %get3A_544 = vector.shape_cast %get3A_543 : vector<1x16xf32> to vector<16xf32>
        %add3A_545 = arith.addf %add3A_497, %get3A_544 : vector<16xf32>
        %get3A_546 = arith.constant 24 : i32
        %get3A_547 = arith.index_cast %get3A_546 : i32 to index
        %get3A_548 = arith.index_cast %mul3A_254 : i32 to index
        %get3A_549 = tpu.vector_load %arg10[%get3A_547, %get3A_548] {strides = array<i32>} : memref<72x768xf32, #tpu.memory_space<vmem>>, vector<1x16xf32>,
        %get3A_550 = vector.shape_cast %get3A_549 : vector<1x16xf32> to vector<16xf32>
        %add3A_551 = arith.addf %add3A_503, %get3A_550 : vector<16xf32>
        %get3A_552 = arith.constant 33 : i32
        %get3A_553 = arith.index_cast %get3A_552 : i32 to index
        %get3A_554 = arith.index_cast %mul3A_254 : i32 to index
        %get3A_555 = tpu.vector_load %arg10[%get3A_553, %get3A_554] {strides = array<i32>} : memref<72x768xf32, #tpu.memory_space<vmem>>, vector<1x16xf32>,
        %get3A_556 = vector.shape_cast %get3A_555 : vector<1x16xf32> to vector<16xf32>
        %add3A_557 = arith.addf %add3A_509, %get3A_556 : vector<16xf32>
        %get3A_558 = arith.constant 42 : i32
        %get3A_559 = arith.index_cast %get3A_558 : i32 to index
        %get3A_560 = arith.index_cast %mul3A_254 : i32 to index
        %get3A_561 = tpu.vector_load %arg10[%get3A_559, %get3A_560] {strides = array<i32>} : memref<72x768xf32, #tpu.memory_space<vmem>>, vector<1x16xf32>,
        %get3A_562 = vector.shape_cast %get3A_561 : vector<1x16xf32> to vector<16xf32>
        %add3A_563 = arith.addf %add3A_515, %get3A_562 : vector<16xf32>
        %get3A_564 = arith.constant 51 : i32
        %get3A_565 = arith.index_cast %get3A_564 : i32 to index
        %get3A_566 = arith.index_cast %mul3A_254 : i32 to index
        %get3A_567 = tpu.vector_load %arg10[%get3A_565, %get3A_566] {strides = array<i32>} : memref<72x768xf32, #tpu.memory_space<vmem>>, vector<1x16xf32>,
        %get3A_568 = vector.shape_cast %get3A_567 : vector<1x16xf32> to vector<16xf32>
        %add3A_569 = arith.addf %add3A_521, %get3A_568 : vector<16xf32>
        %get3A_570 = arith.constant 60 : i32
        %get3A_571 = arith.index_cast %get3A_570 : i32 to index
        %get3A_572 = arith.index_cast %mul3A_254 : i32 to index
        %get3A_573 = tpu.vector_load %arg10[%get3A_571, %get3A_572] {strides = array<i32>} : memref<72x768xf32, #tpu.memory_space<vmem>>, vector<1x16xf32>,
        %get3A_574 = vector.shape_cast %get3A_573 : vector<1x16xf32> to vector<16xf32>
        %add3A_575 = arith.addf %add3A_527, %get3A_574 : vector<16xf32>
        %get3A_576 = arith.constant 69 : i32
        %get3A_577 = arith.index_cast %get3A_576 : i32 to index
        %get3A_578 = arith.index_cast %mul3A_254 : i32 to index
        %get3A_579 = tpu.vector_load %arg10[%get3A_577, %get3A_578] {strides = array<i32>} : memref<72x768xf32, #tpu.memory_space<vmem>>, vector<1x16xf32>,
        %get3A_580 = vector.shape_cast %get3A_579 : vector<1x16xf32> to vector<16xf32>
        %add3A_581 = arith.addf %add3A_533, %get3A_580 : vector<16xf32>
        %get3A_582 = arith.constant 7 : i32
        %get3A_583 = arith.index_cast %get3A_582 : i32 to index
        %get3A_584 = arith.index_cast %mul3A_254 : i32 to index
        %get3A_585 = tpu.vector_load %arg10[%get3A_583, %get3A_584] {strides = array<i32>} : memref<72x768xf32, #tpu.memory_space<vmem>>, vector<1x16xf32>,
        %get3A_586 = vector.shape_cast %get3A_585 : vector<1x16xf32> to vector<16xf32>
        %add3A_587 = arith.addf %add3A_539, %get3A_586 : vector<16xf32>
        %get3A_588 = arith.constant 16 : i32
        %get3A_589 = arith.index_cast %get3A_588 : i32 to index
        %get3A_590 = arith.index_cast %mul3A_254 : i32 to index
        %get3A_591 = tpu.vector_load %arg10[%get3A_589, %get3A_590] {strides = array<i32>} : memref<72x768xf32, #tpu.memory_space<vmem>>, vector<1x16xf32>,
        %get3A_592 = vector.shape_cast %get3A_591 : vector<1x16xf32> to vector<16xf32>
        %add3A_593 = arith.addf %add3A_545, %get3A_592 : vector<16xf32>
        %get3A_594 = arith.constant 25 : i32
        %get3A_595 = arith.index_cast %get3A_594 : i32 to index
        %get3A_596 = arith.index_cast %mul3A_254 : i32 to index
        %get3A_597 = tpu.vector_load %arg10[%get3A_595, %get3A_596] {strides = array<i32>} : memref<72x768xf32, #tpu.memory_space<vmem>>, vector<1x16xf32>,
        %get3A_598 = vector.shape_cast %get3A_597 : vector<1x16xf32> to vector<16xf32>
        %add3A_599 = arith.addf %add3A_551, %get3A_598 : vector<16xf32>
        %get3A_600 = arith.constant 34 : i32
        %get3A_601 = arith.index_cast %get3A_600 : i32 to index
        %get3A_602 = arith.index_cast %mul3A_254 : i32 to index
        %get3A_603 = tpu.vector_load %arg10[%get3A_601, %get3A_602] {strides = array<i32>} : memref<72x768xf32, #tpu.memory_space<vmem>>, vector<1x16xf32>,
        %get3A_604 = vector.shape_cast %get3A_603 : vector<1x16xf32> to vector<16xf32>
        %add3A_605 = arith.addf %add3A_557, %get3A_604 : vector<16xf32>
        %get3A_606 = arith.constant 43 : i32
        %get3A_607 = arith.index_cast %get3A_606 : i32 to index
        %get3A_608 = arith.index_cast %mul3A_254 : i32 to index
        %get3A_609 = tpu.vector_load %arg10[%get3A_607, %get3A_608] {strides = array<i32>} : memref<72x768xf32, #tpu.memory_space<vmem>>, vector<1x16xf32>,
        %get3A_610 = vector.shape_cast %get3A_609 : vector<1x16xf32> to vector<16xf32>
        %add3A_611 = arith.addf %add3A_563, %get3A_610 : vector<16xf32>
        %get3A_612 = arith.constant 52 : i32
        %get3A_613 = arith.index_cast %get3A_612 : i32 to index
        %get3A_614 = arith.index_cast %mul3A_254 : i32 to index
        %get3A_615 = tpu.vector_load %arg10[%get3A_613, %get3A_614] {strides = array<i32>} : memref<72x768xf32, #tpu.memory_space<vmem>>, vector<1x16xf32>,
        %get3A_616 = vector.shape_cast %get3A_615 : vector<1x16xf32> to vector<16xf32>
        %add3A_617 = arith.addf %add3A_569, %get3A_616 : vector<16xf32>
        %get3A_618 = arith.constant 61 : i32
        %get3A_619 = arith.index_cast %get3A_618 : i32 to index
        %get3A_620 = arith.index_cast %mul3A_254 : i32 to index
        %get3A_621 = tpu.vector_load %arg10[%get3A_619, %get3A_620] {strides = array<i32>} : memref<72x768xf32, #tpu.memory_space<vmem>>, vector<1x16xf32>,
        %get3A_622 = vector.shape_cast %get3A_621 : vector<1x16xf32> to vector<16xf32>
        %add3A_623 = arith.addf %add3A_575, %get3A_622 : vector<16xf32>
        %get3A_624 = arith.constant 70 : i32
        %get3A_625 = arith.index_cast %get3A_624 : i32 to index
        %get3A_626 = arith.index_cast %mul3A_254 : i32 to index
        %get3A_627 = tpu.vector_load %arg10[%get3A_625, %get3A_626] {strides = array<i32>} : memref<72x768xf32, #tpu.memory_space<vmem>>, vector<1x16xf32>,
        %get3A_628 = vector.shape_cast %get3A_627 : vector<1x16xf32> to vector<16xf32>
        %add3A_629 = arith.addf %add3A_581, %get3A_628 : vector<16xf32>
        %get3A_630 = arith.constant 8 : i32
        %get3A_631 = arith.index_cast %get3A_630 : i32 to index
        %get3A_632 = arith.index_cast %mul3A_254 : i32 to index
        %get3A_633 = tpu.vector_load %arg10[%get3A_631, %get3A_632] {strides = array<i32>} : memref<72x768xf32, #tpu.memory_space<vmem>>, vector<1x16xf32>,
        %get3A_634 = vector.shape_cast %get3A_633 : vector<1x16xf32> to vector<16xf32>
        %add3A_635 = arith.addf %add3A_587, %get3A_634 : vector<16xf32>
        %get3A_636 = arith.constant 17 : i32
        %get3A_637 = arith.index_cast %get3A_636 : i32 to index
        %get3A_638 = arith.index_cast %mul3A_254 : i32 to index
        %get3A_639 = tpu.vector_load %arg10[%get3A_637, %get3A_638] {strides = array<i32>} : memref<72x768xf32, #tpu.memory_space<vmem>>, vector<1x16xf32>,
        %get3A_640 = vector.shape_cast %get3A_639 : vector<1x16xf32> to vector<16xf32>
        %add3A_641 = arith.addf %add3A_593, %get3A_640 : vector<16xf32>
        %get3A_642 = arith.constant 26 : i32
        %get3A_643 = arith.index_cast %get3A_642 : i32 to index
        %get3A_644 = arith.index_cast %mul3A_254 : i32 to index
        %get3A_645 = tpu.vector_load %arg10[%get3A_643, %get3A_644] {strides = array<i32>} : memref<72x768xf32, #tpu.memory_space<vmem>>, vector<1x16xf32>,
        %get3A_646 = vector.shape_cast %get3A_645 : vector<1x16xf32> to vector<16xf32>
        %add3A_647 = arith.addf %add3A_599, %get3A_646 : vector<16xf32>
        %get3A_648 = arith.constant 35 : i32
        %get3A_649 = arith.index_cast %get3A_648 : i32 to index
        %get3A_650 = arith.index_cast %mul3A_254 : i32 to index
        %get3A_651 = tpu.vector_load %arg10[%get3A_649, %get3A_650] {strides = array<i32>} : memref<72x768xf32, #tpu.memory_space<vmem>>, vector<1x16xf32>,
        %get3A_652 = vector.shape_cast %get3A_651 : vector<1x16xf32> to vector<16xf32>
        %add3A_653 = arith.addf %add3A_605, %get3A_652 : vector<16xf32>
        %get3A_654 = arith.constant 44 : i32
        %get3A_655 = arith.index_cast %get3A_654 : i32 to index
        %get3A_656 = arith.index_cast %mul3A_254 : i32 to index
        %get3A_657 = tpu.vector_load %arg10[%get3A_655, %get3A_656] {strides = array<i32>} : memref<72x768xf32, #tpu.memory_space<vmem>>, vector<1x16xf32>,
        %get3A_658 = vector.shape_cast %get3A_657 : vector<1x16xf32> to vector<16xf32>
        %add3A_659 = arith.addf %add3A_611, %get3A_658 : vector<16xf32>
        %get3A_660 = arith.constant 53 : i32
        %get3A_661 = arith.index_cast %get3A_660 : i32 to index
        %get3A_662 = arith.index_cast %mul3A_254 : i32 to index
        %get3A_663 = tpu.vector_load %arg10[%get3A_661, %get3A_662] {strides = array<i32>} : memref<72x768xf32, #tpu.memory_space<vmem>>, vector<1x16xf32>,
        %get3A_664 = vector.shape_cast %get3A_663 : vector<1x16xf32> to vector<16xf32>
        %add3A_665 = arith.addf %add3A_617, %get3A_664 : vector<16xf32>
        %get3A_666 = arith.constant 62 : i32
        %get3A_667 = arith.index_cast %get3A_666 : i32 to index
        %get3A_668 = arith.index_cast %mul3A_254 : i32 to index
        %get3A_669 = tpu.vector_load %arg10[%get3A_667, %get3A_668] {strides = array<i32>} : memref<72x768xf32, #tpu.memory_space<vmem>>, vector<1x16xf32>,
        %get3A_670 = vector.shape_cast %get3A_669 : vector<1x16xf32> to vector<16xf32>
        %add3A_671 = arith.addf %add3A_623, %get3A_670 : vector<16xf32>
        %get3A_672 = arith.constant 71 : i32
        %get3A_673 = arith.index_cast %get3A_672 : i32 to index
        %get3A_674 = arith.index_cast %mul3A_254 : i32 to index
        %get3A_675 = tpu.vector_load %arg10[%get3A_673, %get3A_674] {strides = array<i32>} : memref<72x768xf32, #tpu.memory_space<vmem>>, vector<1x16xf32>,
        %get3A_676 = vector.shape_cast %get3A_675 : vector<1x16xf32> to vector<16xf32>
        %add3A_677 = arith.addf %add3A_629, %get3A_676 : vector<16xf32>
        %get3A_678 = arith.constant 0 : i32
        %get3A_679 = arith.index_cast %get3A_678 : i32 to index
        %get3A_680 = arith.index_cast %mul3A_254 : i32 to index
        %get3A_681 = tpu.vector_load %arg11[%get3A_679, %get3A_680] {strides = array<i32>} : memref<16x768xf32, #tpu.memory_space<vmem>>, vector<1x16xf32>,
        %get3A_682 = vector.shape_cast %get3A_681 : vector<1x16xf32> to vector<16xf32>
        %add3A_683 = arith.addf %add3A_635, %get3A_682 : vector<16xf32>
        %get3A_684 = arith.constant 1 : i32
        %get3A_685 = arith.index_cast %get3A_684 : i32 to index
        %get3A_686 = arith.index_cast %mul3A_254 : i32 to index
        %get3A_687 = tpu.vector_load %arg11[%get3A_685, %get3A_686] {strides = array<i32>} : memref<16x768xf32, #tpu.memory_space<vmem>>, vector<1x16xf32>,
        %get3A_688 = vector.shape_cast %get3A_687 : vector<1x16xf32> to vector<16xf32>
        %add3A_689 = arith.addf %add3A_641, %get3A_688 : vector<16xf32>
        %get3A_690 = arith.constant 2 : i32
        %get3A_691 = arith.index_cast %get3A_690 : i32 to index
        %get3A_692 = arith.index_cast %mul3A_254 : i32 to index
        %get3A_693 = tpu.vector_load %arg11[%get3A_691, %get3A_692] {strides = array<i32>} : memref<16x768xf32, #tpu.memory_space<vmem>>, vector<1x16xf32>,
        %get3A_694 = vector.shape_cast %get3A_693 : vector<1x16xf32> to vector<16xf32>
        %add3A_695 = arith.addf %add3A_647, %get3A_694 : vector<16xf32>
        %get3A_696 = arith.constant 3 : i32
        %get3A_697 = arith.index_cast %get3A_696 : i32 to index
        %get3A_698 = arith.index_cast %mul3A_254 : i32 to index
        %get3A_699 = tpu.vector_load %arg11[%get3A_697, %get3A_698] {strides = array<i32>} : memref<16x768xf32, #tpu.memory_space<vmem>>, vector<1x16xf32>,
        %get3A_700 = vector.shape_cast %get3A_699 : vector<1x16xf32> to vector<16xf32>
        %add3A_701 = arith.addf %add3A_653, %get3A_700 : vector<16xf32>
        %get3A_702 = arith.constant 4 : i32
        %get3A_703 = arith.index_cast %get3A_702 : i32 to index
        %get3A_704 = arith.index_cast %mul3A_254 : i32 to index
        %get3A_705 = tpu.vector_load %arg11[%get3A_703, %get3A_704] {strides = array<i32>} : memref<16x768xf32, #tpu.memory_space<vmem>>, vector<1x16xf32>,
        %get3A_706 = vector.shape_cast %get3A_705 : vector<1x16xf32> to vector<16xf32>
        %add3A_707 = arith.addf %add3A_659, %get3A_706 : vector<16xf32>
        %get3A_708 = arith.constant 5 : i32
        %get3A_709 = arith.index_cast %get3A_708 : i32 to index
        %get3A_710 = arith.index_cast %mul3A_254 : i32 to index
        %get3A_711 = tpu.vector_load %arg11[%get3A_709, %get3A_710] {strides = array<i32>} : memref<16x768xf32, #tpu.memory_space<vmem>>, vector<1x16xf32>,
        %get3A_712 = vector.shape_cast %get3A_711 : vector<1x16xf32> to vector<16xf32>
        %add3A_713 = arith.addf %add3A_665, %get3A_712 : vector<16xf32>
        %get3A_714 = arith.constant 6 : i32
        %get3A_715 = arith.index_cast %get3A_714 : i32 to index
        %get3A_716 = arith.index_cast %mul3A_254 : i32 to index
        %get3A_717 = tpu.vector_load %arg11[%get3A_715, %get3A_716] {strides = array<i32>} : memref<16x768xf32, #tpu.memory_space<vmem>>, vector<1x16xf32>,
        %get3A_718 = vector.shape_cast %get3A_717 : vector<1x16xf32> to vector<16xf32>
        %add3A_719 = arith.addf %add3A_671, %get3A_718 : vector<16xf32>
        %get3A_720 = arith.constant 7 : i32
        %get3A_721 = arith.index_cast %get3A_720 : i32 to index
        %get3A_722 = arith.index_cast %mul3A_254 : i32 to index
        %get3A_723 = tpu.vector_load %arg11[%get3A_721, %get3A_722] {strides = array<i32>} : memref<16x768xf32, #tpu.memory_space<vmem>>, vector<1x16xf32>,
        %get3A_724 = vector.shape_cast %get3A_723 : vector<1x16xf32> to vector<16xf32>
        %add3A_725 = arith.addf %add3A_677, %get3A_724 : vector<16xf32>
        %get3A_726 = arith.constant 8 : i32
        %get3A_727 = arith.index_cast %get3A_726 : i32 to index
        %get3A_728 = arith.index_cast %mul3A_254 : i32 to index
        %get3A_729 = tpu.vector_load %arg11[%get3A_727, %get3A_728] {strides = array<i32>} : memref<16x768xf32, #tpu.memory_space<vmem>>, vector<1x16xf32>,
        %get3A_730 = vector.shape_cast %get3A_729 : vector<1x16xf32> to vector<16xf32>
        %add3A_731 = arith.addf %add3A_683, %get3A_730 : vector<16xf32>
        %get3A_732 = arith.constant 9 : i32
        %get3A_733 = arith.index_cast %get3A_732 : i32 to index
        %get3A_734 = arith.index_cast %mul3A_254 : i32 to index
        %get3A_735 = tpu.vector_load %arg11[%get3A_733, %get3A_734] {strides = array<i32>} : memref<16x768xf32, #tpu.memory_space<vmem>>, vector<1x16xf32>,
        %get3A_736 = vector.shape_cast %get3A_735 : vector<1x16xf32> to vector<16xf32>
        %add3A_737 = arith.addf %add3A_689, %get3A_736 : vector<16xf32>
        %get3A_738 = arith.constant 10 : i32
        %get3A_739 = arith.index_cast %get3A_738 : i32 to index
        %get3A_740 = arith.index_cast %mul3A_254 : i32 to index
        %get3A_741 = tpu.vector_load %arg11[%get3A_739, %get3A_740] {strides = array<i32>} : memref<16x768xf32, #tpu.memory_space<vmem>>, vector<1x16xf32>,
        %get3A_742 = vector.shape_cast %get3A_741 : vector<1x16xf32> to vector<16xf32>
        %add3A_743 = arith.addf %add3A_695, %get3A_742 : vector<16xf32>
        %get3A_744 = arith.constant 11 : i32
        %get3A_745 = arith.index_cast %get3A_744 : i32 to index
        %get3A_746 = arith.index_cast %mul3A_254 : i32 to index
        %get3A_747 = tpu.vector_load %arg11[%get3A_745, %get3A_746] {strides = array<i32>} : memref<16x768xf32, #tpu.memory_space<vmem>>, vector<1x16xf32>,
        %get3A_748 = vector.shape_cast %get3A_747 : vector<1x16xf32> to vector<16xf32>
        %add3A_749 = arith.addf %add3A_701, %get3A_748 : vector<16xf32>
        %get3A_750 = arith.constant 12 : i32
        %get3A_751 = arith.index_cast %get3A_750 : i32 to index
        %get3A_752 = arith.index_cast %mul3A_254 : i32 to index
        %get3A_753 = tpu.vector_load %arg11[%get3A_751, %get3A_752] {strides = array<i32>} : memref<16x768xf32, #tpu.memory_space<vmem>>, vector<1x16xf32>,
        %get3A_754 = vector.shape_cast %get3A_753 : vector<1x16xf32> to vector<16xf32>
        %add3A_755 = arith.addf %add3A_707, %get3A_754 : vector<16xf32>
        %get3A_756 = arith.constant 13 : i32
        %get3A_757 = arith.index_cast %get3A_756 : i32 to index
        %get3A_758 = arith.index_cast %mul3A_254 : i32 to index
        %get3A_759 = tpu.vector_load %arg11[%get3A_757, %get3A_758] {strides = array<i32>} : memref<16x768xf32, #tpu.memory_space<vmem>>, vector<1x16xf32>,
        %get3A_760 = vector.shape_cast %get3A_759 : vector<1x16xf32> to vector<16xf32>
        %add3A_761 = arith.addf %add3A_713, %get3A_760 : vector<16xf32>
        %get3A_762 = arith.constant 14 : i32
        %get3A_763 = arith.index_cast %get3A_762 : i32 to index
        %get3A_764 = arith.index_cast %mul3A_254 : i32 to index
        %get3A_765 = tpu.vector_load %arg11[%get3A_763, %get3A_764] {strides = array<i32>} : memref<16x768xf32, #tpu.memory_space<vmem>>, vector<1x16xf32>,
        %get3A_766 = vector.shape_cast %get3A_765 : vector<1x16xf32> to vector<16xf32>
        %add3A_767 = arith.addf %add3A_719, %get3A_766 : vector<16xf32>
        %get3A_768 = arith.constant 15 : i32
        %get3A_769 = arith.index_cast %get3A_768 : i32 to index
        %get3A_770 = arith.index_cast %mul3A_254 : i32 to index
        %get3A_771 = tpu.vector_load %arg11[%get3A_769, %get3A_770] {strides = array<i32>} : memref<16x768xf32, #tpu.memory_space<vmem>>, vector<1x16xf32>,
        %get3A_772 = vector.shape_cast %get3A_771 : vector<1x16xf32> to vector<16xf32>
        %add3A_773 = arith.addf %add3A_725, %get3A_772 : vector<16xf32>
        %swap3A = arith.constant 0 : i32
        %swap3A_774 = arith.index_cast %swap3A : i32 to index
        %swap3A_775 = arith.index_cast %mul3A_254 : i32 to index
        %swap3A_776 = tpu.vector_load %arg12[%swap3A_774, %swap3A_775] {strides = array<i32>} : memref<8x768xf32, #tpu.memory_space<vmem>>, vector<1x16xf32>,
        %swap3A_777 = vector.shape_cast %swap3A_776 : vector<1x16xf32> to vector<16xf32>
        %swap3A_778 = vector.shape_cast %add3A_731 : vector<16xf32> to vector<1x16xf32>
        tpu.vector_store %arg12[%swap3A_774, %swap3A_775], %swap3A_778 {strides = array<i32>} : memref<8x768xf32, #tpu.memory_space<vmem>>, vector<1x16xf32>,
        %swap3A_779 = arith.constant 1 : i32
        %swap3A_780 = arith.index_cast %swap3A_779 : i32 to index
        %swap3A_781 = arith.index_cast %mul3A_254 : i32 to index
        %swap3A_782 = tpu.vector_load %arg12[%swap3A_780, %swap3A_781] {strides = array<i32>} : memref<8x768xf32, #tpu.memory_space<vmem>>, vector<1x16xf32>,
        %swap3A_783 = vector.shape_cast %swap3A_782 : vector<1x16xf32> to vector<16xf32>
        %swap3A_784 = vector.shape_cast %add3A_737 : vector<16xf32> to vector<1x16xf32>
        tpu.vector_store %arg12[%swap3A_780, %swap3A_781], %swap3A_784 {strides = array<i32>} : memref<8x768xf32, #tpu.memory_space<vmem>>, vector<1x16xf32>,
        %swap3A_785 = arith.constant 2 : i32
        %swap3A_786 = arith.index_cast %swap3A_785 : i32 to index
        %swap3A_787 = arith.index_cast %mul3A_254 : i32 to index
        %swap3A_788 = tpu.vector_load %arg12[%swap3A_786, %swap3A_787] {strides = array<i32>} : memref<8x768xf32, #tpu.memory_space<vmem>>, vector<1x16xf32>,
        %swap3A_789 = vector.shape_cast %swap3A_788 : vector<1x16xf32> to vector<16xf32>
        %swap3A_790 = vector.shape_cast %add3A_743 : vector<16xf32> to vector<1x16xf32>
        tpu.vector_store %arg12[%swap3A_786, %swap3A_787], %swap3A_790 {strides = array<i32>} : memref<8x768xf32, #tpu.memory_space<vmem>>, vector<1x16xf32>,
        %swap3A_791 = arith.constant 3 : i32
        %swap3A_792 = arith.index_cast %swap3A_791 : i32 to index
        %swap3A_793 = arith.index_cast %mul3A_254 : i32 to index
        %swap3A_794 = tpu.vector_load %arg12[%swap3A_792, %swap3A_793] {strides = array<i32>} : memref<8x768xf32, #tpu.memory_space<vmem>>, vector<1x16xf32>,
        %swap3A_795 = vector.shape_cast %swap3A_794 : vector<1x16xf32> to vector<16xf32>
        %swap3A_796 = vector.shape_cast %add3A_749 : vector<16xf32> to vector<1x16xf32>
        tpu.vector_store %arg12[%swap3A_792, %swap3A_793], %swap3A_796 {strides = array<i32>} : memref<8x768xf32, #tpu.memory_space<vmem>>, vector<1x16xf32>,
        %swap3A_797 = arith.constant 4 : i32
        %swap3A_798 = arith.index_cast %swap3A_797 : i32 to index
        %swap3A_799 = arith.index_cast %mul3A_254 : i32 to index
        %swap3A_800 = tpu.vector_load %arg12[%swap3A_798, %swap3A_799] {strides = array<i32>} : memref<8x768xf32, #tpu.memory_space<vmem>>, vector<1x16xf32>,
        %swap3A_801 = vector.shape_cast %swap3A_800 : vector<1x16xf32> to vector<16xf32>
        %swap3A_802 = vector.shape_cast %add3A_755 : vector<16xf32> to vector<1x16xf32>
        tpu.vector_store %arg12[%swap3A_798, %swap3A_799], %swap3A_802 {strides = array<i32>} : memref<8x768xf32, #tpu.memory_space<vmem>>, vector<1x16xf32>,
        %swap3A_803 = arith.constant 5 : i32
        %swap3A_804 = arith.index_cast %swap3A_803 : i32 to index
        %swap3A_805 = arith.index_cast %mul3A_254 : i32 to index
        %swap3A_806 = tpu.vector_load %arg12[%swap3A_804, %swap3A_805] {strides = array<i32>} : memref<8x768xf32, #tpu.memory_space<vmem>>, vector<1x16xf32>,
        %swap3A_807 = vector.shape_cast %swap3A_806 : vector<1x16xf32> to vector<16xf32>
        %swap3A_808 = vector.shape_cast %add3A_761 : vector<16xf32> to vector<1x16xf32>
        tpu.vector_store %arg12[%swap3A_804, %swap3A_805], %swap3A_808 {strides = array<i32>} : memref<8x768xf32, #tpu.memory_space<vmem>>, vector<1x16xf32>,
        %swap3A_809 = arith.constant 6 : i32
        %swap3A_810 = arith.index_cast %swap3A_809 : i32 to index
        %swap3A_811 = arith.index_cast %mul3A_254 : i32 to index
        %swap3A_812 = tpu.vector_load %arg12[%swap3A_810, %swap3A_811] {strides = array<i32>} : memref<8x768xf32, #tpu.memory_space<vmem>>, vector<1x16xf32>,
        %swap3A_813 = vector.shape_cast %swap3A_812 : vector<1x16xf32> to vector<16xf32>
        %swap3A_814 = vector.shape_cast %add3A_767 : vector<16xf32> to vector<1x16xf32>
        tpu.vector_store %arg12[%swap3A_810, %swap3A_811], %swap3A_814 {strides = array<i32>} : memref<8x768xf32, #tpu.memory_space<vmem>>, vector<1x16xf32>,
        %swap3A_815 = arith.constant 7 : i32
        %swap3A_816 = arith.index_cast %swap3A_815 : i32 to index
        %swap3A_817 = arith.index_cast %mul3A_254 : i32 to index
        %swap3A_818 = tpu.vector_load %arg12[%swap3A_816, %swap3A_817] {strides = array<i32>} : memref<8x768xf32, #tpu.memory_space<vmem>>, vector<1x16xf32>,
        %swap3A_819 = vector.shape_cast %swap3A_818 : vector<1x16xf32> to vector<16xf32>
        %swap3A_820 = vector.shape_cast %add3A_773 : vector<16xf32> to vector<1x16xf32>
        tpu.vector_store %arg12[%swap3A_816, %swap3A_817], %swap3A_820 {strides = array<i32>} : memref<8x768xf32, #tpu.memory_space<vmem>>, vector<1x16xf32>,
        %scan3A_821 = arith.constant 0 : i32
        scf.yield %scan3A_821 : i32
      }
      %scan3A_228 = arith.constant 48 : i32
      %dma_start3A_229 = arith.constant 72 : i32
      %dma_start3A_230 = tpu.memref_slice %arg7[%dma_start3A_229] : memref<88xi32, #tpu.memory_space<vmem>> -> memref<16xi32, #tpu.memory_space<vmem>>
      %dma_start3A_231 = arith.constant 0 : i32
      %dma_start3A_232 = arith.constant 0 : i32
      %dma_start3A_233 = tpu.memref_slice %arg4[%dma_start3A_231, %dma_start3A_232] : memref<1024x768xf32, #tpu.memory_space<hbm>> -> memref<1024x768xf32, #tpu.memory_space<hbm>>
      tpu.enqueue_indirect_dma source(%dma_start3A_233 : memref<1024x768xf32, #tpu.memory_space<hbm>>) target(%arg11 : memref<16x768xf32, #tpu.memory_space<vmem>>) offsets(%dma_start3A_230 : memref<16xi32, #tpu.memory_space<vmem>>) semaphore(%arg16 : memref<!tpu.dma_semaphore, #tpu.memory_space<semaphore_mem>>)
      %add3A_234 = arith.constant 1 : i32
      %add3A_235 = arith.addi %mul3A_132, %add3A_234 : i32
      %shift_right_logical3A_236 = arith.constant 4 : i32
      %shift_right_logical3A_237 = arith.shrui %add3A_235, %shift_right_logical3A_236 : i32
      %add3A_238 = arith.addi %mul3A_4, %shift_right_logical3A_237 : i32
      %and3A_239 = arith.constant 15 : i32
      %and3A_240 = arith.andi %add3A_235, %and3A_239 : i32
      %shift_left3A_241 = arith.constant 3 : i32
      %shift_left3A_242 = arith.shli %and3A_240, %shift_left3A_241 : i32
      %multiple_of3A_243 = tpu.assume_multiple %shift_left3A_242, 8 : i32
      %dma_start3A_244 = arith.constant 0 : i32
      %dma_start3A_245 = tpu.memref_slice %arg6[%add3A_238, %multiple_of3A_243, %dma_start3A_244] : memref<256x129x768xf32, #tpu.memory_space<hbm>> -> memref<1x8x768xf32, #tpu.memory_space<hbm>>
      %dma_start3A_246 = tpu.memref_squeeze %dma_start3A_245 : memref<1x8x768xf32, #tpu.memory_space<hbm>> -> memref<8x768xf32, #tpu.memory_space<hbm>>
      %dma_start3A_247 = arith.constant 0 : i32
      %dma_start3A_248 = tpu.memref_slice %arg6[%add3A_238, %multiple_of3A_243, %dma_start3A_247] : memref<256x129x768xf32, #tpu.memory_space<hbm>> -> memref<1x8x768xf32, #tpu.memory_space<hbm>>
      %dma_start3A_249 = tpu.memref_squeeze %dma_start3A_248 : memref<1x8x768xf32, #tpu.memory_space<hbm>> -> memref<8x768xf32, #tpu.memory_space<hbm>>
      tpu.enqueue_dma source(%arg12 : memref<8x768xf32, #tpu.memory_space<vmem>>) target(%dma_start3A_249 : memref<8x768xf32, #tpu.memory_space<hbm>>) target_semaphore(%arg17 : memref<!tpu.dma_semaphore, #tpu.memory_space<semaphore_mem>>)
      %scan3A_250 = arith.constant 0 : i32
      scf.yield %scan3A_250 : i32
    }
    %scan3A_32 = arith.constant 64 : i32
    %dma_wait3A_33 = arith.constant 0 : i32
    %dma_wait3A_34 = tpu.memref_slice %arg2[%dma_wait3A_33] : memref<363264xi32, #tpu.memory_space<hbm>> -> memref<88xi32, #tpu.memory_space<hbm>>
    %dma_wait3A_35 = arith.constant 0 : i32
    %dma_wait3A_36 = tpu.memref_slice %arg2[%dma_wait3A_35] : memref<363264xi32, #tpu.memory_space<hbm>> -> memref<88xi32, #tpu.memory_space<hbm>>
    tpu.wait_dma2 semaphore(%arg19 : memref<!tpu.dma_semaphore, #tpu.memory_space<semaphore_mem>>) src(%dma_wait3A_36 : memref<88xi32, #tpu.memory_space<hbm>>) dst(%arg8 : memref<88xi32, #tpu.memory_space<vmem>>)
    %dma_wait3A_37 = arith.constant 0 : i32
    %dma_wait3A_38 = arith.constant 0 : i32
    %dma_wait3A_39 = tpu.memref_slice %arg3[%dma_wait3A_37, %dma_wait3A_38] : memref<100001x768xf32, #tpu.memory_space<hbm>> -> memref<72x768xf32, #tpu.memory_space<hbm>>
    %dma_wait3A_40 = arith.constant 0 : i32
    %dma_wait3A_41 = arith.constant 0 : i32
    %dma_wait3A_42 = tpu.memref_slice %arg3[%dma_wait3A_40, %dma_wait3A_41] : memref<100001x768xf32, #tpu.memory_space<hbm>> -> memref<72x768xf32, #tpu.memory_space<hbm>>
    tpu.wait_dma2 semaphore(%arg14 : memref<!tpu.dma_semaphore, #tpu.memory_space<semaphore_mem>>) src(%dma_wait3A_42 : memref<72x768xf32, #tpu.memory_space<hbm>>) dst(%arg9 : memref<72x768xf32, #tpu.memory_space<vmem>>)
    %dma_wait3A_43 = arith.constant 0 : i32
    %dma_wait3A_44 = arith.constant 0 : i32
    %dma_wait3A_45 = tpu.memref_slice %arg4[%dma_wait3A_43, %dma_wait3A_44] : memref<1024x768xf32, #tpu.memory_space<hbm>> -> memref<16x768xf32, #tpu.memory_space<hbm>>
    %dma_wait3A_46 = arith.constant 0 : i32
    %dma_wait3A_47 = arith.constant 0 : i32
    %dma_wait3A_48 = tpu.memref_slice %arg4[%dma_wait3A_46, %dma_wait3A_47] : memref<1024x768xf32, #tpu.memory_space<hbm>> -> memref<16x768xf32, #tpu.memory_space<hbm>>
    tpu.wait_dma2 semaphore(%arg16 : memref<!tpu.dma_semaphore, #tpu.memory_space<semaphore_mem>>) src(%dma_wait3A_48 : memref<16x768xf32, #tpu.memory_space<hbm>>) dst(%arg11 : memref<16x768xf32, #tpu.memory_space<vmem>>)
    %dma_wait3A_49 = arith.constant 0 : i32
    %dma_wait3A_50 = arith.constant 0 : i32
    %dma_wait3A_51 = arith.constant 0 : i32
    %dma_wait3A_52 = tpu.memref_slice %arg6[%dma_wait3A_49, %dma_wait3A_50, %dma_wait3A_51] : memref<256x129x768xf32, #tpu.memory_space<hbm>> -> memref<1x8x768xf32, #tpu.memory_space<hbm>>
    %dma_wait3A_53 = tpu.memref_squeeze %dma_wait3A_52 : memref<1x8x768xf32, #tpu.memory_space<hbm>> -> memref<8x768xf32, #tpu.memory_space<hbm>>
    %dma_wait3A_54 = arith.constant 0 : i32
    %dma_wait3A_55 = arith.constant 0 : i32
    %dma_wait3A_56 = tpu.memref_slice %arg6[%dma_wait3A_49, %dma_wait3A_54, %dma_wait3A_55] : memref<256x129x768xf32, #tpu.memory_space<hbm>> -> memref<1x8x768xf32, #tpu.memory_space<hbm>>
    %dma_wait3A_57 = tpu.memref_squeeze %dma_wait3A_56 : memref<1x8x768xf32, #tpu.memory_space<hbm>> -> memref<8x768xf32, #tpu.memory_space<hbm>>
    tpu.wait_dma2 semaphore(%arg17 : memref<!tpu.dma_semaphore, #tpu.memory_space<semaphore_mem>>) src(%dma_wait3A_57 : memref<8x768xf32, #tpu.memory_space<hbm>>) dst(%arg12 : memref<8x768xf32, #tpu.memory_space<vmem>>)
    %add3A_58 = arith.constant 0 : i32
    %add3A_59 = arith.addi %mul3A_4, %add3A_58 : i32
    "tpu.region"() ({
      %run_scoped3A = tpu.sem_alloc : memref<!tpu.dma_semaphore, #tpu.memory_space<semaphore_mem>>
      %dma_start3A_129 = arith.constant 0 : i32
      %dma_start3A_130 = arith.constant 0 : i32
      %dma_start3A_131 = tpu.memref_slice %arg6[%add3A_59, %dma_start3A_129, %dma_start3A_130] : memref<256x129x768xf32, #tpu.memory_space<hbm>> -> memref<1x1x768xf32, #tpu.memory_space<hbm>>
      %dma_start3A_132 = tpu.memref_squeeze %dma_start3A_131 : memref<1x1x768xf32, #tpu.memory_space<hbm>> -> memref<1x768xf32, #tpu.memory_space<hbm>>
      %dma_start3A_133 = arith.constant 0 : i32
      %dma_start3A_134 = arith.constant 0 : i32
      %dma_start3A_135 = tpu.memref_slice %arg6[%add3A_59, %dma_start3A_133, %dma_start3A_134] : memref<256x129x768xf32, #tpu.memory_space<hbm>> -> memref<1x1x768xf32, #tpu.memory_space<hbm>>
      %dma_start3A_136 = tpu.memref_squeeze %dma_start3A_135 : memref<1x1x768xf32, #tpu.memory_space<hbm>> -> memref<1x768xf32, #tpu.memory_space<hbm>>
      tpu.enqueue_dma source(%arg13 : memref<1x768xf32, #tpu.memory_space<vmem>>) target(%dma_start3A_136 : memref<1x768xf32, #tpu.memory_space<hbm>>) target_semaphore(%run_scoped3A : memref<!tpu.dma_semaphore, #tpu.memory_space<semaphore_mem>>)
      %dma_wait3A_137 = arith.constant 0 : i32
      %dma_wait3A_138 = arith.constant 0 : i32
      %dma_wait3A_139 = tpu.memref_slice %arg6[%add3A_59, %dma_wait3A_137, %dma_wait3A_138] : memref<256x129x768xf32, #tpu.memory_space<hbm>> -> memref<1x1x768xf32, #tpu.memory_space<hbm>>
      %dma_wait3A_140 = tpu.memref_squeeze %dma_wait3A_139 : memref<1x1x768xf32, #tpu.memory_space<hbm>> -> memref<1x768xf32, #tpu.memory_space<hbm>>
      %dma_wait3A_141 = arith.constant 0 : i32
      %dma_wait3A_142 = arith.constant 0 : i32
      %dma_wait3A_143 = tpu.memref_slice %arg6[%add3A_59, %dma_wait3A_141, %dma_wait3A_142] : memref<256x129x768xf32, #tpu.memory_space<hbm>> -> memref<1x1x768xf32, #tpu.memory_space<hbm>>
      %dma_wait3A_144 = tpu.memref_squeeze %dma_wait3A_143 : memref<1x1x768xf32, #tpu.memory_space<hbm>> -> memref<1x768xf32, #tpu.memory_space<hbm>>
      tpu.wait_dma2 semaphore(%run_scoped3A : memref<!tpu.dma_semaphore, #tpu.memory_space<semaphore_mem>>) src(%arg13 : memref<1x768xf32, #tpu.memory_space<vmem>>) dst(%dma_wait3A_144 : memref<1x768xf32, #tpu.memory_space<hbm>>)
      tpu.yield
    }) : () -> ()
    %add3A_60 = arith.constant 1 : i32
    %add3A_61 = arith.addi %mul3A_4, %add3A_60 : i32
    "tpu.region"() ({
      %run_scoped3A = tpu.sem_alloc : memref<!tpu.dma_semaphore, #tpu.memory_space<semaphore_mem>>
      %dma_start3A_129 = arith.constant 0 : i32
      %dma_start3A_130 = arith.constant 0 : i32
      %dma_start3A_131 = tpu.memref_slice %arg6[%add3A_61, %dma_start3A_129, %dma_start3A_130] : memref<256x129x768xf32, #tpu.memory_space<hbm>> -> memref<1x1x768xf32, #tpu.memory_space<hbm>>
      %dma_start3A_132 = tpu.memref_squeeze %dma_start3A_131 : memref<1x1x768xf32, #tpu.memory_space<hbm>> -> memref<1x768xf32, #tpu.memory_space<hbm>>
      %dma_start3A_133 = arith.constant 0 : i32
      %dma_start3A_134 = arith.constant 0 : i32
      %dma_start3A_135 = tpu.memref_slice %arg6[%add3A_61, %dma_start3A_133, %dma_start3A_134] : memref<256x129x768xf32, #tpu.memory_space<hbm>> -> memref<1x1x768xf32, #tpu.memory_space<hbm>>
      %dma_start3A_136 = tpu.memref_squeeze %dma_start3A_135 : memref<1x1x768xf32, #tpu.memory_space<hbm>> -> memref<1x768xf32, #tpu.memory_space<hbm>>
      tpu.enqueue_dma source(%arg13 : memref<1x768xf32, #tpu.memory_space<vmem>>) target(%dma_start3A_136 : memref<1x768xf32, #tpu.memory_space<hbm>>) target_semaphore(%run_scoped3A : memref<!tpu.dma_semaphore, #tpu.memory_space<semaphore_mem>>)
      %dma_wait3A_137 = arith.constant 0 : i32
      %dma_wait3A_138 = arith.constant 0 : i32
      %dma_wait3A_139 = tpu.memref_slice %arg6[%add3A_61, %dma_wait3A_137, %dma_wait3A_138] : memref<256x129x768xf32, #tpu.memory_space<hbm>> -> memref<1x1x768xf32, #tpu.memory_space<hbm>>
      %dma_wait3A_140 = tpu.memref_squeeze %dma_wait3A_139 : memref<1x1x768xf32, #tpu.memory_space<hbm>> -> memref<1x768xf32, #tpu.memory_space<hbm>>
      %dma_wait3A_141 = arith.constant 0 : i32
      %dma_wait3A_142 = arith.constant 0 : i32
      %dma_wait3A_143 = tpu.memref_slice %arg6[%add3A_61, %dma_wait3A_141, %dma_wait3A_142] : memref<256x129x768xf32, #tpu.memory_space<hbm>> -> memref<1x1x768xf32, #tpu.memory_space<hbm>>
      %dma_wait3A_144 = tpu.memref_squeeze %dma_wait3A_143 : memref<1x1x768xf32, #tpu.memory_space<hbm>> -> memref<1x768xf32, #tpu.memory_space<hbm>>
      tpu.wait_dma2 semaphore(%run_scoped3A : memref<!tpu.dma_semaphore, #tpu.memory_space<semaphore_mem>>) src(%arg13 : memref<1x768xf32, #tpu.memory_space<vmem>>) dst(%dma_wait3A_144 : memref<1x768xf32, #tpu.memory_space<hbm>>)
      tpu.yield
    }) : () -> ()
    %add3A_62 = arith.constant 2 : i32
    %add3A_63 = arith.addi %mul3A_4, %add3A_62 : i32
    "tpu.region"() ({
      %run_scoped3A = tpu.sem_alloc : memref<!tpu.dma_semaphore, #tpu.memory_space<semaphore_mem>>
      %dma_start3A_129 = arith.constant 0 : i32
      %dma_start3A_130 = arith.constant 0 : i32
      %dma_start3A_131 = tpu.memref_slice %arg6[%add3A_63, %dma_start3A_129, %dma_start3A_130] : memref<256x129x768xf32, #tpu.memory_space<hbm>> -> memref<1x1x768xf32, #tpu.memory_space<hbm>>
      %dma_start3A_132 = tpu.memref_squeeze %dma_start3A_131 : memref<1x1x768xf32, #tpu.memory_space<hbm>> -> memref<1x768xf32, #tpu.memory_space<hbm>>
      %dma_start3A_133 = arith.constant 0 : i32
      %dma_start3A_134 = arith.constant 0 : i32
      %dma_start3A_135 = tpu.memref_slice %arg6[%add3A_63, %dma_start3A_133, %dma_start3A_134] : memref<256x129x768xf32, #tpu.memory_space<hbm>> -> memref<1x1x768xf32, #tpu.memory_space<hbm>>
      %dma_start3A_136 = tpu.memref_squeeze %dma_start3A_135 : memref<1x1x768xf32, #tpu.memory_space<hbm>> -> memref<1x768xf32, #tpu.memory_space<hbm>>
      tpu.enqueue_dma source(%arg13 : memref<1x768xf32, #tpu.memory_space<vmem>>) target(%dma_start3A_136 : memref<1x768xf32, #tpu.memory_space<hbm>>) target_semaphore(%run_scoped3A : memref<!tpu.dma_semaphore, #tpu.memory_space<semaphore_mem>>)
      %dma_wait3A_137 = arith.constant 0 : i32
      %dma_wait3A_138 = arith.constant 0 : i32
      %dma_wait3A_139 = tpu.memref_slice %arg6[%add3A_63, %dma_wait3A_137, %dma_wait3A_138] : memref<256x129x768xf32, #tpu.memory_space<hbm>> -> memref<1x1x768xf32, #tpu.memory_space<hbm>>
      %dma_wait3A_140 = tpu.memref_squeeze %dma_wait3A_139 : memref<1x1x768xf32, #tpu.memory_space<hbm>> -> memref<1x768xf32, #tpu.memory_space<hbm>>
      %dma_wait3A_141 = arith.constant 0 : i32
      %dma_wait3A_142 = arith.constant 0 : i32
      %dma_wait3A_143 = tpu.memref_slice %arg6[%add3A_63, %dma_wait3A_141, %dma_wait3A_142] : memref<256x129x768xf32, #tpu.memory_space<hbm>> -> memref<1x1x768xf32, #tpu.memory_space<hbm>>
      %dma_wait3A_144 = tpu.memref_squeeze %dma_wait3A_143 : memref<1x1x768xf32, #tpu.memory_space<hbm>> -> memref<1x768xf32, #tpu.memory_space<hbm>>
      tpu.wait_dma2 semaphore(%run_scoped3A : memref<!tpu.dma_semaphore, #tpu.memory_space<semaphore_mem>>) src(%arg13 : memref<1x768xf32, #tpu.memory_space<vmem>>) dst(%dma_wait3A_144 : memref<1x768xf32, #tpu.memory_space<hbm>>)
      tpu.yield
    }) : () -> ()
    %add3A_64 = arith.constant 3 : i32
    %add3A_65 = arith.addi %mul3A_4, %add3A_64 : i32
    "tpu.region"() ({
      %run_scoped3A = tpu.sem_alloc : memref<!tpu.dma_semaphore, #tpu.memory_space<semaphore_mem>>
      %dma_start3A_129 = arith.constant 0 : i32
      %dma_start3A_130 = arith.constant 0 : i32
      %dma_start3A_131 = tpu.memref_slice %arg6[%add3A_65, %dma_start3A_129, %dma_start3A_130] : memref<256x129x768xf32, #tpu.memory_space<hbm>> -> memref<1x1x768xf32, #tpu.memory_space<hbm>>
      %dma_start3A_132 = tpu.memref_squeeze %dma_start3A_131 : memref<1x1x768xf32, #tpu.memory_space<hbm>> -> memref<1x768xf32, #tpu.memory_space<hbm>>
      %dma_start3A_133 = arith.constant 0 : i32
      %dma_start3A_134 = arith.constant 0 : i32
      %dma_start3A_135 = tpu.memref_slice %arg6[%add3A_65, %dma_start3A_133, %dma_start3A_134] : memref<256x129x768xf32, #tpu.memory_space<hbm>> -> memref<1x1x768xf32, #tpu.memory_space<hbm>>
      %dma_start3A_136 = tpu.memref_squeeze %dma_start3A_135 : memref<1x1x768xf32, #tpu.memory_space<hbm>> -> memref<1x768xf32, #tpu.memory_space<hbm>>
      tpu.enqueue_dma source(%arg13 : memref<1x768xf32, #tpu.memory_space<vmem>>) target(%dma_start3A_136 : memref<1x768xf32, #tpu.memory_space<hbm>>) target_semaphore(%run_scoped3A : memref<!tpu.dma_semaphore, #tpu.memory_space<semaphore_mem>>)
      %dma_wait3A_137 = arith.constant 0 : i32
      %dma_wait3A_138 = arith.constant 0 : i32
      %dma_wait3A_139 = tpu.memref_slice %arg6[%add3A_65, %dma_wait3A_137, %dma_wait3A_138] : memref<256x129x768xf32, #tpu.memory_space<hbm>> -> memref<1x1x768xf32, #tpu.memory_space<hbm>>
      %dma_wait3A_140 = tpu.memref_squeeze %dma_wait3A_139 : memref<1x1x768xf32, #tpu.memory_space<hbm>> -> memref<1x768xf32, #tpu.memory_space<hbm>>
      %dma_wait3A_141 = arith.constant 0 : i32
      %dma_wait3A_142 = arith.constant 0 : i32
      %dma_wait3A_143 = tpu.memref_slice %arg6[%add3A_65, %dma_wait3A_141, %dma_wait3A_142] : memref<256x129x768xf32, #tpu.memory_space<hbm>> -> memref<1x1x768xf32, #tpu.memory_space<hbm>>
      %dma_wait3A_144 = tpu.memref_squeeze %dma_wait3A_143 : memref<1x1x768xf32, #tpu.memory_space<hbm>> -> memref<1x768xf32, #tpu.memory_space<hbm>>
      tpu.wait_dma2 semaphore(%run_scoped3A : memref<!tpu.dma_semaphore, #tpu.memory_space<semaphore_mem>>) src(%arg13 : memref<1x768xf32, #tpu.memory_space<vmem>>) dst(%dma_wait3A_144 : memref<1x768xf32, #tpu.memory_space<hbm>>)
      tpu.yield
    }) : () -> ()
    %add3A_66 = arith.constant 4 : i32
    %add3A_67 = arith.addi %mul3A_4, %add3A_66 : i32
    "tpu.region"() ({
      %run_scoped3A = tpu.sem_alloc : memref<!tpu.dma_semaphore, #tpu.memory_space<semaphore_mem>>
      %dma_start3A_129 = arith.constant 0 : i32
      %dma_start3A_130 = arith.constant 0 : i32
      %dma_start3A_131 = tpu.memref_slice %arg6[%add3A_67, %dma_start3A_129, %dma_start3A_130] : memref<256x129x768xf32, #tpu.memory_space<hbm>> -> memref<1x1x768xf32, #tpu.memory_space<hbm>>
      %dma_start3A_132 = tpu.memref_squeeze %dma_start3A_131 : memref<1x1x768xf32, #tpu.memory_space<hbm>> -> memref<1x768xf32, #tpu.memory_space<hbm>>
      %dma_start3A_133 = arith.constant 0 : i32
      %dma_start3A_134 = arith.constant 0 : i32
      %dma_start3A_135 = tpu.memref_slice %arg6[%add3A_67, %dma_start3A_133, %dma_start3A_134] : memref<256x129x768xf32, #tpu.memory_space<hbm>> -> memref<1x1x768xf32, #tpu.memory_space<hbm>>
      %dma_start3A_136 = tpu.memref_squeeze %dma_start3A_135 : memref<1x1x768xf32, #tpu.memory_space<hbm>> -> memref<1x768xf32, #tpu.memory_space<hbm>>
      tpu.enqueue_dma source(%arg13 : memref<1x768xf32, #tpu.memory_space<vmem>>) target(%dma_start3A_136 : memref<1x768xf32, #tpu.memory_space<hbm>>) target_semaphore(%run_scoped3A : memref<!tpu.dma_semaphore, #tpu.memory_space<semaphore_mem>>)
      %dma_wait3A_137 = arith.constant 0 : i32
      %dma_wait3A_138 = arith.constant 0 : i32
      %dma_wait3A_139 = tpu.memref_slice %arg6[%add3A_67, %dma_wait3A_137, %dma_wait3A_138] : memref<256x129x768xf32, #tpu.memory_space<hbm>> -> memref<1x1x768xf32, #tpu.memory_space<hbm>>
      %dma_wait3A_140 = tpu.memref_squeeze %dma_wait3A_139 : memref<1x1x768xf32, #tpu.memory_space<hbm>> -> memref<1x768xf32, #tpu.memory_space<hbm>>
      %dma_wait3A_141 = arith.constant 0 : i32
      %dma_wait3A_142 = arith.constant 0 : i32
      %dma_wait3A_143 = tpu.memref_slice %arg6[%add3A_67, %dma_wait3A_141, %dma_wait3A_142] : memref<256x129x768xf32, #tpu.memory_space<hbm>> -> memref<1x1x768xf32, #tpu.memory_space<hbm>>
      %dma_wait3A_144 = tpu.memref_squeeze %dma_wait3A_143 : memref<1x1x768xf32, #tpu.memory_space<hbm>> -> memref<1x768xf32, #tpu.memory_space<hbm>>
      tpu.wait_dma2 semaphore(%run_scoped3A : memref<!tpu.dma_semaphore, #tpu.memory_space<semaphore_mem>>) src(%arg13 : memref<1x768xf32, #tpu.memory_space<vmem>>) dst(%dma_wait3A_144 : memref<1x768xf32, #tpu.memory_space<hbm>>)
      tpu.yield
    }) : () -> ()
    %add3A_68 = arith.constant 5 : i32
    %add3A_69 = arith.addi %mul3A_4, %add3A_68 : i32
    "tpu.region"() ({
      %run_scoped3A = tpu.sem_alloc : memref<!tpu.dma_semaphore, #tpu.memory_space<semaphore_mem>>
      %dma_start3A_129 = arith.constant 0 : i32
      %dma_start3A_130 = arith.constant 0 : i32
      %dma_start3A_131 = tpu.memref_slice %arg6[%add3A_69, %dma_start3A_129, %dma_start3A_130] : memref<256x129x768xf32, #tpu.memory_space<hbm>> -> memref<1x1x768xf32, #tpu.memory_space<hbm>>
      %dma_start3A_132 = tpu.memref_squeeze %dma_start3A_131 : memref<1x1x768xf32, #tpu.memory_space<hbm>> -> memref<1x768xf32, #tpu.memory_space<hbm>>
      %dma_start3A_133 = arith.constant 0 : i32
      %dma_start3A_134 = arith.constant 0 : i32
      %dma_start3A_135 = tpu.memref_slice %arg6[%add3A_69, %dma_start3A_133, %dma_start3A_134] : memref<256x129x768xf32, #tpu.memory_space<hbm>> -> memref<1x1x768xf32, #tpu.memory_space<hbm>>
      %dma_start3A_136 = tpu.memref_squeeze %dma_start3A_135 : memref<1x1x768xf32, #tpu.memory_space<hbm>> -> memref<1x768xf32, #tpu.memory_space<hbm>>
      tpu.enqueue_dma source(%arg13 : memref<1x768xf32, #tpu.memory_space<vmem>>) target(%dma_start3A_136 : memref<1x768xf32, #tpu.memory_space<hbm>>) target_semaphore(%run_scoped3A : memref<!tpu.dma_semaphore, #tpu.memory_space<semaphore_mem>>)
      %dma_wait3A_137 = arith.constant 0 : i32
      %dma_wait3A_138 = arith.constant 0 : i32
      %dma_wait3A_139 = tpu.memref_slice %arg6[%add3A_69, %dma_wait3A_137, %dma_wait3A_138] : memref<256x129x768xf32, #tpu.memory_space<hbm>> -> memref<1x1x768xf32, #tpu.memory_space<hbm>>
      %dma_wait3A_140 = tpu.memref_squeeze %dma_wait3A_139 : memref<1x1x768xf32, #tpu.memory_space<hbm>> -> memref<1x768xf32, #tpu.memory_space<hbm>>
      %dma_wait3A_141 = arith.constant 0 : i32
      %dma_wait3A_142 = arith.constant 0 : i32
      %dma_wait3A_143 = tpu.memref_slice %arg6[%add3A_69, %dma_wait3A_141, %dma_wait3A_142] : memref<256x129x768xf32, #tpu.memory_space<hbm>> -> memref<1x1x768xf32, #tpu.memory_space<hbm>>
      %dma_wait3A_144 = tpu.memref_squeeze %dma_wait3A_143 : memref<1x1x768xf32, #tpu.memory_space<hbm>> -> memref<1x768xf32, #tpu.memory_space<hbm>>
      tpu.wait_dma2 semaphore(%run_scoped3A : memref<!tpu.dma_semaphore, #tpu.memory_space<semaphore_mem>>) src(%arg13 : memref<1x768xf32, #tpu.memory_space<vmem>>) dst(%dma_wait3A_144 : memref<1x768xf32, #tpu.memory_space<hbm>>)
      tpu.yield
    }) : () -> ()
    %add3A_70 = arith.constant 6 : i32
    %add3A_71 = arith.addi %mul3A_4, %add3A_70 : i32
    "tpu.region"() ({
      %run_scoped3A = tpu.sem_alloc : memref<!tpu.dma_semaphore, #tpu.memory_space<semaphore_mem>>
      %dma_start3A_129 = arith.constant 0 : i32
      %dma_start3A_130 = arith.constant 0 : i32
      %dma_start3A_131 = tpu.memref_slice %arg6[%add3A_71, %dma_start3A_129, %dma_start3A_130] : memref<256x129x768xf32, #tpu.memory_space<hbm>> -> memref<1x1x768xf32, #tpu.memory_space<hbm>>
      %dma_start3A_132 = tpu.memref_squeeze %dma_start3A_131 : memref<1x1x768xf32, #tpu.memory_space<hbm>> -> memref<1x768xf32, #tpu.memory_space<hbm>>
      %dma_start3A_133 = arith.constant 0 : i32
      %dma_start3A_134 = arith.constant 0 : i32
      %dma_start3A_135 = tpu.memref_slice %arg6[%add3A_71, %dma_start3A_133, %dma_start3A_134] : memref<256x129x768xf32, #tpu.memory_space<hbm>> -> memref<1x1x768xf32, #tpu.memory_space<hbm>>
      %dma_start3A_136 = tpu.memref_squeeze %dma_start3A_135 : memref<1x1x768xf32, #tpu.memory_space<hbm>> -> memref<1x768xf32, #tpu.memory_space<hbm>>
      tpu.enqueue_dma source(%arg13 : memref<1x768xf32, #tpu.memory_space<vmem>>) target(%dma_start3A_136 : memref<1x768xf32, #tpu.memory_space<hbm>>) target_semaphore(%run_scoped3A : memref<!tpu.dma_semaphore, #tpu.memory_space<semaphore_mem>>)
      %dma_wait3A_137 = arith.constant 0 : i32
      %dma_wait3A_138 = arith.constant 0 : i32
      %dma_wait3A_139 = tpu.memref_slice %arg6[%add3A_71, %dma_wait3A_137, %dma_wait3A_138] : memref<256x129x768xf32, #tpu.memory_space<hbm>> -> memref<1x1x768xf32, #tpu.memory_space<hbm>>
      %dma_wait3A_140 = tpu.memref_squeeze %dma_wait3A_139 : memref<1x1x768xf32, #tpu.memory_space<hbm>> -> memref<1x768xf32, #tpu.memory_space<hbm>>
      %dma_wait3A_141 = arith.constant 0 : i32
      %dma_wait3A_142 = arith.constant 0 : i32
      %dma_wait3A_143 = tpu.memref_slice %arg6[%add3A_71, %dma_wait3A_141, %dma_wait3A_142] : memref<256x129x768xf32, #tpu.memory_space<hbm>> -> memref<1x1x768xf32, #tpu.memory_space<hbm>>
      %dma_wait3A_144 = tpu.memref_squeeze %dma_wait3A_143 : memref<1x1x768xf32, #tpu.memory_space<hbm>> -> memref<1x768xf32, #tpu.memory_space<hbm>>
      tpu.wait_dma2 semaphore(%run_scoped3A : memref<!tpu.dma_semaphore, #tpu.memory_space<semaphore_mem>>) src(%arg13 : memref<1x768xf32, #tpu.memory_space<vmem>>) dst(%dma_wait3A_144 : memref<1x768xf32, #tpu.memory_space<hbm>>)
      tpu.yield
    }) : () -> ()
    %add3A_72 = arith.constant 7 : i32
    %add3A_73 = arith.addi %mul3A_4, %add3A_72 : i32
    "tpu.region"() ({
      %run_scoped3A = tpu.sem_alloc : memref<!tpu.dma_semaphore, #tpu.memory_space<semaphore_mem>>
      %dma_start3A_129 = arith.constant 0 : i32
      %dma_start3A_130 = arith.constant 0 : i32
      %dma_start3A_131 = tpu.memref_slice %arg6[%add3A_73, %dma_start3A_129, %dma_start3A_130] : memref<256x129x768xf32, #tpu.memory_space<hbm>> -> memref<1x1x768xf32, #tpu.memory_space<hbm>>
      %dma_start3A_132 = tpu.memref_squeeze %dma_start3A_131 : memref<1x1x768xf32, #tpu.memory_space<hbm>> -> memref<1x768xf32, #tpu.memory_space<hbm>>
      %dma_start3A_133 = arith.constant 0 : i32
      %dma_start3A_134 = arith.constant 0 : i32
      %dma_start3A_135 = tpu.memref_slice %arg6[%add3A_73, %dma_start3A_133, %dma_start3A_134] : memref<256x129x768xf32, #tpu.memory_space<hbm>> -> memref<1x1x768xf32, #tpu.memory_space<hbm>>
      %dma_start3A_136 = tpu.memref_squeeze %dma_start3A_135 : memref<1x1x768xf32, #tpu.memory_space<hbm>> -> memref<1x768xf32, #tpu.memory_space<hbm>>
      tpu.enqueue_dma source(%arg13 : memref<1x768xf32, #tpu.memory_space<vmem>>) target(%dma_start3A_136 : memref<1x768xf32, #tpu.memory_space<hbm>>) target_semaphore(%run_scoped3A : memref<!tpu.dma_semaphore, #tpu.memory_space<semaphore_mem>>)
      %dma_wait3A_137 = arith.constant 0 : i32
      %dma_wait3A_138 = arith.constant 0 : i32
      %dma_wait3A_139 = tpu.memref_slice %arg6[%add3A_73, %dma_wait3A_137, %dma_wait3A_138] : memref<256x129x768xf32, #tpu.memory_space<hbm>> -> memref<1x1x768xf32, #tpu.memory_space<hbm>>
      %dma_wait3A_140 = tpu.memref_squeeze %dma_wait3A_139 : memref<1x1x768xf32, #tpu.memory_space<hbm>> -> memref<1x768xf32, #tpu.memory_space<hbm>>
      %dma_wait3A_141 = arith.constant 0 : i32
      %dma_wait3A_142 = arith.constant 0 : i32
      %dma_wait3A_143 = tpu.memref_slice %arg6[%add3A_73, %dma_wait3A_141, %dma_wait3A_142] : memref<256x129x768xf32, #tpu.memory_space<hbm>> -> memref<1x1x768xf32, #tpu.memory_space<hbm>>
      %dma_wait3A_144 = tpu.memref_squeeze %dma_wait3A_143 : memref<1x1x768xf32, #tpu.memory_space<hbm>> -> memref<1x768xf32, #tpu.memory_space<hbm>>
      tpu.wait_dma2 semaphore(%run_scoped3A : memref<!tpu.dma_semaphore, #tpu.memory_space<semaphore_mem>>) src(%arg13 : memref<1x768xf32, #tpu.memory_space<vmem>>) dst(%dma_wait3A_144 : memref<1x768xf32, #tpu.memory_space<hbm>>)
      tpu.yield
    }) : () -> ()
    %add3A_74 = arith.constant 4096 : i32
    %add3A_75 = arith.addi %add3A_74, %add3A : i32
    %mul3A_76 = arith.constant 88 : i32
    %mul3A_77 = arith.muli %add3A_75, %mul3A_76 : i32
    %dma_start3A_78 = tpu.memref_slice %arg2[%mul3A_77] : memref<363264xi32, #tpu.memory_space<hbm>> -> memref<88xi32, #tpu.memory_space<hbm>>
    %dma_start3A_79 = tpu.memref_slice %arg2[%mul3A_77] : memref<363264xi32, #tpu.memory_space<hbm>> -> memref<88xi32, #tpu.memory_space<hbm>>
    tpu.enqueue_dma source(%dma_start3A_79 : memref<88xi32, #tpu.memory_space<hbm>>) target(%arg7 : memref<88xi32, #tpu.memory_space<vmem>>) target_semaphore(%arg18 : memref<!tpu.dma_semaphore, #tpu.memory_space<semaphore_mem>>)
    %dma_wait3A_80 = arith.constant 0 : i32
    %dma_wait3A_81 = tpu.memref_slice %arg2[%dma_wait3A_80] : memref<363264xi32, #tpu.memory_space<hbm>> -> memref<88xi32, #tpu.memory_space<hbm>>
    %dma_wait3A_82 = arith.constant 0 : i32
    %dma_wait3A_83 = tpu.memref_slice %arg2[%dma_wait3A_82] : memref<363264xi32, #tpu.memory_space<hbm>> -> memref<88xi32, #tpu.memory_space<hbm>>
    tpu.wait_dma2 semaphore(%arg18 : memref<!tpu.dma_semaphore, #tpu.memory_space<semaphore_mem>>) src(%dma_wait3A_83 : memref<88xi32, #tpu.memory_space<hbm>>) dst(%arg7 : memref<88xi32, #tpu.memory_space<vmem>>)
    %dma_start3A_84 = arith.constant 0 : i32
    %dma_start3A_85 = tpu.memref_slice %arg7[%dma_start3A_84] : memref<88xi32, #tpu.memory_space<vmem>> -> memref<72xi32, #tpu.memory_space<vmem>>
    %dma_start3A_86 = arith.constant 0 : i32
    %dma_start3A_87 = arith.constant 0 : i32
    %dma_start3A_88 = tpu.memref_slice %arg3[%dma_start3A_86, %dma_start3A_87] : memref<100001x768xf32, #tpu.memory_space<hbm>> -> memref<100001x768xf32, #tpu.memory_space<hbm>>
    tpu.enqueue_indirect_dma source(%dma_start3A_88 : memref<100001x768xf32, #tpu.memory_space<hbm>>) target(%arg9 : memref<72x768xf32, #tpu.memory_space<vmem>>) offsets(%dma_start3A_85 : memref<72xi32, #tpu.memory_space<vmem>>) semaphore(%arg14 : memref<!tpu.dma_semaphore, #tpu.memory_space<semaphore_mem>>)
    %dma_start3A_89 = arith.constant 72 : i32
    %dma_start3A_90 = tpu.memref_slice %arg7[%dma_start3A_89] : memref<88xi32, #tpu.memory_space<vmem>> -> memref<16xi32, #tpu.memory_space<vmem>>
    %dma_start3A_91 = arith.constant 0 : i32
    %dma_start3A_92 = arith.constant 0 : i32
    %dma_start3A_93 = tpu.memref_slice %arg4[%dma_start3A_91, %dma_start3A_92] : memref<1024x768xf32, #tpu.memory_space<hbm>> -> memref<1024x768xf32, #tpu.memory_space<hbm>>
    tpu.enqueue_indirect_dma source(%dma_start3A_93 : memref<1024x768xf32, #tpu.memory_space<hbm>>) target(%arg11 : memref<16x768xf32, #tpu.memory_space<vmem>>) offsets(%dma_start3A_90 : memref<16xi32, #tpu.memory_space<vmem>>) semaphore(%arg16 : memref<!tpu.dma_semaphore, #tpu.memory_space<semaphore_mem>>)
    %dma_wait3A_94 = arith.constant 0 : i32
    %dma_wait3A_95 = arith.constant 0 : i32
    %dma_wait3A_96 = tpu.memref_slice %arg3[%dma_wait3A_94, %dma_wait3A_95] : memref<100001x768xf32, #tpu.memory_space<hbm>> -> memref<72x768xf32, #tpu.memory_space<hbm>>
    %dma_wait3A_97 = arith.constant 0 : i32
    %dma_wait3A_98 = arith.constant 0 : i32
    %dma_wait3A_99 = tpu.memref_slice %arg3[%dma_wait3A_97, %dma_wait3A_98] : memref<100001x768xf32, #tpu.memory_space<hbm>> -> memref<72x768xf32, #tpu.memory_space<hbm>>
    tpu.wait_dma2 semaphore(%arg14 : memref<!tpu.dma_semaphore, #tpu.memory_space<semaphore_mem>>) src(%dma_wait3A_99 : memref<72x768xf32, #tpu.memory_space<hbm>>) dst(%arg9 : memref<72x768xf32, #tpu.memory_space<vmem>>)
    %dma_wait3A_100 = arith.constant 0 : i32
    %dma_wait3A_101 = arith.constant 0 : i32
    %dma_wait3A_102 = tpu.memref_slice %arg4[%dma_wait3A_100, %dma_wait3A_101] : memref<1024x768xf32, #tpu.memory_space<hbm>> -> memref<16x768xf32, #tpu.memory_space<hbm>>
    %dma_wait3A_103 = arith.constant 0 : i32
    %dma_wait3A_104 = arith.constant 0 : i32
    %dma_wait3A_105 = tpu.memref_slice %arg4[%dma_wait3A_103, %dma_wait3A_104] : memref<1024x768xf32, #tpu.memory_space<hbm>> -> memref<16x768xf32, #tpu.memory_space<hbm>>
    tpu.wait_dma2 semaphore(%arg16 : memref<!tpu.dma_semaphore, #tpu.memory_space<semaphore_mem>>) src(%dma_wait3A_105 : memref<16x768xf32, #tpu.memory_space<hbm>>) dst(%arg11 : memref<16x768xf32, #tpu.memory_space<vmem>>)
    %scan3A_106 = arith.constant 0 : i32
    %scan3A_107 = arith.constant 0 : i32
    %scan3A_108 = arith.constant 48 : i32
    %scan3A_109 = arith.addi %scan3A_107, %scan3A_108 : i32
    %scan3A_110 = arith.constant 1 : i32
    %scan3A_111 = scf.for %scan3A_129 = %scan3A_107 to %scan3A_109 step %scan3A_110 iter_args(%scan3A_130 = %scan3A_106) -> (i32)  : i32 {
      %mul3A_131 = arith.constant 16 : i32
      %mul3A_132 = arith.muli %scan3A_129, %mul3A_131 : i32
      %get3A = arith.constant 0 : i32
      %get3A_133 = arith.index_cast %get3A : i32 to index
      %get3A_134 = arith.index_cast %mul3A_132 : i32 to index
      %get3A_135 = tpu.vector_load %arg9[%get3A_133, %get3A_134] {strides = array<i32>} : memref<72x768xf32, #tpu.memory_space<vmem>>, vector<1x16xf32>,
      %get3A_136 = vector.shape_cast %get3A_135 : vector<1x16xf32> to vector<16xf32>
      %get3A_137 = arith.constant 9 : i32
      %get3A_138 = arith.index_cast %get3A_137 : i32 to index
      %get3A_139 = arith.index_cast %mul3A_132 : i32 to index
      %get3A_140 = tpu.vector_load %arg9[%get3A_138, %get3A_139] {strides = array<i32>} : memref<72x768xf32, #tpu.memory_space<vmem>>, vector<1x16xf32>,
      %get3A_141 = vector.shape_cast %get3A_140 : vector<1x16xf32> to vector<16xf32>
      %get3A_142 = arith.constant 18 : i32
      %get3A_143 = arith.index_cast %get3A_142 : i32 to index
      %get3A_144 = arith.index_cast %mul3A_132 : i32 to index
      %get3A_145 = tpu.vector_load %arg9[%get3A_143, %get3A_144] {strides = array<i32>} : memref<72x768xf32, #tpu.memory_space<vmem>>, vector<1x16xf32>,
      %get3A_146 = vector.shape_cast %get3A_145 : vector<1x16xf32> to vector<16xf32>
      %get3A_147 = arith.constant 27 : i32
      %get3A_148 = arith.index_cast %get3A_147 : i32 to index
      %get3A_149 = arith.index_cast %mul3A_132 : i32 to index
      %get3A_150 = tpu.vector_load %arg9[%get3A_148, %get3A_149] {strides = array<i32>} : memref<72x768xf32, #tpu.memory_space<vmem>>, vector<1x16xf32>,
      %get3A_151 = vector.shape_cast %get3A_150 : vector<1x16xf32> to vector<16xf32>
      %get3A_152 = arith.constant 36 : i32
      %get3A_153 = arith.index_cast %get3A_152 : i32 to index
      %get3A_154 = arith.index_cast %mul3A_132 : i32 to index
      %get3A_155 = tpu.vector_load %arg9[%get3A_153, %get3A_154] {strides = array<i32>} : memref<72x768xf32, #tpu.memory_space<vmem>>, vector<1x16xf32>,
      %get3A_156 = vector.shape_cast %get3A_155 : vector<1x16xf32> to vector<16xf32>
      %get3A_157 = arith.constant 45 : i32
      %get3A_158 = arith.index_cast %get3A_157 : i32 to index
      %get3A_159 = arith.index_cast %mul3A_132 : i32 to index
      %get3A_160 = tpu.vector_load %arg9[%get3A_158, %get3A_159] {strides = array<i32>} : memref<72x768xf32, #tpu.memory_space<vmem>>, vector<1x16xf32>,
      %get3A_161 = vector.shape_cast %get3A_160 : vector<1x16xf32> to vector<16xf32>
      %get3A_162 = arith.constant 54 : i32
      %get3A_163 = arith.index_cast %get3A_162 : i32 to index
      %get3A_164 = arith.index_cast %mul3A_132 : i32 to index
      %get3A_165 = tpu.vector_load %arg9[%get3A_163, %get3A_164] {strides = array<i32>} : memref<72x768xf32, #tpu.memory_space<vmem>>, vector<1x16xf32>,
      %get3A_166 = vector.shape_cast %get3A_165 : vector<1x16xf32> to vector<16xf32>
      %get3A_167 = arith.constant 63 : i32
      %get3A_168 = arith.index_cast %get3A_167 : i32 to index
      %get3A_169 = arith.index_cast %mul3A_132 : i32 to index
      %get3A_170 = tpu.vector_load %arg9[%get3A_168, %get3A_169] {strides = array<i32>} : memref<72x768xf32, #tpu.memory_space<vmem>>, vector<1x16xf32>,
      %get3A_171 = vector.shape_cast %get3A_170 : vector<1x16xf32> to vector<16xf32>
      %get3A_172 = arith.constant 1 : i32
      %get3A_173 = arith.index_cast %get3A_172 : i32 to index
      %get3A_174 = arith.index_cast %mul3A_132 : i32 to index
      %get3A_175 = tpu.vector_load %arg9[%get3A_173, %get3A_174] {strides = array<i32>} : memref<72x768xf32, #tpu.memory_space<vmem>>, vector<1x16xf32>,
      %get3A_176 = vector.shape_cast %get3A_175 : vector<1x16xf32> to vector<16xf32>
      %add3A_177 = arith.addf %get3A_136, %get3A_176 : vector<16xf32>
      %get3A_178 = arith.constant 10 : i32
      %get3A_179 = arith.index_cast %get3A_178 : i32 to index
      %get3A_180 = arith.index_cast %mul3A_132 : i32 to index
      %get3A_181 = tpu.vector_load %arg9[%get3A_179, %get3A_180] {strides = array<i32>} : memref<72x768xf32, #tpu.memory_space<vmem>>, vector<1x16xf32>,
      %get3A_182 = vector.shape_cast %get3A_181 : vector<1x16xf32> to vector<16xf32>
      %add3A_183 = arith.addf %get3A_141, %get3A_182 : vector<16xf32>
      %get3A_184 = arith.constant 19 : i32
      %get3A_185 = arith.index_cast %get3A_184 : i32 to index
      %get3A_186 = arith.index_cast %mul3A_132 : i32 to index
      %get3A_187 = tpu.vector_load %arg9[%get3A_185, %get3A_186] {strides = array<i32>} : memref<72x768xf32, #tpu.memory_space<vmem>>, vector<1x16xf32>,
      %get3A_188 = vector.shape_cast %get3A_187 : vector<1x16xf32> to vector<16xf32>
      %add3A_189 = arith.addf %get3A_146, %get3A_188 : vector<16xf32>
      %get3A_190 = arith.constant 28 : i32
      %get3A_191 = arith.index_cast %get3A_190 : i32 to index
      %get3A_192 = arith.index_cast %mul3A_132 : i32 to index
      %get3A_193 = tpu.vector_load %arg9[%get3A_191, %get3A_192] {strides = array<i32>} : memref<72x768xf32, #tpu.memory_space<vmem>>, vector<1x16xf32>,
      %get3A_194 = vector.shape_cast %get3A_193 : vector<1x16xf32> to vector<16xf32>
      %add3A_195 = arith.addf %get3A_151, %get3A_194 : vector<16xf32>
      %get3A_196 = arith.constant 37 : i32
      %get3A_197 = arith.index_cast %get3A_196 : i32 to index
      %get3A_198 = arith.index_cast %mul3A_132 : i32 to index
      %get3A_199 = tpu.vector_load %arg9[%get3A_197, %get3A_198] {strides = array<i32>} : memref<72x768xf32, #tpu.memory_space<vmem>>, vector<1x16xf32>,
      %get3A_200 = vector.shape_cast %get3A_199 : vector<1x16xf32> to vector<16xf32>
      %add3A_201 = arith.addf %get3A_156, %get3A_200 : vector<16xf32>
      %get3A_202 = arith.constant 46 : i32
      %get3A_203 = arith.index_cast %get3A_202 : i32 to index
      %get3A_204 = arith.index_cast %mul3A_132 : i32 to index
      %get3A_205 = tpu.vector_load %arg9[%get3A_203, %get3A_204] {strides = array<i32>} : memref<72x768xf32, #tpu.memory_space<vmem>>, vector<1x16xf32>,
      %get3A_206 = vector.shape_cast %get3A_205 : vector<1x16xf32> to vector<16xf32>
      %add3A_207 = arith.addf %get3A_161, %get3A_206 : vector<16xf32>
      %get3A_208 = arith.constant 55 : i32
      %get3A_209 = arith.index_cast %get3A_208 : i32 to index
      %get3A_210 = arith.index_cast %mul3A_132 : i32 to index
      %get3A_211 = tpu.vector_load %arg9[%get3A_209, %get3A_210] {strides = array<i32>} : memref<72x768xf32, #tpu.memory_space<vmem>>, vector<1x16xf32>,
      %get3A_212 = vector.shape_cast %get3A_211 : vector<1x16xf32> to vector<16xf32>
      %add3A_213 = arith.addf %get3A_166, %get3A_212 : vector<16xf32>
      %get3A_214 = arith.constant 64 : i32
      %get3A_215 = arith.index_cast %get3A_214 : i32 to index
      %get3A_216 = arith.index_cast %mul3A_132 : i32 to index
      %get3A_217 = tpu.vector_load %arg9[%get3A_215, %get3A_216] {strides = array<i32>} : memref<72x768xf32, #tpu.memory_space<vmem>>, vector<1x16xf32>,
      %get3A_218 = vector.shape_cast %get3A_217 : vector<1x16xf32> to vector<16xf32>
      %add3A_219 = arith.addf %get3A_171, %get3A_218 : vector<16xf32>
      %get3A_220 = arith.constant 2 : i32
      %get3A_221 = arith.index_cast %get3A_220 : i32 to index
      %get3A_222 = arith.index_cast %mul3A_132 : i32 to index
      %get3A_223 = tpu.vector_load %arg9[%get3A_221, %get3A_222] {strides = array<i32>} : memref<72x768xf32, #tpu.memory_space<vmem>>, vector<1x16xf32>,
      %get3A_224 = vector.shape_cast %get3A_223 : vector<1x16xf32> to vector<16xf32>
      %add3A_225 = arith.addf %add3A_177, %get3A_224 : vector<16xf32>
      %get3A_226 = arith.constant 11 : i32
      %get3A_227 = arith.index_cast %get3A_226 : i32 to index
      %get3A_228 = arith.index_cast %mul3A_132 : i32 to index
      %get3A_229 = tpu.vector_load %arg9[%get3A_227, %get3A_228] {strides = array<i32>} : memref<72x768xf32, #tpu.memory_space<vmem>>, vector<1x16xf32>,
      %get3A_230 = vector.shape_cast %get3A_229 : vector<1x16xf32> to vector<16xf32>
      %add3A_231 = arith.addf %add3A_183, %get3A_230 : vector<16xf32>
      %get3A_232 = arith.constant 20 : i32
      %get3A_233 = arith.index_cast %get3A_232 : i32 to index
      %get3A_234 = arith.index_cast %mul3A_132 : i32 to index
      %get3A_235 = tpu.vector_load %arg9[%get3A_233, %get3A_234] {strides = array<i32>} : memref<72x768xf32, #tpu.memory_space<vmem>>, vector<1x16xf32>,
      %get3A_236 = vector.shape_cast %get3A_235 : vector<1x16xf32> to vector<16xf32>
      %add3A_237 = arith.addf %add3A_189, %get3A_236 : vector<16xf32>
      %get3A_238 = arith.constant 29 : i32
      %get3A_239 = arith.index_cast %get3A_238 : i32 to index
      %get3A_240 = arith.index_cast %mul3A_132 : i32 to index
      %get3A_241 = tpu.vector_load %arg9[%get3A_239, %get3A_240] {strides = array<i32>} : memref<72x768xf32, #tpu.memory_space<vmem>>, vector<1x16xf32>,
      %get3A_242 = vector.shape_cast %get3A_241 : vector<1x16xf32> to vector<16xf32>
      %add3A_243 = arith.addf %add3A_195, %get3A_242 : vector<16xf32>
      %get3A_244 = arith.constant 38 : i32
      %get3A_245 = arith.index_cast %get3A_244 : i32 to index
      %get3A_246 = arith.index_cast %mul3A_132 : i32 to index
      %get3A_247 = tpu.vector_load %arg9[%get3A_245, %get3A_246] {strides = array<i32>} : memref<72x768xf32, #tpu.memory_space<vmem>>, vector<1x16xf32>,
      %get3A_248 = vector.shape_cast %get3A_247 : vector<1x16xf32> to vector<16xf32>
      %add3A_249 = arith.addf %add3A_201, %get3A_248 : vector<16xf32>
      %get3A_250 = arith.constant 47 : i32
      %get3A_251 = arith.index_cast %get3A_250 : i32 to index
      %get3A_252 = arith.index_cast %mul3A_132 : i32 to index
      %get3A_253 = tpu.vector_load %arg9[%get3A_251, %get3A_252] {strides = array<i32>} : memref<72x768xf32, #tpu.memory_space<vmem>>, vector<1x16xf32>,
      %get3A_254 = vector.shape_cast %get3A_253 : vector<1x16xf32> to vector<16xf32>
      %add3A_255 = arith.addf %add3A_207, %get3A_254 : vector<16xf32>
      %get3A_256 = arith.constant 56 : i32
      %get3A_257 = arith.index_cast %get3A_256 : i32 to index
      %get3A_258 = arith.index_cast %mul3A_132 : i32 to index
      %get3A_259 = tpu.vector_load %arg9[%get3A_257, %get3A_258] {strides = array<i32>} : memref<72x768xf32, #tpu.memory_space<vmem>>, vector<1x16xf32>,
      %get3A_260 = vector.shape_cast %get3A_259 : vector<1x16xf32> to vector<16xf32>
      %add3A_261 = arith.addf %add3A_213, %get3A_260 : vector<16xf32>
      %get3A_262 = arith.constant 65 : i32
      %get3A_263 = arith.index_cast %get3A_262 : i32 to index
      %get3A_264 = arith.index_cast %mul3A_132 : i32 to index
      %get3A_265 = tpu.vector_load %arg9[%get3A_263, %get3A_264] {strides = array<i32>} : memref<72x768xf32, #tpu.memory_space<vmem>>, vector<1x16xf32>,
      %get3A_266 = vector.shape_cast %get3A_265 : vector<1x16xf32> to vector<16xf32>
      %add3A_267 = arith.addf %add3A_219, %get3A_266 : vector<16xf32>
      %get3A_268 = arith.constant 3 : i32
      %get3A_269 = arith.index_cast %get3A_268 : i32 to index
      %get3A_270 = arith.index_cast %mul3A_132 : i32 to index
      %get3A_271 = tpu.vector_load %arg9[%get3A_269, %get3A_270] {strides = array<i32>} : memref<72x768xf32, #tpu.memory_space<vmem>>, vector<1x16xf32>,
      %get3A_272 = vector.shape_cast %get3A_271 : vector<1x16xf32> to vector<16xf32>
      %add3A_273 = arith.addf %add3A_225, %get3A_272 : vector<16xf32>
      %get3A_274 = arith.constant 12 : i32
      %get3A_275 = arith.index_cast %get3A_274 : i32 to index
      %get3A_276 = arith.index_cast %mul3A_132 : i32 to index
      %get3A_277 = tpu.vector_load %arg9[%get3A_275, %get3A_276] {strides = array<i32>} : memref<72x768xf32, #tpu.memory_space<vmem>>, vector<1x16xf32>,
      %get3A_278 = vector.shape_cast %get3A_277 : vector<1x16xf32> to vector<16xf32>
      %add3A_279 = arith.addf %add3A_231, %get3A_278 : vector<16xf32>
      %get3A_280 = arith.constant 21 : i32
      %get3A_281 = arith.index_cast %get3A_280 : i32 to index
      %get3A_282 = arith.index_cast %mul3A_132 : i32 to index
      %get3A_283 = tpu.vector_load %arg9[%get3A_281, %get3A_282] {strides = array<i32>} : memref<72x768xf32, #tpu.memory_space<vmem>>, vector<1x16xf32>,
      %get3A_284 = vector.shape_cast %get3A_283 : vector<1x16xf32> to vector<16xf32>
      %add3A_285 = arith.addf %add3A_237, %get3A_284 : vector<16xf32>
      %get3A_286 = arith.constant 30 : i32
      %get3A_287 = arith.index_cast %get3A_286 : i32 to index
      %get3A_288 = arith.index_cast %mul3A_132 : i32 to index
      %get3A_289 = tpu.vector_load %arg9[%get3A_287, %get3A_288] {strides = array<i32>} : memref<72x768xf32, #tpu.memory_space<vmem>>, vector<1x16xf32>,
      %get3A_290 = vector.shape_cast %get3A_289 : vector<1x16xf32> to vector<16xf32>
      %add3A_291 = arith.addf %add3A_243, %get3A_290 : vector<16xf32>
      %get3A_292 = arith.constant 39 : i32
      %get3A_293 = arith.index_cast %get3A_292 : i32 to index
      %get3A_294 = arith.index_cast %mul3A_132 : i32 to index
      %get3A_295 = tpu.vector_load %arg9[%get3A_293, %get3A_294] {strides = array<i32>} : memref<72x768xf32, #tpu.memory_space<vmem>>, vector<1x16xf32>,
      %get3A_296 = vector.shape_cast %get3A_295 : vector<1x16xf32> to vector<16xf32>
      %add3A_297 = arith.addf %add3A_249, %get3A_296 : vector<16xf32>
      %get3A_298 = arith.constant 48 : i32
      %get3A_299 = arith.index_cast %get3A_298 : i32 to index
      %get3A_300 = arith.index_cast %mul3A_132 : i32 to index
      %get3A_301 = tpu.vector_load %arg9[%get3A_299, %get3A_300] {strides = array<i32>} : memref<72x768xf32, #tpu.memory_space<vmem>>, vector<1x16xf32>,
      %get3A_302 = vector.shape_cast %get3A_301 : vector<1x16xf32> to vector<16xf32>
      %add3A_303 = arith.addf %add3A_255, %get3A_302 : vector<16xf32>
      %get3A_304 = arith.constant 57 : i32
      %get3A_305 = arith.index_cast %get3A_304 : i32 to index
      %get3A_306 = arith.index_cast %mul3A_132 : i32 to index
      %get3A_307 = tpu.vector_load %arg9[%get3A_305, %get3A_306] {strides = array<i32>} : memref<72x768xf32, #tpu.memory_space<vmem>>, vector<1x16xf32>,
      %get3A_308 = vector.shape_cast %get3A_307 : vector<1x16xf32> to vector<16xf32>
      %add3A_309 = arith.addf %add3A_261, %get3A_308 : vector<16xf32>
      %get3A_310 = arith.constant 66 : i32
      %get3A_311 = arith.index_cast %get3A_310 : i32 to index
      %get3A_312 = arith.index_cast %mul3A_132 : i32 to index
      %get3A_313 = tpu.vector_load %arg9[%get3A_311, %get3A_312] {strides = array<i32>} : memref<72x768xf32, #tpu.memory_space<vmem>>, vector<1x16xf32>,
      %get3A_314 = vector.shape_cast %get3A_313 : vector<1x16xf32> to vector<16xf32>
      %add3A_315 = arith.addf %add3A_267, %get3A_314 : vector<16xf32>
      %get3A_316 = arith.constant 4 : i32
      %get3A_317 = arith.index_cast %get3A_316 : i32 to index
      %get3A_318 = arith.index_cast %mul3A_132 : i32 to index
      %get3A_319 = tpu.vector_load %arg9[%get3A_317, %get3A_318] {strides = array<i32>} : memref<72x768xf32, #tpu.memory_space<vmem>>, vector<1x16xf32>,
      %get3A_320 = vector.shape_cast %get3A_319 : vector<1x16xf32> to vector<16xf32>
      %add3A_321 = arith.addf %add3A_273, %get3A_320 : vector<16xf32>
      %get3A_322 = arith.constant 13 : i32
      %get3A_323 = arith.index_cast %get3A_322 : i32 to index
      %get3A_324 = arith.index_cast %mul3A_132 : i32 to index
      %get3A_325 = tpu.vector_load %arg9[%get3A_323, %get3A_324] {strides = array<i32>} : memref<72x768xf32, #tpu.memory_space<vmem>>, vector<1x16xf32>,
      %get3A_326 = vector.shape_cast %get3A_325 : vector<1x16xf32> to vector<16xf32>
      %add3A_327 = arith.addf %add3A_279, %get3A_326 : vector<16xf32>
      %get3A_328 = arith.constant 22 : i32
      %get3A_329 = arith.index_cast %get3A_328 : i32 to index
      %get3A_330 = arith.index_cast %mul3A_132 : i32 to index
      %get3A_331 = tpu.vector_load %arg9[%get3A_329, %get3A_330] {strides = array<i32>} : memref<72x768xf32, #tpu.memory_space<vmem>>, vector<1x16xf32>,
      %get3A_332 = vector.shape_cast %get3A_331 : vector<1x16xf32> to vector<16xf32>
      %add3A_333 = arith.addf %add3A_285, %get3A_332 : vector<16xf32>
      %get3A_334 = arith.constant 31 : i32
      %get3A_335 = arith.index_cast %get3A_334 : i32 to index
      %get3A_336 = arith.index_cast %mul3A_132 : i32 to index
      %get3A_337 = tpu.vector_load %arg9[%get3A_335, %get3A_336] {strides = array<i32>} : memref<72x768xf32, #tpu.memory_space<vmem>>, vector<1x16xf32>,
      %get3A_338 = vector.shape_cast %get3A_337 : vector<1x16xf32> to vector<16xf32>
      %add3A_339 = arith.addf %add3A_291, %get3A_338 : vector<16xf32>
      %get3A_340 = arith.constant 40 : i32
      %get3A_341 = arith.index_cast %get3A_340 : i32 to index
      %get3A_342 = arith.index_cast %mul3A_132 : i32 to index
      %get3A_343 = tpu.vector_load %arg9[%get3A_341, %get3A_342] {strides = array<i32>} : memref<72x768xf32, #tpu.memory_space<vmem>>, vector<1x16xf32>,
      %get3A_344 = vector.shape_cast %get3A_343 : vector<1x16xf32> to vector<16xf32>
      %add3A_345 = arith.addf %add3A_297, %get3A_344 : vector<16xf32>
      %get3A_346 = arith.constant 49 : i32
      %get3A_347 = arith.index_cast %get3A_346 : i32 to index
      %get3A_348 = arith.index_cast %mul3A_132 : i32 to index
      %get3A_349 = tpu.vector_load %arg9[%get3A_347, %get3A_348] {strides = array<i32>} : memref<72x768xf32, #tpu.memory_space<vmem>>, vector<1x16xf32>,
      %get3A_350 = vector.shape_cast %get3A_349 : vector<1x16xf32> to vector<16xf32>
      %add3A_351 = arith.addf %add3A_303, %get3A_350 : vector<16xf32>
      %get3A_352 = arith.constant 58 : i32
      %get3A_353 = arith.index_cast %get3A_352 : i32 to index
      %get3A_354 = arith.index_cast %mul3A_132 : i32 to index
      %get3A_355 = tpu.vector_load %arg9[%get3A_353, %get3A_354] {strides = array<i32>} : memref<72x768xf32, #tpu.memory_space<vmem>>, vector<1x16xf32>,
      %get3A_356 = vector.shape_cast %get3A_355 : vector<1x16xf32> to vector<16xf32>
      %add3A_357 = arith.addf %add3A_309, %get3A_356 : vector<16xf32>
      %get3A_358 = arith.constant 67 : i32
      %get3A_359 = arith.index_cast %get3A_358 : i32 to index
      %get3A_360 = arith.index_cast %mul3A_132 : i32 to index
      %get3A_361 = tpu.vector_load %arg9[%get3A_359, %get3A_360] {strides = array<i32>} : memref<72x768xf32, #tpu.memory_space<vmem>>, vector<1x16xf32>,
      %get3A_362 = vector.shape_cast %get3A_361 : vector<1x16xf32> to vector<16xf32>
      %add3A_363 = arith.addf %add3A_315, %get3A_362 : vector<16xf32>
      %get3A_364 = arith.constant 5 : i32
      %get3A_365 = arith.index_cast %get3A_364 : i32 to index
      %get3A_366 = arith.index_cast %mul3A_132 : i32 to index
      %get3A_367 = tpu.vector_load %arg9[%get3A_365, %get3A_366] {strides = array<i32>} : memref<72x768xf32, #tpu.memory_space<vmem>>, vector<1x16xf32>,
      %get3A_368 = vector.shape_cast %get3A_367 : vector<1x16xf32> to vector<16xf32>
      %add3A_369 = arith.addf %add3A_321, %get3A_368 : vector<16xf32>
      %get3A_370 = arith.constant 14 : i32
      %get3A_371 = arith.index_cast %get3A_370 : i32 to index
      %get3A_372 = arith.index_cast %mul3A_132 : i32 to index
      %get3A_373 = tpu.vector_load %arg9[%get3A_371, %get3A_372] {strides = array<i32>} : memref<72x768xf32, #tpu.memory_space<vmem>>, vector<1x16xf32>,
      %get3A_374 = vector.shape_cast %get3A_373 : vector<1x16xf32> to vector<16xf32>
      %add3A_375 = arith.addf %add3A_327, %get3A_374 : vector<16xf32>
      %get3A_376 = arith.constant 23 : i32
      %get3A_377 = arith.index_cast %get3A_376 : i32 to index
      %get3A_378 = arith.index_cast %mul3A_132 : i32 to index
      %get3A_379 = tpu.vector_load %arg9[%get3A_377, %get3A_378] {strides = array<i32>} : memref<72x768xf32, #tpu.memory_space<vmem>>, vector<1x16xf32>,
      %get3A_380 = vector.shape_cast %get3A_379 : vector<1x16xf32> to vector<16xf32>
      %add3A_381 = arith.addf %add3A_333, %get3A_380 : vector<16xf32>
      %get3A_382 = arith.constant 32 : i32
      %get3A_383 = arith.index_cast %get3A_382 : i32 to index
      %get3A_384 = arith.index_cast %mul3A_132 : i32 to index
      %get3A_385 = tpu.vector_load %arg9[%get3A_383, %get3A_384] {strides = array<i32>} : memref<72x768xf32, #tpu.memory_space<vmem>>, vector<1x16xf32>,
      %get3A_386 = vector.shape_cast %get3A_385 : vector<1x16xf32> to vector<16xf32>
      %add3A_387 = arith.addf %add3A_339, %get3A_386 : vector<16xf32>
      %get3A_388 = arith.constant 41 : i32
      %get3A_389 = arith.index_cast %get3A_388 : i32 to index
      %get3A_390 = arith.index_cast %mul3A_132 : i32 to index
      %get3A_391 = tpu.vector_load %arg9[%get3A_389, %get3A_390] {strides = array<i32>} : memref<72x768xf32, #tpu.memory_space<vmem>>, vector<1x16xf32>,
      %get3A_392 = vector.shape_cast %get3A_391 : vector<1x16xf32> to vector<16xf32>
      %add3A_393 = arith.addf %add3A_345, %get3A_392 : vector<16xf32>
      %get3A_394 = arith.constant 50 : i32
      %get3A_395 = arith.index_cast %get3A_394 : i32 to index
      %get3A_396 = arith.index_cast %mul3A_132 : i32 to index
      %get3A_397 = tpu.vector_load %arg9[%get3A_395, %get3A_396] {strides = array<i32>} : memref<72x768xf32, #tpu.memory_space<vmem>>, vector<1x16xf32>,
      %get3A_398 = vector.shape_cast %get3A_397 : vector<1x16xf32> to vector<16xf32>
      %add3A_399 = arith.addf %add3A_351, %get3A_398 : vector<16xf32>
      %get3A_400 = arith.constant 59 : i32
      %get3A_401 = arith.index_cast %get3A_400 : i32 to index
      %get3A_402 = arith.index_cast %mul3A_132 : i32 to index
      %get3A_403 = tpu.vector_load %arg9[%get3A_401, %get3A_402] {strides = array<i32>} : memref<72x768xf32, #tpu.memory_space<vmem>>, vector<1x16xf32>,
      %get3A_404 = vector.shape_cast %get3A_403 : vector<1x16xf32> to vector<16xf32>
      %add3A_405 = arith.addf %add3A_357, %get3A_404 : vector<16xf32>
      %get3A_406 = arith.constant 68 : i32
      %get3A_407 = arith.index_cast %get3A_406 : i32 to index
      %get3A_408 = arith.index_cast %mul3A_132 : i32 to index
      %get3A_409 = tpu.vector_load %arg9[%get3A_407, %get3A_408] {strides = array<i32>} : memref<72x768xf32, #tpu.memory_space<vmem>>, vector<1x16xf32>,
      %get3A_410 = vector.shape_cast %get3A_409 : vector<1x16xf32> to vector<16xf32>
      %add3A_411 = arith.addf %add3A_363, %get3A_410 : vector<16xf32>
      %get3A_412 = arith.constant 6 : i32
      %get3A_413 = arith.index_cast %get3A_412 : i32 to index
      %get3A_414 = arith.index_cast %mul3A_132 : i32 to index
      %get3A_415 = tpu.vector_load %arg9[%get3A_413, %get3A_414] {strides = array<i32>} : memref<72x768xf32, #tpu.memory_space<vmem>>, vector<1x16xf32>,
      %get3A_416 = vector.shape_cast %get3A_415 : vector<1x16xf32> to vector<16xf32>
      %add3A_417 = arith.addf %add3A_369, %get3A_416 : vector<16xf32>
      %get3A_418 = arith.constant 15 : i32
      %get3A_419 = arith.index_cast %get3A_418 : i32 to index
      %get3A_420 = arith.index_cast %mul3A_132 : i32 to index
      %get3A_421 = tpu.vector_load %arg9[%get3A_419, %get3A_420] {strides = array<i32>} : memref<72x768xf32, #tpu.memory_space<vmem>>, vector<1x16xf32>,
      %get3A_422 = vector.shape_cast %get3A_421 : vector<1x16xf32> to vector<16xf32>
      %add3A_423 = arith.addf %add3A_375, %get3A_422 : vector<16xf32>
      %get3A_424 = arith.constant 24 : i32
      %get3A_425 = arith.index_cast %get3A_424 : i32 to index
      %get3A_426 = arith.index_cast %mul3A_132 : i32 to index
      %get3A_427 = tpu.vector_load %arg9[%get3A_425, %get3A_426] {strides = array<i32>} : memref<72x768xf32, #tpu.memory_space<vmem>>, vector<1x16xf32>,
      %get3A_428 = vector.shape_cast %get3A_427 : vector<1x16xf32> to vector<16xf32>
      %add3A_429 = arith.addf %add3A_381, %get3A_428 : vector<16xf32>
      %get3A_430 = arith.constant 33 : i32
      %get3A_431 = arith.index_cast %get3A_430 : i32 to index
      %get3A_432 = arith.index_cast %mul3A_132 : i32 to index
      %get3A_433 = tpu.vector_load %arg9[%get3A_431, %get3A_432] {strides = array<i32>} : memref<72x768xf32, #tpu.memory_space<vmem>>, vector<1x16xf32>,
      %get3A_434 = vector.shape_cast %get3A_433 : vector<1x16xf32> to vector<16xf32>
      %add3A_435 = arith.addf %add3A_387, %get3A_434 : vector<16xf32>
      %get3A_436 = arith.constant 42 : i32
      %get3A_437 = arith.index_cast %get3A_436 : i32 to index
      %get3A_438 = arith.index_cast %mul3A_132 : i32 to index
      %get3A_439 = tpu.vector_load %arg9[%get3A_437, %get3A_438] {strides = array<i32>} : memref<72x768xf32, #tpu.memory_space<vmem>>, vector<1x16xf32>,
      %get3A_440 = vector.shape_cast %get3A_439 : vector<1x16xf32> to vector<16xf32>
      %add3A_441 = arith.addf %add3A_393, %get3A_440 : vector<16xf32>
      %get3A_442 = arith.constant 51 : i32
      %get3A_443 = arith.index_cast %get3A_442 : i32 to index
      %get3A_444 = arith.index_cast %mul3A_132 : i32 to index
      %get3A_445 = tpu.vector_load %arg9[%get3A_443, %get3A_444] {strides = array<i32>} : memref<72x768xf32, #tpu.memory_space<vmem>>, vector<1x16xf32>,
      %get3A_446 = vector.shape_cast %get3A_445 : vector<1x16xf32> to vector<16xf32>
      %add3A_447 = arith.addf %add3A_399, %get3A_446 : vector<16xf32>
      %get3A_448 = arith.constant 60 : i32
      %get3A_449 = arith.index_cast %get3A_448 : i32 to index
      %get3A_450 = arith.index_cast %mul3A_132 : i32 to index
      %get3A_451 = tpu.vector_load %arg9[%get3A_449, %get3A_450] {strides = array<i32>} : memref<72x768xf32, #tpu.memory_space<vmem>>, vector<1x16xf32>,
      %get3A_452 = vector.shape_cast %get3A_451 : vector<1x16xf32> to vector<16xf32>
      %add3A_453 = arith.addf %add3A_405, %get3A_452 : vector<16xf32>
      %get3A_454 = arith.constant 69 : i32
      %get3A_455 = arith.index_cast %get3A_454 : i32 to index
      %get3A_456 = arith.index_cast %mul3A_132 : i32 to index
      %get3A_457 = tpu.vector_load %arg9[%get3A_455, %get3A_456] {strides = array<i32>} : memref<72x768xf32, #tpu.memory_space<vmem>>, vector<1x16xf32>,
      %get3A_458 = vector.shape_cast %get3A_457 : vector<1x16xf32> to vector<16xf32>
      %add3A_459 = arith.addf %add3A_411, %get3A_458 : vector<16xf32>
      %get3A_460 = arith.constant 7 : i32
      %get3A_461 = arith.index_cast %get3A_460 : i32 to index
      %get3A_462 = arith.index_cast %mul3A_132 : i32 to index
      %get3A_463 = tpu.vector_load %arg9[%get3A_461, %get3A_462] {strides = array<i32>} : memref<72x768xf32, #tpu.memory_space<vmem>>, vector<1x16xf32>,
      %get3A_464 = vector.shape_cast %get3A_463 : vector<1x16xf32> to vector<16xf32>
      %add3A_465 = arith.addf %add3A_417, %get3A_464 : vector<16xf32>
      %get3A_466 = arith.constant 16 : i32
      %get3A_467 = arith.index_cast %get3A_466 : i32 to index
      %get3A_468 = arith.index_cast %mul3A_132 : i32 to index
      %get3A_469 = tpu.vector_load %arg9[%get3A_467, %get3A_468] {strides = array<i32>} : memref<72x768xf32, #tpu.memory_space<vmem>>, vector<1x16xf32>,
      %get3A_470 = vector.shape_cast %get3A_469 : vector<1x16xf32> to vector<16xf32>
      %add3A_471 = arith.addf %add3A_423, %get3A_470 : vector<16xf32>
      %get3A_472 = arith.constant 25 : i32
      %get3A_473 = arith.index_cast %get3A_472 : i32 to index
      %get3A_474 = arith.index_cast %mul3A_132 : i32 to index
      %get3A_475 = tpu.vector_load %arg9[%get3A_473, %get3A_474] {strides = array<i32>} : memref<72x768xf32, #tpu.memory_space<vmem>>, vector<1x16xf32>,
      %get3A_476 = vector.shape_cast %get3A_475 : vector<1x16xf32> to vector<16xf32>
      %add3A_477 = arith.addf %add3A_429, %get3A_476 : vector<16xf32>
      %get3A_478 = arith.constant 34 : i32
      %get3A_479 = arith.index_cast %get3A_478 : i32 to index
      %get3A_480 = arith.index_cast %mul3A_132 : i32 to index
      %get3A_481 = tpu.vector_load %arg9[%get3A_479, %get3A_480] {strides = array<i32>} : memref<72x768xf32, #tpu.memory_space<vmem>>, vector<1x16xf32>,
      %get3A_482 = vector.shape_cast %get3A_481 : vector<1x16xf32> to vector<16xf32>
      %add3A_483 = arith.addf %add3A_435, %get3A_482 : vector<16xf32>
      %get3A_484 = arith.constant 43 : i32
      %get3A_485 = arith.index_cast %get3A_484 : i32 to index
      %get3A_486 = arith.index_cast %mul3A_132 : i32 to index
      %get3A_487 = tpu.vector_load %arg9[%get3A_485, %get3A_486] {strides = array<i32>} : memref<72x768xf32, #tpu.memory_space<vmem>>, vector<1x16xf32>,
      %get3A_488 = vector.shape_cast %get3A_487 : vector<1x16xf32> to vector<16xf32>
      %add3A_489 = arith.addf %add3A_441, %get3A_488 : vector<16xf32>
      %get3A_490 = arith.constant 52 : i32
      %get3A_491 = arith.index_cast %get3A_490 : i32 to index
      %get3A_492 = arith.index_cast %mul3A_132 : i32 to index
      %get3A_493 = tpu.vector_load %arg9[%get3A_491, %get3A_492] {strides = array<i32>} : memref<72x768xf32, #tpu.memory_space<vmem>>, vector<1x16xf32>,
      %get3A_494 = vector.shape_cast %get3A_493 : vector<1x16xf32> to vector<16xf32>
      %add3A_495 = arith.addf %add3A_447, %get3A_494 : vector<16xf32>
      %get3A_496 = arith.constant 61 : i32
      %get3A_497 = arith.index_cast %get3A_496 : i32 to index
      %get3A_498 = arith.index_cast %mul3A_132 : i32 to index
      %get3A_499 = tpu.vector_load %arg9[%get3A_497, %get3A_498] {strides = array<i32>} : memref<72x768xf32, #tpu.memory_space<vmem>>, vector<1x16xf32>,
      %get3A_500 = vector.shape_cast %get3A_499 : vector<1x16xf32> to vector<16xf32>
      %add3A_501 = arith.addf %add3A_453, %get3A_500 : vector<16xf32>
      %get3A_502 = arith.constant 70 : i32
      %get3A_503 = arith.index_cast %get3A_502 : i32 to index
      %get3A_504 = arith.index_cast %mul3A_132 : i32 to index
      %get3A_505 = tpu.vector_load %arg9[%get3A_503, %get3A_504] {strides = array<i32>} : memref<72x768xf32, #tpu.memory_space<vmem>>, vector<1x16xf32>,
      %get3A_506 = vector.shape_cast %get3A_505 : vector<1x16xf32> to vector<16xf32>
      %add3A_507 = arith.addf %add3A_459, %get3A_506 : vector<16xf32>
      %get3A_508 = arith.constant 8 : i32
      %get3A_509 = arith.index_cast %get3A_508 : i32 to index
      %get3A_510 = arith.index_cast %mul3A_132 : i32 to index
      %get3A_511 = tpu.vector_load %arg9[%get3A_509, %get3A_510] {strides = array<i32>} : memref<72x768xf32, #tpu.memory_space<vmem>>, vector<1x16xf32>,
      %get3A_512 = vector.shape_cast %get3A_511 : vector<1x16xf32> to vector<16xf32>
      %add3A_513 = arith.addf %add3A_465, %get3A_512 : vector<16xf32>
      %get3A_514 = arith.constant 17 : i32
      %get3A_515 = arith.index_cast %get3A_514 : i32 to index
      %get3A_516 = arith.index_cast %mul3A_132 : i32 to index
      %get3A_517 = tpu.vector_load %arg9[%get3A_515, %get3A_516] {strides = array<i32>} : memref<72x768xf32, #tpu.memory_space<vmem>>, vector<1x16xf32>,
      %get3A_518 = vector.shape_cast %get3A_517 : vector<1x16xf32> to vector<16xf32>
      %add3A_519 = arith.addf %add3A_471, %get3A_518 : vector<16xf32>
      %get3A_520 = arith.constant 26 : i32
      %get3A_521 = arith.index_cast %get3A_520 : i32 to index
      %get3A_522 = arith.index_cast %mul3A_132 : i32 to index
      %get3A_523 = tpu.vector_load %arg9[%get3A_521, %get3A_522] {strides = array<i32>} : memref<72x768xf32, #tpu.memory_space<vmem>>, vector<1x16xf32>,
      %get3A_524 = vector.shape_cast %get3A_523 : vector<1x16xf32> to vector<16xf32>
      %add3A_525 = arith.addf %add3A_477, %get3A_524 : vector<16xf32>
      %get3A_526 = arith.constant 35 : i32
      %get3A_527 = arith.index_cast %get3A_526 : i32 to index
      %get3A_528 = arith.index_cast %mul3A_132 : i32 to index
      %get3A_529 = tpu.vector_load %arg9[%get3A_527, %get3A_528] {strides = array<i32>} : memref<72x768xf32, #tpu.memory_space<vmem>>, vector<1x16xf32>,
      %get3A_530 = vector.shape_cast %get3A_529 : vector<1x16xf32> to vector<16xf32>
      %add3A_531 = arith.addf %add3A_483, %get3A_530 : vector<16xf32>
      %get3A_532 = arith.constant 44 : i32
      %get3A_533 = arith.index_cast %get3A_532 : i32 to index
      %get3A_534 = arith.index_cast %mul3A_132 : i32 to index
      %get3A_535 = tpu.vector_load %arg9[%get3A_533, %get3A_534] {strides = array<i32>} : memref<72x768xf32, #tpu.memory_space<vmem>>, vector<1x16xf32>,
      %get3A_536 = vector.shape_cast %get3A_535 : vector<1x16xf32> to vector<16xf32>
      %add3A_537 = arith.addf %add3A_489, %get3A_536 : vector<16xf32>
      %get3A_538 = arith.constant 53 : i32
      %get3A_539 = arith.index_cast %get3A_538 : i32 to index
      %get3A_540 = arith.index_cast %mul3A_132 : i32 to index
      %get3A_541 = tpu.vector_load %arg9[%get3A_539, %get3A_540] {strides = array<i32>} : memref<72x768xf32, #tpu.memory_space<vmem>>, vector<1x16xf32>,
      %get3A_542 = vector.shape_cast %get3A_541 : vector<1x16xf32> to vector<16xf32>
      %add3A_543 = arith.addf %add3A_495, %get3A_542 : vector<16xf32>
      %get3A_544 = arith.constant 62 : i32
      %get3A_545 = arith.index_cast %get3A_544 : i32 to index
      %get3A_546 = arith.index_cast %mul3A_132 : i32 to index
      %get3A_547 = tpu.vector_load %arg9[%get3A_545, %get3A_546] {strides = array<i32>} : memref<72x768xf32, #tpu.memory_space<vmem>>, vector<1x16xf32>,
      %get3A_548 = vector.shape_cast %get3A_547 : vector<1x16xf32> to vector<16xf32>
      %add3A_549 = arith.addf %add3A_501, %get3A_548 : vector<16xf32>
      %get3A_550 = arith.constant 71 : i32
      %get3A_551 = arith.index_cast %get3A_550 : i32 to index
      %get3A_552 = arith.index_cast %mul3A_132 : i32 to index
      %get3A_553 = tpu.vector_load %arg9[%get3A_551, %get3A_552] {strides = array<i32>} : memref<72x768xf32, #tpu.memory_space<vmem>>, vector<1x16xf32>,
      %get3A_554 = vector.shape_cast %get3A_553 : vector<1x16xf32> to vector<16xf32>
      %add3A_555 = arith.addf %add3A_507, %get3A_554 : vector<16xf32>
      %get3A_556 = arith.constant 0 : i32
      %get3A_557 = arith.index_cast %get3A_556 : i32 to index
      %get3A_558 = arith.index_cast %mul3A_132 : i32 to index
      %get3A_559 = tpu.vector_load %arg11[%get3A_557, %get3A_558] {strides = array<i32>} : memref<16x768xf32, #tpu.memory_space<vmem>>, vector<1x16xf32>,
      %get3A_560 = vector.shape_cast %get3A_559 : vector<1x16xf32> to vector<16xf32>
      %add3A_561 = arith.addf %add3A_513, %get3A_560 : vector<16xf32>
      %get3A_562 = arith.constant 1 : i32
      %get3A_563 = arith.index_cast %get3A_562 : i32 to index
      %get3A_564 = arith.index_cast %mul3A_132 : i32 to index
      %get3A_565 = tpu.vector_load %arg11[%get3A_563, %get3A_564] {strides = array<i32>} : memref<16x768xf32, #tpu.memory_space<vmem>>, vector<1x16xf32>,
      %get3A_566 = vector.shape_cast %get3A_565 : vector<1x16xf32> to vector<16xf32>
      %add3A_567 = arith.addf %add3A_519, %get3A_566 : vector<16xf32>
      %get3A_568 = arith.constant 2 : i32
      %get3A_569 = arith.index_cast %get3A_568 : i32 to index
      %get3A_570 = arith.index_cast %mul3A_132 : i32 to index
      %get3A_571 = tpu.vector_load %arg11[%get3A_569, %get3A_570] {strides = array<i32>} : memref<16x768xf32, #tpu.memory_space<vmem>>, vector<1x16xf32>,
      %get3A_572 = vector.shape_cast %get3A_571 : vector<1x16xf32> to vector<16xf32>
      %add3A_573 = arith.addf %add3A_525, %get3A_572 : vector<16xf32>
      %get3A_574 = arith.constant 3 : i32
      %get3A_575 = arith.index_cast %get3A_574 : i32 to index
      %get3A_576 = arith.index_cast %mul3A_132 : i32 to index
      %get3A_577 = tpu.vector_load %arg11[%get3A_575, %get3A_576] {strides = array<i32>} : memref<16x768xf32, #tpu.memory_space<vmem>>, vector<1x16xf32>,
      %get3A_578 = vector.shape_cast %get3A_577 : vector<1x16xf32> to vector<16xf32>
      %add3A_579 = arith.addf %add3A_531, %get3A_578 : vector<16xf32>
      %get3A_580 = arith.constant 4 : i32
      %get3A_581 = arith.index_cast %get3A_580 : i32 to index
      %get3A_582 = arith.index_cast %mul3A_132 : i32 to index
      %get3A_583 = tpu.vector_load %arg11[%get3A_581, %get3A_582] {strides = array<i32>} : memref<16x768xf32, #tpu.memory_space<vmem>>, vector<1x16xf32>,
      %get3A_584 = vector.shape_cast %get3A_583 : vector<1x16xf32> to vector<16xf32>
      %add3A_585 = arith.addf %add3A_537, %get3A_584 : vector<16xf32>
      %get3A_586 = arith.constant 5 : i32
      %get3A_587 = arith.index_cast %get3A_586 : i32 to index
      %get3A_588 = arith.index_cast %mul3A_132 : i32 to index
      %get3A_589 = tpu.vector_load %arg11[%get3A_587, %get3A_588] {strides = array<i32>} : memref<16x768xf32, #tpu.memory_space<vmem>>, vector<1x16xf32>,
      %get3A_590 = vector.shape_cast %get3A_589 : vector<1x16xf32> to vector<16xf32>
      %add3A_591 = arith.addf %add3A_543, %get3A_590 : vector<16xf32>
      %get3A_592 = arith.constant 6 : i32
      %get3A_593 = arith.index_cast %get3A_592 : i32 to index
      %get3A_594 = arith.index_cast %mul3A_132 : i32 to index
      %get3A_595 = tpu.vector_load %arg11[%get3A_593, %get3A_594] {strides = array<i32>} : memref<16x768xf32, #tpu.memory_space<vmem>>, vector<1x16xf32>,
      %get3A_596 = vector.shape_cast %get3A_595 : vector<1x16xf32> to vector<16xf32>
      %add3A_597 = arith.addf %add3A_549, %get3A_596 : vector<16xf32>
      %get3A_598 = arith.constant 7 : i32
      %get3A_599 = arith.index_cast %get3A_598 : i32 to index
      %get3A_600 = arith.index_cast %mul3A_132 : i32 to index
      %get3A_601 = tpu.vector_load %arg11[%get3A_599, %get3A_600] {strides = array<i32>} : memref<16x768xf32, #tpu.memory_space<vmem>>, vector<1x16xf32>,
      %get3A_602 = vector.shape_cast %get3A_601 : vector<1x16xf32> to vector<16xf32>
      %add3A_603 = arith.addf %add3A_555, %get3A_602 : vector<16xf32>
      %get3A_604 = arith.constant 8 : i32
      %get3A_605 = arith.index_cast %get3A_604 : i32 to index
      %get3A_606 = arith.index_cast %mul3A_132 : i32 to index
      %get3A_607 = tpu.vector_load %arg11[%get3A_605, %get3A_606] {strides = array<i32>} : memref<16x768xf32, #tpu.memory_space<vmem>>, vector<1x16xf32>,
      %get3A_608 = vector.shape_cast %get3A_607 : vector<1x16xf32> to vector<16xf32>
      %add3A_609 = arith.addf %add3A_561, %get3A_608 : vector<16xf32>
      %get3A_610 = arith.constant 9 : i32
      %get3A_611 = arith.index_cast %get3A_610 : i32 to index
      %get3A_612 = arith.index_cast %mul3A_132 : i32 to index
      %get3A_613 = tpu.vector_load %arg11[%get3A_611, %get3A_612] {strides = array<i32>} : memref<16x768xf32, #tpu.memory_space<vmem>>, vector<1x16xf32>,
      %get3A_614 = vector.shape_cast %get3A_613 : vector<1x16xf32> to vector<16xf32>
      %add3A_615 = arith.addf %add3A_567, %get3A_614 : vector<16xf32>
      %get3A_616 = arith.constant 10 : i32
      %get3A_617 = arith.index_cast %get3A_616 : i32 to index
      %get3A_618 = arith.index_cast %mul3A_132 : i32 to index
      %get3A_619 = tpu.vector_load %arg11[%get3A_617, %get3A_618] {strides = array<i32>} : memref<16x768xf32, #tpu.memory_space<vmem>>, vector<1x16xf32>,
      %get3A_620 = vector.shape_cast %get3A_619 : vector<1x16xf32> to vector<16xf32>
      %add3A_621 = arith.addf %add3A_573, %get3A_620 : vector<16xf32>
      %get3A_622 = arith.constant 11 : i32
      %get3A_623 = arith.index_cast %get3A_622 : i32 to index
      %get3A_624 = arith.index_cast %mul3A_132 : i32 to index
      %get3A_625 = tpu.vector_load %arg11[%get3A_623, %get3A_624] {strides = array<i32>} : memref<16x768xf32, #tpu.memory_space<vmem>>, vector<1x16xf32>,
      %get3A_626 = vector.shape_cast %get3A_625 : vector<1x16xf32> to vector<16xf32>
      %add3A_627 = arith.addf %add3A_579, %get3A_626 : vector<16xf32>
      %get3A_628 = arith.constant 12 : i32
      %get3A_629 = arith.index_cast %get3A_628 : i32 to index
      %get3A_630 = arith.index_cast %mul3A_132 : i32 to index
      %get3A_631 = tpu.vector_load %arg11[%get3A_629, %get3A_630] {strides = array<i32>} : memref<16x768xf32, #tpu.memory_space<vmem>>, vector<1x16xf32>,
      %get3A_632 = vector.shape_cast %get3A_631 : vector<1x16xf32> to vector<16xf32>
      %add3A_633 = arith.addf %add3A_585, %get3A_632 : vector<16xf32>
      %get3A_634 = arith.constant 13 : i32
      %get3A_635 = arith.index_cast %get3A_634 : i32 to index
      %get3A_636 = arith.index_cast %mul3A_132 : i32 to index
      %get3A_637 = tpu.vector_load %arg11[%get3A_635, %get3A_636] {strides = array<i32>} : memref<16x768xf32, #tpu.memory_space<vmem>>, vector<1x16xf32>,
      %get3A_638 = vector.shape_cast %get3A_637 : vector<1x16xf32> to vector<16xf32>
      %add3A_639 = arith.addf %add3A_591, %get3A_638 : vector<16xf32>
      %get3A_640 = arith.constant 14 : i32
      %get3A_641 = arith.index_cast %get3A_640 : i32 to index
      %get3A_642 = arith.index_cast %mul3A_132 : i32 to index
      %get3A_643 = tpu.vector_load %arg11[%get3A_641, %get3A_642] {strides = array<i32>} : memref<16x768xf32, #tpu.memory_space<vmem>>, vector<1x16xf32>,
      %get3A_644 = vector.shape_cast %get3A_643 : vector<1x16xf32> to vector<16xf32>
      %add3A_645 = arith.addf %add3A_597, %get3A_644 : vector<16xf32>
      %get3A_646 = arith.constant 15 : i32
      %get3A_647 = arith.index_cast %get3A_646 : i32 to index
      %get3A_648 = arith.index_cast %mul3A_132 : i32 to index
      %get3A_649 = tpu.vector_load %arg11[%get3A_647, %get3A_648] {strides = array<i32>} : memref<16x768xf32, #tpu.memory_space<vmem>>, vector<1x16xf32>,
      %get3A_650 = vector.shape_cast %get3A_649 : vector<1x16xf32> to vector<16xf32>
      %add3A_651 = arith.addf %add3A_603, %get3A_650 : vector<16xf32>
      %swap3A = arith.constant 0 : i32
      %swap3A_652 = arith.index_cast %swap3A : i32 to index
      %swap3A_653 = arith.index_cast %mul3A_132 : i32 to index
      %swap3A_654 = tpu.vector_load %arg12[%swap3A_652, %swap3A_653] {strides = array<i32>} : memref<8x768xf32, #tpu.memory_space<vmem>>, vector<1x16xf32>,
      %swap3A_655 = vector.shape_cast %swap3A_654 : vector<1x16xf32> to vector<16xf32>
      %swap3A_656 = vector.shape_cast %add3A_609 : vector<16xf32> to vector<1x16xf32>
      tpu.vector_store %arg12[%swap3A_652, %swap3A_653], %swap3A_656 {strides = array<i32>} : memref<8x768xf32, #tpu.memory_space<vmem>>, vector<1x16xf32>,
      %swap3A_657 = arith.constant 1 : i32
      %swap3A_658 = arith.index_cast %swap3A_657 : i32 to index
      %swap3A_659 = arith.index_cast %mul3A_132 : i32 to index
      %swap3A_660 = tpu.vector_load %arg12[%swap3A_658, %swap3A_659] {strides = array<i32>} : memref<8x768xf32, #tpu.memory_space<vmem>>, vector<1x16xf32>,
      %swap3A_661 = vector.shape_cast %swap3A_660 : vector<1x16xf32> to vector<16xf32>
      %swap3A_662 = vector.shape_cast %add3A_615 : vector<16xf32> to vector<1x16xf32>
      tpu.vector_store %arg12[%swap3A_658, %swap3A_659], %swap3A_662 {strides = array<i32>} : memref<8x768xf32, #tpu.memory_space<vmem>>, vector<1x16xf32>,
      %swap3A_663 = arith.constant 2 : i32
      %swap3A_664 = arith.index_cast %swap3A_663 : i32 to index
      %swap3A_665 = arith.index_cast %mul3A_132 : i32 to index
      %swap3A_666 = tpu.vector_load %arg12[%swap3A_664, %swap3A_665] {strides = array<i32>} : memref<8x768xf32, #tpu.memory_space<vmem>>, vector<1x16xf32>,
      %swap3A_667 = vector.shape_cast %swap3A_666 : vector<1x16xf32> to vector<16xf32>
      %swap3A_668 = vector.shape_cast %add3A_621 : vector<16xf32> to vector<1x16xf32>
      tpu.vector_store %arg12[%swap3A_664, %swap3A_665], %swap3A_668 {strides = array<i32>} : memref<8x768xf32, #tpu.memory_space<vmem>>, vector<1x16xf32>,
      %swap3A_669 = arith.constant 3 : i32
      %swap3A_670 = arith.index_cast %swap3A_669 : i32 to index
      %swap3A_671 = arith.index_cast %mul3A_132 : i32 to index
      %swap3A_672 = tpu.vector_load %arg12[%swap3A_670, %swap3A_671] {strides = array<i32>} : memref<8x768xf32, #tpu.memory_space<vmem>>, vector<1x16xf32>,
      %swap3A_673 = vector.shape_cast %swap3A_672 : vector<1x16xf32> to vector<16xf32>
      %swap3A_674 = vector.shape_cast %add3A_627 : vector<16xf32> to vector<1x16xf32>
      tpu.vector_store %arg12[%swap3A_670, %swap3A_671], %swap3A_674 {strides = array<i32>} : memref<8x768xf32, #tpu.memory_space<vmem>>, vector<1x16xf32>,
      %swap3A_675 = arith.constant 4 : i32
      %swap3A_676 = arith.index_cast %swap3A_675 : i32 to index
      %swap3A_677 = arith.index_cast %mul3A_132 : i32 to index
      %swap3A_678 = tpu.vector_load %arg12[%swap3A_676, %swap3A_677] {strides = array<i32>} : memref<8x768xf32, #tpu.memory_space<vmem>>, vector<1x16xf32>,
      %swap3A_679 = vector.shape_cast %swap3A_678 : vector<1x16xf32> to vector<16xf32>
      %swap3A_680 = vector.shape_cast %add3A_633 : vector<16xf32> to vector<1x16xf32>
      tpu.vector_store %arg12[%swap3A_676, %swap3A_677], %swap3A_680 {strides = array<i32>} : memref<8x768xf32, #tpu.memory_space<vmem>>, vector<1x16xf32>,
      %swap3A_681 = arith.constant 5 : i32
      %swap3A_682 = arith.index_cast %swap3A_681 : i32 to index
      %swap3A_683 = arith.index_cast %mul3A_132 : i32 to index
      %swap3A_684 = tpu.vector_load %arg12[%swap3A_682, %swap3A_683] {strides = array<i32>} : memref<8x768xf32, #tpu.memory_space<vmem>>, vector<1x16xf32>,
      %swap3A_685 = vector.shape_cast %swap3A_684 : vector<1x16xf32> to vector<16xf32>
      %swap3A_686 = vector.shape_cast %add3A_639 : vector<16xf32> to vector<1x16xf32>
      tpu.vector_store %arg12[%swap3A_682, %swap3A_683], %swap3A_686 {strides = array<i32>} : memref<8x768xf32, #tpu.memory_space<vmem>>, vector<1x16xf32>,
      %swap3A_687 = arith.constant 6 : i32
      %swap3A_688 = arith.index_cast %swap3A_687 : i32 to index
      %swap3A_689 = arith.index_cast %mul3A_132 : i32 to index
      %swap3A_690 = tpu.vector_load %arg12[%swap3A_688, %swap3A_689] {strides = array<i32>} : memref<8x768xf32, #tpu.memory_space<vmem>>, vector<1x16xf32>,
      %swap3A_691 = vector.shape_cast %swap3A_690 : vector<1x16xf32> to vector<16xf32>
      %swap3A_692 = vector.shape_cast %add3A_645 : vector<16xf32> to vector<1x16xf32>
      tpu.vector_store %arg12[%swap3A_688, %swap3A_689], %swap3A_692 {strides = array<i32>} : memref<8x768xf32, #tpu.memory_space<vmem>>, vector<1x16xf32>,
      %swap3A_693 = arith.constant 7 : i32
      %swap3A_694 = arith.index_cast %swap3A_693 : i32 to index
      %swap3A_695 = arith.index_cast %mul3A_132 : i32 to index
      %swap3A_696 = tpu.vector_load %arg12[%swap3A_694, %swap3A_695] {strides = array<i32>} : memref<8x768xf32, #tpu.memory_space<vmem>>, vector<1x16xf32>,
      %swap3A_697 = vector.shape_cast %swap3A_696 : vector<1x16xf32> to vector<16xf32>
      %swap3A_698 = vector.shape_cast %add3A_651 : vector<16xf32> to vector<1x16xf32>
      tpu.vector_store %arg12[%swap3A_694, %swap3A_695], %swap3A_698 {strides = array<i32>} : memref<8x768xf32, #tpu.memory_space<vmem>>, vector<1x16xf32>,
      %scan3A_699 = arith.constant 0 : i32
      scf.yield %scan3A_699 : i32
    }
    %scan3A_112 = arith.constant 48 : i32
    %add3A_113 = arith.constant 0 : i32
    %add3A_114 = arith.addi %mul3A_4, %add3A_113 : i32
    "tpu.region"() ({
      %run_scoped3A = tpu.sem_alloc : memref<!tpu.dma_semaphore, #tpu.memory_space<semaphore_mem>>
      %dma_start3A_129 = arith.constant 0 : i32
      %dma_start3A_130 = arith.constant 0 : i32
      %dma_start3A_131 = tpu.memref_slice %arg12[%dma_start3A_129, %dma_start3A_130] : memref<8x768xf32, #tpu.memory_space<vmem>> -> memref<1x768xf32, #tpu.memory_space<vmem>>
      %dma_start3A_132 = arith.constant 128 : i32
      %dma_start3A_133 = arith.constant 0 : i32
      %dma_start3A_134 = tpu.memref_slice %arg6[%add3A_114, %dma_start3A_132, %dma_start3A_133] : memref<256x129x768xf32, #tpu.memory_space<hbm>> -> memref<1x1x768xf32, #tpu.memory_space<hbm>>
      %dma_start3A_135 = tpu.memref_squeeze %dma_start3A_134 : memref<1x1x768xf32, #tpu.memory_space<hbm>> -> memref<1x768xf32, #tpu.memory_space<hbm>>
      %dma_start3A_136 = arith.constant 128 : i32
      %dma_start3A_137 = arith.constant 0 : i32
      %dma_start3A_138 = tpu.memref_slice %arg6[%add3A_114, %dma_start3A_136, %dma_start3A_137] : memref<256x129x768xf32, #tpu.memory_space<hbm>> -> memref<1x1x768xf32, #tpu.memory_space<hbm>>
      %dma_start3A_139 = tpu.memref_squeeze %dma_start3A_138 : memref<1x1x768xf32, #tpu.memory_space<hbm>> -> memref<1x768xf32, #tpu.memory_space<hbm>>
      %dma_start3A_140 = arith.constant 0 : i32
      %dma_start3A_141 = arith.constant 0 : i32
      %dma_start3A_142 = tpu.memref_slice %arg12[%dma_start3A_140, %dma_start3A_141] : memref<8x768xf32, #tpu.memory_space<vmem>> -> memref<1x768xf32, #tpu.memory_space<vmem>>
      tpu.enqueue_dma source(%dma_start3A_142 : memref<1x768xf32, #tpu.memory_space<vmem>>) target(%dma_start3A_139 : memref<1x768xf32, #tpu.memory_space<hbm>>) target_semaphore(%run_scoped3A : memref<!tpu.dma_semaphore, #tpu.memory_space<semaphore_mem>>)
      %dma_wait3A_143 = arith.constant 0 : i32
      %dma_wait3A_144 = arith.constant 0 : i32
      %dma_wait3A_145 = tpu.memref_slice %arg12[%dma_wait3A_143, %dma_wait3A_144] : memref<8x768xf32, #tpu.memory_space<vmem>> -> memref<1x768xf32, #tpu.memory_space<vmem>>
      %dma_wait3A_146 = arith.constant 128 : i32
      %dma_wait3A_147 = arith.constant 0 : i32
      %dma_wait3A_148 = tpu.memref_slice %arg6[%add3A_114, %dma_wait3A_146, %dma_wait3A_147] : memref<256x129x768xf32, #tpu.memory_space<hbm>> -> memref<1x1x768xf32, #tpu.memory_space<hbm>>
      %dma_wait3A_149 = tpu.memref_squeeze %dma_wait3A_148 : memref<1x1x768xf32, #tpu.memory_space<hbm>> -> memref<1x768xf32, #tpu.memory_space<hbm>>
      %dma_wait3A_150 = arith.constant 128 : i32
      %dma_wait3A_151 = arith.constant 0 : i32
      %dma_wait3A_152 = tpu.memref_slice %arg6[%add3A_114, %dma_wait3A_150, %dma_wait3A_151] : memref<256x129x768xf32, #tpu.memory_space<hbm>> -> memref<1x1x768xf32, #tpu.memory_space<hbm>>
      %dma_wait3A_153 = tpu.memref_squeeze %dma_wait3A_152 : memref<1x1x768xf32, #tpu.memory_space<hbm>> -> memref<1x768xf32, #tpu.memory_space<hbm>>
      %dma_wait3A_154 = arith.constant 0 : i32
      %dma_wait3A_155 = arith.constant 0 : i32
      %dma_wait3A_156 = tpu.memref_slice %arg12[%dma_wait3A_154, %dma_wait3A_155] : memref<8x768xf32, #tpu.memory_space<vmem>> -> memref<1x768xf32, #tpu.memory_space<vmem>>
      tpu.wait_dma2 semaphore(%run_scoped3A : memref<!tpu.dma_semaphore, #tpu.memory_space<semaphore_mem>>) src(%dma_wait3A_156 : memref<1x768xf32, #tpu.memory_space<vmem>>) dst(%dma_wait3A_153 : memref<1x768xf32, #tpu.memory_space<hbm>>)
      tpu.yield
    }) : () -> ()
    %add3A_115 = arith.constant 1 : i32
    %add3A_116 = arith.addi %mul3A_4, %add3A_115 : i32
    "tpu.region"() ({
      %run_scoped3A = tpu.sem_alloc : memref<!tpu.dma_semaphore, #tpu.memory_space<semaphore_mem>>
      %dma_start3A_129 = arith.constant 1 : i32
      %dma_start3A_130 = arith.constant 0 : i32
      %dma_start3A_131 = tpu.memref_slice %arg12[%dma_start3A_129, %dma_start3A_130] : memref<8x768xf32, #tpu.memory_space<vmem>> -> memref<1x768xf32, #tpu.memory_space<vmem>>
      %dma_start3A_132 = arith.constant 128 : i32
      %dma_start3A_133 = arith.constant 0 : i32
      %dma_start3A_134 = tpu.memref_slice %arg6[%add3A_116, %dma_start3A_132, %dma_start3A_133] : memref<256x129x768xf32, #tpu.memory_space<hbm>> -> memref<1x1x768xf32, #tpu.memory_space<hbm>>
      %dma_start3A_135 = tpu.memref_squeeze %dma_start3A_134 : memref<1x1x768xf32, #tpu.memory_space<hbm>> -> memref<1x768xf32, #tpu.memory_space<hbm>>
      %dma_start3A_136 = arith.constant 128 : i32
      %dma_start3A_137 = arith.constant 0 : i32
      %dma_start3A_138 = tpu.memref_slice %arg6[%add3A_116, %dma_start3A_136, %dma_start3A_137] : memref<256x129x768xf32, #tpu.memory_space<hbm>> -> memref<1x1x768xf32, #tpu.memory_space<hbm>>
      %dma_start3A_139 = tpu.memref_squeeze %dma_start3A_138 : memref<1x1x768xf32, #tpu.memory_space<hbm>> -> memref<1x768xf32, #tpu.memory_space<hbm>>
      %dma_start3A_140 = arith.constant 1 : i32
      %dma_start3A_141 = arith.constant 0 : i32
      %dma_start3A_142 = tpu.memref_slice %arg12[%dma_start3A_140, %dma_start3A_141] : memref<8x768xf32, #tpu.memory_space<vmem>> -> memref<1x768xf32, #tpu.memory_space<vmem>>
      tpu.enqueue_dma source(%dma_start3A_142 : memref<1x768xf32, #tpu.memory_space<vmem>>) target(%dma_start3A_139 : memref<1x768xf32, #tpu.memory_space<hbm>>) target_semaphore(%run_scoped3A : memref<!tpu.dma_semaphore, #tpu.memory_space<semaphore_mem>>)
      %dma_wait3A_143 = arith.constant 1 : i32
      %dma_wait3A_144 = arith.constant 0 : i32
      %dma_wait3A_145 = tpu.memref_slice %arg12[%dma_wait3A_143, %dma_wait3A_144] : memref<8x768xf32, #tpu.memory_space<vmem>> -> memref<1x768xf32, #tpu.memory_space<vmem>>
      %dma_wait3A_146 = arith.constant 128 : i32
      %dma_wait3A_147 = arith.constant 0 : i32
      %dma_wait3A_148 = tpu.memref_slice %arg6[%add3A_116, %dma_wait3A_146, %dma_wait3A_147] : memref<256x129x768xf32, #tpu.memory_space<hbm>> -> memref<1x1x768xf32, #tpu.memory_space<hbm>>
      %dma_wait3A_149 = tpu.memref_squeeze %dma_wait3A_148 : memref<1x1x768xf32, #tpu.memory_space<hbm>> -> memref<1x768xf32, #tpu.memory_space<hbm>>
      %dma_wait3A_150 = arith.constant 128 : i32
      %dma_wait3A_151 = arith.constant 0 : i32
      %dma_wait3A_152 = tpu.memref_slice %arg6[%add3A_116, %dma_wait3A_150, %dma_wait3A_151] : memref<256x129x768xf32, #tpu.memory_space<hbm>> -> memref<1x1x768xf32, #tpu.memory_space<hbm>>
      %dma_wait3A_153 = tpu.memref_squeeze %dma_wait3A_152 : memref<1x1x768xf32, #tpu.memory_space<hbm>> -> memref<1x768xf32, #tpu.memory_space<hbm>>
      %dma_wait3A_154 = arith.constant 1 : i32
      %dma_wait3A_155 = arith.constant 0 : i32
      %dma_wait3A_156 = tpu.memref_slice %arg12[%dma_wait3A_154, %dma_wait3A_155] : memref<8x768xf32, #tpu.memory_space<vmem>> -> memref<1x768xf32, #tpu.memory_space<vmem>>
      tpu.wait_dma2 semaphore(%run_scoped3A : memref<!tpu.dma_semaphore, #tpu.memory_space<semaphore_mem>>) src(%dma_wait3A_156 : memref<1x768xf32, #tpu.memory_space<vmem>>) dst(%dma_wait3A_153 : memref<1x768xf32, #tpu.memory_space<hbm>>)
      tpu.yield
    }) : () -> ()
    %add3A_117 = arith.constant 2 : i32
    %add3A_118 = arith.addi %mul3A_4, %add3A_117 : i32
    "tpu.region"() ({
      %run_scoped3A = tpu.sem_alloc : memref<!tpu.dma_semaphore, #tpu.memory_space<semaphore_mem>>
      %dma_start3A_129 = arith.constant 2 : i32
      %dma_start3A_130 = arith.constant 0 : i32
      %dma_start3A_131 = tpu.memref_slice %arg12[%dma_start3A_129, %dma_start3A_130] : memref<8x768xf32, #tpu.memory_space<vmem>> -> memref<1x768xf32, #tpu.memory_space<vmem>>
      %dma_start3A_132 = arith.constant 128 : i32
      %dma_start3A_133 = arith.constant 0 : i32
      %dma_start3A_134 = tpu.memref_slice %arg6[%add3A_118, %dma_start3A_132, %dma_start3A_133] : memref<256x129x768xf32, #tpu.memory_space<hbm>> -> memref<1x1x768xf32, #tpu.memory_space<hbm>>
      %dma_start3A_135 = tpu.memref_squeeze %dma_start3A_134 : memref<1x1x768xf32, #tpu.memory_space<hbm>> -> memref<1x768xf32, #tpu.memory_space<hbm>>
      %dma_start3A_136 = arith.constant 128 : i32
      %dma_start3A_137 = arith.constant 0 : i32
      %dma_start3A_138 = tpu.memref_slice %arg6[%add3A_118, %dma_start3A_136, %dma_start3A_137] : memref<256x129x768xf32, #tpu.memory_space<hbm>> -> memref<1x1x768xf32, #tpu.memory_space<hbm>>
      %dma_start3A_139 = tpu.memref_squeeze %dma_start3A_138 : memref<1x1x768xf32, #tpu.memory_space<hbm>> -> memref<1x768xf32, #tpu.memory_space<hbm>>
      %dma_start3A_140 = arith.constant 2 : i32
      %dma_start3A_141 = arith.constant 0 : i32
      %dma_start3A_142 = tpu.memref_slice %arg12[%dma_start3A_140, %dma_start3A_141] : memref<8x768xf32, #tpu.memory_space<vmem>> -> memref<1x768xf32, #tpu.memory_space<vmem>>
      tpu.enqueue_dma source(%dma_start3A_142 : memref<1x768xf32, #tpu.memory_space<vmem>>) target(%dma_start3A_139 : memref<1x768xf32, #tpu.memory_space<hbm>>) target_semaphore(%run_scoped3A : memref<!tpu.dma_semaphore, #tpu.memory_space<semaphore_mem>>)
      %dma_wait3A_143 = arith.constant 2 : i32
      %dma_wait3A_144 = arith.constant 0 : i32
      %dma_wait3A_145 = tpu.memref_slice %arg12[%dma_wait3A_143, %dma_wait3A_144] : memref<8x768xf32, #tpu.memory_space<vmem>> -> memref<1x768xf32, #tpu.memory_space<vmem>>
      %dma_wait3A_146 = arith.constant 128 : i32
      %dma_wait3A_147 = arith.constant 0 : i32
      %dma_wait3A_148 = tpu.memref_slice %arg6[%add3A_118, %dma_wait3A_146, %dma_wait3A_147] : memref<256x129x768xf32, #tpu.memory_space<hbm>> -> memref<1x1x768xf32, #tpu.memory_space<hbm>>
      %dma_wait3A_149 = tpu.memref_squeeze %dma_wait3A_148 : memref<1x1x768xf32, #tpu.memory_space<hbm>> -> memref<1x768xf32, #tpu.memory_space<hbm>>
      %dma_wait3A_150 = arith.constant 128 : i32
      %dma_wait3A_151 = arith.constant 0 : i32
      %dma_wait3A_152 = tpu.memref_slice %arg6[%add3A_118, %dma_wait3A_150, %dma_wait3A_151] : memref<256x129x768xf32, #tpu.memory_space<hbm>> -> memref<1x1x768xf32, #tpu.memory_space<hbm>>
      %dma_wait3A_153 = tpu.memref_squeeze %dma_wait3A_152 : memref<1x1x768xf32, #tpu.memory_space<hbm>> -> memref<1x768xf32, #tpu.memory_space<hbm>>
      %dma_wait3A_154 = arith.constant 2 : i32
      %dma_wait3A_155 = arith.constant 0 : i32
      %dma_wait3A_156 = tpu.memref_slice %arg12[%dma_wait3A_154, %dma_wait3A_155] : memref<8x768xf32, #tpu.memory_space<vmem>> -> memref<1x768xf32, #tpu.memory_space<vmem>>
      tpu.wait_dma2 semaphore(%run_scoped3A : memref<!tpu.dma_semaphore, #tpu.memory_space<semaphore_mem>>) src(%dma_wait3A_156 : memref<1x768xf32, #tpu.memory_space<vmem>>) dst(%dma_wait3A_153 : memref<1x768xf32, #tpu.memory_space<hbm>>)
      tpu.yield
    }) : () -> ()
    %add3A_119 = arith.constant 3 : i32
    %add3A_120 = arith.addi %mul3A_4, %add3A_119 : i32
    "tpu.region"() ({
      %run_scoped3A = tpu.sem_alloc : memref<!tpu.dma_semaphore, #tpu.memory_space<semaphore_mem>>
      %dma_start3A_129 = arith.constant 3 : i32
      %dma_start3A_130 = arith.constant 0 : i32
      %dma_start3A_131 = tpu.memref_slice %arg12[%dma_start3A_129, %dma_start3A_130] : memref<8x768xf32, #tpu.memory_space<vmem>> -> memref<1x768xf32, #tpu.memory_space<vmem>>
      %dma_start3A_132 = arith.constant 128 : i32
      %dma_start3A_133 = arith.constant 0 : i32
      %dma_start3A_134 = tpu.memref_slice %arg6[%add3A_120, %dma_start3A_132, %dma_start3A_133] : memref<256x129x768xf32, #tpu.memory_space<hbm>> -> memref<1x1x768xf32, #tpu.memory_space<hbm>>
      %dma_start3A_135 = tpu.memref_squeeze %dma_start3A_134 : memref<1x1x768xf32, #tpu.memory_space<hbm>> -> memref<1x768xf32, #tpu.memory_space<hbm>>
      %dma_start3A_136 = arith.constant 128 : i32
      %dma_start3A_137 = arith.constant 0 : i32
      %dma_start3A_138 = tpu.memref_slice %arg6[%add3A_120, %dma_start3A_136, %dma_start3A_137] : memref<256x129x768xf32, #tpu.memory_space<hbm>> -> memref<1x1x768xf32, #tpu.memory_space<hbm>>
      %dma_start3A_139 = tpu.memref_squeeze %dma_start3A_138 : memref<1x1x768xf32, #tpu.memory_space<hbm>> -> memref<1x768xf32, #tpu.memory_space<hbm>>
      %dma_start3A_140 = arith.constant 3 : i32
      %dma_start3A_141 = arith.constant 0 : i32
      %dma_start3A_142 = tpu.memref_slice %arg12[%dma_start3A_140, %dma_start3A_141] : memref<8x768xf32, #tpu.memory_space<vmem>> -> memref<1x768xf32, #tpu.memory_space<vmem>>
      tpu.enqueue_dma source(%dma_start3A_142 : memref<1x768xf32, #tpu.memory_space<vmem>>) target(%dma_start3A_139 : memref<1x768xf32, #tpu.memory_space<hbm>>) target_semaphore(%run_scoped3A : memref<!tpu.dma_semaphore, #tpu.memory_space<semaphore_mem>>)
      %dma_wait3A_143 = arith.constant 3 : i32
      %dma_wait3A_144 = arith.constant 0 : i32
      %dma_wait3A_145 = tpu.memref_slice %arg12[%dma_wait3A_143, %dma_wait3A_144] : memref<8x768xf32, #tpu.memory_space<vmem>> -> memref<1x768xf32, #tpu.memory_space<vmem>>
      %dma_wait3A_146 = arith.constant 128 : i32
      %dma_wait3A_147 = arith.constant 0 : i32
      %dma_wait3A_148 = tpu.memref_slice %arg6[%add3A_120, %dma_wait3A_146, %dma_wait3A_147] : memref<256x129x768xf32, #tpu.memory_space<hbm>> -> memref<1x1x768xf32, #tpu.memory_space<hbm>>
      %dma_wait3A_149 = tpu.memref_squeeze %dma_wait3A_148 : memref<1x1x768xf32, #tpu.memory_space<hbm>> -> memref<1x768xf32, #tpu.memory_space<hbm>>
      %dma_wait3A_150 = arith.constant 128 : i32
      %dma_wait3A_151 = arith.constant 0 : i32
      %dma_wait3A_152 = tpu.memref_slice %arg6[%add3A_120, %dma_wait3A_150, %dma_wait3A_151] : memref<256x129x768xf32, #tpu.memory_space<hbm>> -> memref<1x1x768xf32, #tpu.memory_space<hbm>>
      %dma_wait3A_153 = tpu.memref_squeeze %dma_wait3A_152 : memref<1x1x768xf32, #tpu.memory_space<hbm>> -> memref<1x768xf32, #tpu.memory_space<hbm>>
      %dma_wait3A_154 = arith.constant 3 : i32
      %dma_wait3A_155 = arith.constant 0 : i32
      %dma_wait3A_156 = tpu.memref_slice %arg12[%dma_wait3A_154, %dma_wait3A_155] : memref<8x768xf32, #tpu.memory_space<vmem>> -> memref<1x768xf32, #tpu.memory_space<vmem>>
      tpu.wait_dma2 semaphore(%run_scoped3A : memref<!tpu.dma_semaphore, #tpu.memory_space<semaphore_mem>>) src(%dma_wait3A_156 : memref<1x768xf32, #tpu.memory_space<vmem>>) dst(%dma_wait3A_153 : memref<1x768xf32, #tpu.memory_space<hbm>>)
      tpu.yield
    }) : () -> ()
    %add3A_121 = arith.constant 4 : i32
    %add3A_122 = arith.addi %mul3A_4, %add3A_121 : i32
    "tpu.region"() ({
      %run_scoped3A = tpu.sem_alloc : memref<!tpu.dma_semaphore, #tpu.memory_space<semaphore_mem>>
      %dma_start3A_129 = arith.constant 4 : i32
      %dma_start3A_130 = arith.constant 0 : i32
      %dma_start3A_131 = tpu.memref_slice %arg12[%dma_start3A_129, %dma_start3A_130] : memref<8x768xf32, #tpu.memory_space<vmem>> -> memref<1x768xf32, #tpu.memory_space<vmem>>
      %dma_start3A_132 = arith.constant 128 : i32
      %dma_start3A_133 = arith.constant 0 : i32
      %dma_start3A_134 = tpu.memref_slice %arg6[%add3A_122, %dma_start3A_132, %dma_start3A_133] : memref<256x129x768xf32, #tpu.memory_space<hbm>> -> memref<1x1x768xf32, #tpu.memory_space<hbm>>
      %dma_start3A_135 = tpu.memref_squeeze %dma_start3A_134 : memref<1x1x768xf32, #tpu.memory_space<hbm>> -> memref<1x768xf32, #tpu.memory_space<hbm>>
      %dma_start3A_136 = arith.constant 128 : i32
      %dma_start3A_137 = arith.constant 0 : i32
      %dma_start3A_138 = tpu.memref_slice %arg6[%add3A_122, %dma_start3A_136, %dma_start3A_137] : memref<256x129x768xf32, #tpu.memory_space<hbm>> -> memref<1x1x768xf32, #tpu.memory_space<hbm>>
      %dma_start3A_139 = tpu.memref_squeeze %dma_start3A_138 : memref<1x1x768xf32, #tpu.memory_space<hbm>> -> memref<1x768xf32, #tpu.memory_space<hbm>>
      %dma_start3A_140 = arith.constant 4 : i32
      %dma_start3A_141 = arith.constant 0 : i32
      %dma_start3A_142 = tpu.memref_slice %arg12[%dma_start3A_140, %dma_start3A_141] : memref<8x768xf32, #tpu.memory_space<vmem>> -> memref<1x768xf32, #tpu.memory_space<vmem>>
      tpu.enqueue_dma source(%dma_start3A_142 : memref<1x768xf32, #tpu.memory_space<vmem>>) target(%dma_start3A_139 : memref<1x768xf32, #tpu.memory_space<hbm>>) target_semaphore(%run_scoped3A : memref<!tpu.dma_semaphore, #tpu.memory_space<semaphore_mem>>)
      %dma_wait3A_143 = arith.constant 4 : i32
      %dma_wait3A_144 = arith.constant 0 : i32
      %dma_wait3A_145 = tpu.memref_slice %arg12[%dma_wait3A_143, %dma_wait3A_144] : memref<8x768xf32, #tpu.memory_space<vmem>> -> memref<1x768xf32, #tpu.memory_space<vmem>>
      %dma_wait3A_146 = arith.constant 128 : i32
      %dma_wait3A_147 = arith.constant 0 : i32
      %dma_wait3A_148 = tpu.memref_slice %arg6[%add3A_122, %dma_wait3A_146, %dma_wait3A_147] : memref<256x129x768xf32, #tpu.memory_space<hbm>> -> memref<1x1x768xf32, #tpu.memory_space<hbm>>
      %dma_wait3A_149 = tpu.memref_squeeze %dma_wait3A_148 : memref<1x1x768xf32, #tpu.memory_space<hbm>> -> memref<1x768xf32, #tpu.memory_space<hbm>>
      %dma_wait3A_150 = arith.constant 128 : i32
      %dma_wait3A_151 = arith.constant 0 : i32
      %dma_wait3A_152 = tpu.memref_slice %arg6[%add3A_122, %dma_wait3A_150, %dma_wait3A_151] : memref<256x129x768xf32, #tpu.memory_space<hbm>> -> memref<1x1x768xf32, #tpu.memory_space<hbm>>
      %dma_wait3A_153 = tpu.memref_squeeze %dma_wait3A_152 : memref<1x1x768xf32, #tpu.memory_space<hbm>> -> memref<1x768xf32, #tpu.memory_space<hbm>>
      %dma_wait3A_154 = arith.constant 4 : i32
      %dma_wait3A_155 = arith.constant 0 : i32
      %dma_wait3A_156 = tpu.memref_slice %arg12[%dma_wait3A_154, %dma_wait3A_155] : memref<8x768xf32, #tpu.memory_space<vmem>> -> memref<1x768xf32, #tpu.memory_space<vmem>>
      tpu.wait_dma2 semaphore(%run_scoped3A : memref<!tpu.dma_semaphore, #tpu.memory_space<semaphore_mem>>) src(%dma_wait3A_156 : memref<1x768xf32, #tpu.memory_space<vmem>>) dst(%dma_wait3A_153 : memref<1x768xf32, #tpu.memory_space<hbm>>)
      tpu.yield
    }) : () -> ()
    %add3A_123 = arith.constant 5 : i32
    %add3A_124 = arith.addi %mul3A_4, %add3A_123 : i32
    "tpu.region"() ({
      %run_scoped3A = tpu.sem_alloc : memref<!tpu.dma_semaphore, #tpu.memory_space<semaphore_mem>>
      %dma_start3A_129 = arith.constant 5 : i32
      %dma_start3A_130 = arith.constant 0 : i32
      %dma_start3A_131 = tpu.memref_slice %arg12[%dma_start3A_129, %dma_start3A_130] : memref<8x768xf32, #tpu.memory_space<vmem>> -> memref<1x768xf32, #tpu.memory_space<vmem>>
      %dma_start3A_132 = arith.constant 128 : i32
      %dma_start3A_133 = arith.constant 0 : i32
      %dma_start3A_134 = tpu.memref_slice %arg6[%add3A_124, %dma_start3A_132, %dma_start3A_133] : memref<256x129x768xf32, #tpu.memory_space<hbm>> -> memref<1x1x768xf32, #tpu.memory_space<hbm>>
      %dma_start3A_135 = tpu.memref_squeeze %dma_start3A_134 : memref<1x1x768xf32, #tpu.memory_space<hbm>> -> memref<1x768xf32, #tpu.memory_space<hbm>>
      %dma_start3A_136 = arith.constant 128 : i32
      %dma_start3A_137 = arith.constant 0 : i32
      %dma_start3A_138 = tpu.memref_slice %arg6[%add3A_124, %dma_start3A_136, %dma_start3A_137] : memref<256x129x768xf32, #tpu.memory_space<hbm>> -> memref<1x1x768xf32, #tpu.memory_space<hbm>>
      %dma_start3A_139 = tpu.memref_squeeze %dma_start3A_138 : memref<1x1x768xf32, #tpu.memory_space<hbm>> -> memref<1x768xf32, #tpu.memory_space<hbm>>
      %dma_start3A_140 = arith.constant 5 : i32
      %dma_start3A_141 = arith.constant 0 : i32
      %dma_start3A_142 = tpu.memref_slice %arg12[%dma_start3A_140, %dma_start3A_141] : memref<8x768xf32, #tpu.memory_space<vmem>> -> memref<1x768xf32, #tpu.memory_space<vmem>>
      tpu.enqueue_dma source(%dma_start3A_142 : memref<1x768xf32, #tpu.memory_space<vmem>>) target(%dma_start3A_139 : memref<1x768xf32, #tpu.memory_space<hbm>>) target_semaphore(%run_scoped3A : memref<!tpu.dma_semaphore, #tpu.memory_space<semaphore_mem>>)
      %dma_wait3A_143 = arith.constant 5 : i32
      %dma_wait3A_144 = arith.constant 0 : i32
      %dma_wait3A_145 = tpu.memref_slice %arg12[%dma_wait3A_143, %dma_wait3A_144] : memref<8x768xf32, #tpu.memory_space<vmem>> -> memref<1x768xf32, #tpu.memory_space<vmem>>
      %dma_wait3A_146 = arith.constant 128 : i32
      %dma_wait3A_147 = arith.constant 0 : i32
      %dma_wait3A_148 = tpu.memref_slice %arg6[%add3A_124, %dma_wait3A_146, %dma_wait3A_147] : memref<256x129x768xf32, #tpu.memory_space<hbm>> -> memref<1x1x768xf32, #tpu.memory_space<hbm>>
      %dma_wait3A_149 = tpu.memref_squeeze %dma_wait3A_148 : memref<1x1x768xf32, #tpu.memory_space<hbm>> -> memref<1x768xf32, #tpu.memory_space<hbm>>
      %dma_wait3A_150 = arith.constant 128 : i32
      %dma_wait3A_151 = arith.constant 0 : i32
      %dma_wait3A_152 = tpu.memref_slice %arg6[%add3A_124, %dma_wait3A_150, %dma_wait3A_151] : memref<256x129x768xf32, #tpu.memory_space<hbm>> -> memref<1x1x768xf32, #tpu.memory_space<hbm>>
      %dma_wait3A_153 = tpu.memref_squeeze %dma_wait3A_152 : memref<1x1x768xf32, #tpu.memory_space<hbm>> -> memref<1x768xf32, #tpu.memory_space<hbm>>
      %dma_wait3A_154 = arith.constant 5 : i32
      %dma_wait3A_155 = arith.constant 0 : i32
      %dma_wait3A_156 = tpu.memref_slice %arg12[%dma_wait3A_154, %dma_wait3A_155] : memref<8x768xf32, #tpu.memory_space<vmem>> -> memref<1x768xf32, #tpu.memory_space<vmem>>
      tpu.wait_dma2 semaphore(%run_scoped3A : memref<!tpu.dma_semaphore, #tpu.memory_space<semaphore_mem>>) src(%dma_wait3A_156 : memref<1x768xf32, #tpu.memory_space<vmem>>) dst(%dma_wait3A_153 : memref<1x768xf32, #tpu.memory_space<hbm>>)
      tpu.yield
    }) : () -> ()
    %add3A_125 = arith.constant 6 : i32
    %add3A_126 = arith.addi %mul3A_4, %add3A_125 : i32
    "tpu.region"() ({
      %run_scoped3A = tpu.sem_alloc : memref<!tpu.dma_semaphore, #tpu.memory_space<semaphore_mem>>
      %dma_start3A_129 = arith.constant 6 : i32
      %dma_start3A_130 = arith.constant 0 : i32
      %dma_start3A_131 = tpu.memref_slice %arg12[%dma_start3A_129, %dma_start3A_130] : memref<8x768xf32, #tpu.memory_space<vmem>> -> memref<1x768xf32, #tpu.memory_space<vmem>>
      %dma_start3A_132 = arith.constant 128 : i32
      %dma_start3A_133 = arith.constant 0 : i32
      %dma_start3A_134 = tpu.memref_slice %arg6[%add3A_126, %dma_start3A_132, %dma_start3A_133] : memref<256x129x768xf32, #tpu.memory_space<hbm>> -> memref<1x1x768xf32, #tpu.memory_space<hbm>>
      %dma_start3A_135 = tpu.memref_squeeze %dma_start3A_134 : memref<1x1x768xf32, #tpu.memory_space<hbm>> -> memref<1x768xf32, #tpu.memory_space<hbm>>
      %dma_start3A_136 = arith.constant 128 : i32
      %dma_start3A_137 = arith.constant 0 : i32
      %dma_start3A_138 = tpu.memref_slice %arg6[%add3A_126, %dma_start3A_136, %dma_start3A_137] : memref<256x129x768xf32, #tpu.memory_space<hbm>> -> memref<1x1x768xf32, #tpu.memory_space<hbm>>
      %dma_start3A_139 = tpu.memref_squeeze %dma_start3A_138 : memref<1x1x768xf32, #tpu.memory_space<hbm>> -> memref<1x768xf32, #tpu.memory_space<hbm>>
      %dma_start3A_140 = arith.constant 6 : i32
      %dma_start3A_141 = arith.constant 0 : i32
      %dma_start3A_142 = tpu.memref_slice %arg12[%dma_start3A_140, %dma_start3A_141] : memref<8x768xf32, #tpu.memory_space<vmem>> -> memref<1x768xf32, #tpu.memory_space<vmem>>
      tpu.enqueue_dma source(%dma_start3A_142 : memref<1x768xf32, #tpu.memory_space<vmem>>) target(%dma_start3A_139 : memref<1x768xf32, #tpu.memory_space<hbm>>) target_semaphore(%run_scoped3A : memref<!tpu.dma_semaphore, #tpu.memory_space<semaphore_mem>>)
      %dma_wait3A_143 = arith.constant 6 : i32
      %dma_wait3A_144 = arith.constant 0 : i32
      %dma_wait3A_145 = tpu.memref_slice %arg12[%dma_wait3A_143, %dma_wait3A_144] : memref<8x768xf32, #tpu.memory_space<vmem>> -> memref<1x768xf32, #tpu.memory_space<vmem>>
      %dma_wait3A_146 = arith.constant 128 : i32
      %dma_wait3A_147 = arith.constant 0 : i32
      %dma_wait3A_148 = tpu.memref_slice %arg6[%add3A_126, %dma_wait3A_146, %dma_wait3A_147] : memref<256x129x768xf32, #tpu.memory_space<hbm>> -> memref<1x1x768xf32, #tpu.memory_space<hbm>>
      %dma_wait3A_149 = tpu.memref_squeeze %dma_wait3A_148 : memref<1x1x768xf32, #tpu.memory_space<hbm>> -> memref<1x768xf32, #tpu.memory_space<hbm>>
      %dma_wait3A_150 = arith.constant 128 : i32
      %dma_wait3A_151 = arith.constant 0 : i32
      %dma_wait3A_152 = tpu.memref_slice %arg6[%add3A_126, %dma_wait3A_150, %dma_wait3A_151] : memref<256x129x768xf32, #tpu.memory_space<hbm>> -> memref<1x1x768xf32, #tpu.memory_space<hbm>>
      %dma_wait3A_153 = tpu.memref_squeeze %dma_wait3A_152 : memref<1x1x768xf32, #tpu.memory_space<hbm>> -> memref<1x768xf32, #tpu.memory_space<hbm>>
      %dma_wait3A_154 = arith.constant 6 : i32
      %dma_wait3A_155 = arith.constant 0 : i32
      %dma_wait3A_156 = tpu.memref_slice %arg12[%dma_wait3A_154, %dma_wait3A_155] : memref<8x768xf32, #tpu.memory_space<vmem>> -> memref<1x768xf32, #tpu.memory_space<vmem>>
      tpu.wait_dma2 semaphore(%run_scoped3A : memref<!tpu.dma_semaphore, #tpu.memory_space<semaphore_mem>>) src(%dma_wait3A_156 : memref<1x768xf32, #tpu.memory_space<vmem>>) dst(%dma_wait3A_153 : memref<1x768xf32, #tpu.memory_space<hbm>>)
      tpu.yield
    }) : () -> ()
    %add3A_127 = arith.constant 7 : i32
    %add3A_128 = arith.addi %mul3A_4, %add3A_127 : i32
    "tpu.region"() ({
      %run_scoped3A = tpu.sem_alloc : memref<!tpu.dma_semaphore, #tpu.memory_space<semaphore_mem>>
      %dma_start3A_129 = arith.constant 7 : i32
      %dma_start3A_130 = arith.constant 0 : i32
      %dma_start3A_131 = tpu.memref_slice %arg12[%dma_start3A_129, %dma_start3A_130] : memref<8x768xf32, #tpu.memory_space<vmem>> -> memref<1x768xf32, #tpu.memory_space<vmem>>
      %dma_start3A_132 = arith.constant 128 : i32
      %dma_start3A_133 = arith.constant 0 : i32
      %dma_start3A_134 = tpu.memref_slice %arg6[%add3A_128, %dma_start3A_132, %dma_start3A_133] : memref<256x129x768xf32, #tpu.memory_space<hbm>> -> memref<1x1x768xf32, #tpu.memory_space<hbm>>
      %dma_start3A_135 = tpu.memref_squeeze %dma_start3A_134 : memref<1x1x768xf32, #tpu.memory_space<hbm>> -> memref<1x768xf32, #tpu.memory_space<hbm>>
      %dma_start3A_136 = arith.constant 128 : i32
      %dma_start3A_137 = arith.constant 0 : i32
      %dma_start3A_138 = tpu.memref_slice %arg6[%add3A_128, %dma_start3A_136, %dma_start3A_137] : memref<256x129x768xf32, #tpu.memory_space<hbm>> -> memref<1x1x768xf32, #tpu.memory_space<hbm>>
      %dma_start3A_139 = tpu.memref_squeeze %dma_start3A_138 : memref<1x1x768xf32, #tpu.memory_space<hbm>> -> memref<1x768xf32, #tpu.memory_space<hbm>>
      %dma_start3A_140 = arith.constant 7 : i32
      %dma_start3A_141 = arith.constant 0 : i32
      %dma_start3A_142 = tpu.memref_slice %arg12[%dma_start3A_140, %dma_start3A_141] : memref<8x768xf32, #tpu.memory_space<vmem>> -> memref<1x768xf32, #tpu.memory_space<vmem>>
      tpu.enqueue_dma source(%dma_start3A_142 : memref<1x768xf32, #tpu.memory_space<vmem>>) target(%dma_start3A_139 : memref<1x768xf32, #tpu.memory_space<hbm>>) target_semaphore(%run_scoped3A : memref<!tpu.dma_semaphore, #tpu.memory_space<semaphore_mem>>)
      %dma_wait3A_143 = arith.constant 7 : i32
      %dma_wait3A_144 = arith.constant 0 : i32
      %dma_wait3A_145 = tpu.memref_slice %arg12[%dma_wait3A_143, %dma_wait3A_144] : memref<8x768xf32, #tpu.memory_space<vmem>> -> memref<1x768xf32, #tpu.memory_space<vmem>>
      %dma_wait3A_146 = arith.constant 128 : i32
      %dma_wait3A_147 = arith.constant 0 : i32
      %dma_wait3A_148 = tpu.memref_slice %arg6[%add3A_128, %dma_wait3A_146, %dma_wait3A_147] : memref<256x129x768xf32, #tpu.memory_space<hbm>> -> memref<1x1x768xf32, #tpu.memory_space<hbm>>
      %dma_wait3A_149 = tpu.memref_squeeze %dma_wait3A_148 : memref<1x1x768xf32, #tpu.memory_space<hbm>> -> memref<1x768xf32, #tpu.memory_space<hbm>>
      %dma_wait3A_150 = arith.constant 128 : i32
      %dma_wait3A_151 = arith.constant 0 : i32
      %dma_wait3A_152 = tpu.memref_slice %arg6[%add3A_128, %dma_wait3A_150, %dma_wait3A_151] : memref<256x129x768xf32, #tpu.memory_space<hbm>> -> memref<1x1x768xf32, #tpu.memory_space<hbm>>
      %dma_wait3A_153 = tpu.memref_squeeze %dma_wait3A_152 : memref<1x1x768xf32, #tpu.memory_space<hbm>> -> memref<1x768xf32, #tpu.memory_space<hbm>>
      %dma_wait3A_154 = arith.constant 7 : i32
      %dma_wait3A_155 = arith.constant 0 : i32
      %dma_wait3A_156 = tpu.memref_slice %arg12[%dma_wait3A_154, %dma_wait3A_155] : memref<8x768xf32, #tpu.memory_space<vmem>> -> memref<1x768xf32, #tpu.memory_space<vmem>>
      tpu.wait_dma2 semaphore(%run_scoped3A : memref<!tpu.dma_semaphore, #tpu.memory_space<semaphore_mem>>) src(%dma_wait3A_156 : memref<1x768xf32, #tpu.memory_space<vmem>>) dst(%dma_wait3A_153 : memref<1x768xf32, #tpu.memory_space<hbm>>)
      tpu.yield
    }) : () -> ()
    return
  }
}

</mosaic_0001>

<sc_bundles>
// kernel: _run.3.cloned.1.call-start
scs
__scs_entry_jumppad:
0x0: {  	(pc) =	sbr.rel $0x88, $3  }
0x1: {  	(tag) =	ssettag $0x0;
	lr =	simm.s32 $0x1  }
0x2: {  	[smem:$0x3F9D] =	sst lr;
	_ =	strace $0xD0000000  }
0x3: {  	_ = 	snop  }
0x4: {  	_ = 	snop  }
0x5: {  	_ = 	snop  }
0x6: {  	_ = 	snop  }
0x7: {  	_ = 	snop  }
__scs_overlays_trampoline_lowered:
0x8: {  	[smem:$0x3FAC] =	sst s0  }
0x9: {  	[smem:$0x3FAD] =	sst s1  }
0xa: {  	[smem:$0x3FAE] =	sst s2  }
0xb: {  	[smem:$0x3FAF] =	sst s3  }
0xc: {  	[smem:$0x3FB0] =	sst s4  }
0xd: {  	[smem:$0x3FB1] =	sst s5  }
0xe: {  	[smem:$0x3FB2] =	sst s6  }
0xf: {  	[smem:$0x3FB3] =	sst s7  }
0x10: {  	[smem:$0x3FB4] =	sst s8  }
0x11: {  	[smem:$0x3FB5] =	sst s9;
	s0 =	simm.s32 @!p0 $0x0  }
0x12: {  	s1 =	sld [smem:$0x3F9B];
	s0 =	simm.s32 @p0 $0x1  }
0x13: {  	[smem:$0x3FB6] =	sst s0;
	s0 =	simm.s32 @!p1 $0x0  }
0x14: {  	s2 =	sld [smem:$0x3F9A];
	s0 =	simm.s32 @p1 $0x1  }
0x15: {  	[smem:$0x3FB7] =	sst s0;
	s0 =	simm.s32 @!p2 $0x0  }
0x16: {  	s3 =	sld [smem:$0x3FDB];
	s0 =	simm.s32 @p2 $0x1  }
0x17: {  	s4 =	simm.s32 $0x1BF5;
	[smem:$0x3FB9] =	sst s0  }
0x18: {  	s0 =	sld [smem:$0x3F9C];
	_ =	swait.ge [sflag:s4], $0x0  }
0x19: {  	s7 =	sld [smem:$0x3F9D]  }
0x1a: {  	s8 =	sadd.s32 $0xFFFFE003, lr  }
0x1b: {  	s9 =	sadd.s32 $0xFFFFFEF7, lr;
	s5 =	simm.s32 $0xFFFFFFFF;
	p2 =	slt.u32 s8, $0xFFFFF086  }
0x1c: {  	p1 =	slt.u32 s9, $0xF7A;
	s5 =	simm.s32 @!p2 $0x0  }
0x1d: {  	s5 =	simm.s32 @p1 $0x1;
	p0 =	seq.s32 s7, s2  }
0x1e: {  	s7 =	smul.u32 @!p0 $0xF7A, s2;
	p2 =	seq.s32 @!p0 s5, $0x0  }
0x1f: {  	s9 =	smul.u32 $0xF7A, s1;
	s8 =	simm.s32 @!p0 $0x1BF5;
	p2 =	por !p2, p0  }
0x20: {  	[sflag:s8] =	ssyncset.s32 @!p0 $0xFFFFF086;
	s6 =	sadd.s32 @!p0 s3, s7;
	s7 =	simm.s32 @!p0 $0x108  }
0x21: {  	s3 =	sadd.s32 s3, s9;
	s6 =	sadd.s32 @!p0 $0x88, s6;
	s7 =	simm.s32 @p2 $0x1082  }
0x22: {  	[simem:s7], [sflag:s8] =	dma.local @!p0 [hbm:s6], $0xF7A  }
0x23: {  	s9 =	sor.u32 $0xD0000000, s2;
	s6 =	simm.s32 $0x108;
	_ =	swait.ge @!p0 [sflag:s8], $0x0  }
0x24: {  	s3 =	sadd.s32 $0x88, s3;
	s6 =	simm.s32 @!p1 $0x1082;
	[sflag:s4] =	ssyncset.s32 $0xFFFFF086  }
0x25: {  	[simem:s6], [sflag:s4] =	dma.local [hbm:s3], $0xF7A  }
0x26: {  	[smem:$0x3F9D] =	sst s1;
	(tag) =	ssettag s2;
	_ =	strace s9  }
0x27: {  	s1 =	sld [smem:$0x3FAD]  }
0x28: {  	s2 =	sld [smem:$0x3FAE]  }
0x29: {  	s4 =	sld [smem:$0x3FB0]  }
0x2a: {  	p0 =	seq.s32 s5, $0x0;
	s5 =	sld [smem:$0x3FB1]  }
0x2b: {  	s6 =	sld [smem:$0x3FB2]  }
0x2c: {  	s7 =	sld [smem:$0x3FB3]  }
0x2d: {  	s3 =	simm.s32 $0x108;
	s8 =	sld [smem:$0x3FB4]  }
0x2e: {  	s3 =	simm.s32 @!p0 $0x1082;
	s9 =	sld [smem:$0x3FB5]  }
0x2f: {  	lr =	sadd.s32 s0, s3;
	s0 =	sld [smem:$0x3FAC]  }
0x30: {  	s3 =	sld [smem:$0x3FAF]  }
0x31: {  	[smem:$0x3FB8] =	sst s10  }
0x32: {  	s10 =	sld [smem:$0x3FB6];
	_ =	sdelay $0x3  }
0x33: {  	p0 =	seq.s32 s10, $0x1;
	s10 =	sld [smem:$0x3FB8];
	_ =	sdelay $0x3  }
0x34: {  	[smem:$0x3FB8] =	sst s10  }
0x35: {  	s10 =	sld [smem:$0x3FB7];
	_ =	sdelay $0x3  }
0x36: {  	p1 =	seq.s32 s10, $0x1;
	s10 =	sld [smem:$0x3FB8];
	_ =	sdelay $0x3  }
0x37: {  	[smem:$0x3FB8] =	sst s10  }
0x38: {  	s10 =	sld [smem:$0x3FB9]  }
0x39: {  	_ = 	snop;
	(pc) =	sbr.ind lr, $3  }
0x3a: {  	_ = 	snop  }
0x3b: {  	_ = 	snop  }
0x3c: {  	p2 =	seq.s32 s10, $0x1;
	s10 =	sld [smem:$0x3FB8]  }
0x3d: {  	_ =	shalt  }
0x3e: {  	_ =	shalt  }
0x3f: {  	_ =	shalt  }
0x40: {  	_ =	shalt  }
0x41: {  	_ =	shalt  }
0x42: {  	_ =	shalt  }
0x43: {  	_ =	shalt  }
0x44: {  	_ =	shalt  }
0x45: {  	_ =	shalt  }
0x46: {  	_ =	shalt  }
0x47: {  	_ =	shalt  }
0x48: {  	_ =	shalt  }
0x49: {  	_ =	shalt  }
0x4a: {  	_ =	shalt  }
0x4b: {  	_ =	shalt  }
0x4c: {  	_ =	shalt  }
0x4d: {  	_ =	shalt  }
0x4e: {  	_ =	shalt  }
0x4f: {  	_ =	shalt  }
0x50: {  	_ =	shalt  }
0x51: {  	_ =	shalt  }
0x52: {  	_ =	shalt  }
0x53: {  	_ =	shalt  }
0x54: {  	_ =	shalt  }
0x55: {  	_ =	shalt  }
0x56: {  	_ =	shalt  }
0x57: {  	_ =	shalt  }
0x58: {  	_ =	shalt  }
0x59: {  	_ =	shalt  }
0x5a: {  	_ =	shalt  }
0x5b: {  	_ =	shalt  }
0x5c: {  	_ =	shalt  }
0x5d: {  	_ =	shalt  }
0x5e: {  	_ =	shalt  }
0x5f: {  	_ =	shalt  }
0x60: {  	_ =	shalt  }
0x61: {  	_ =	shalt  }
0x62: {  	_ =	shalt  }
0x63: {  	_ =	shalt  }
0x64: {  	_ =	shalt  }
0x65: {  	_ =	shalt  }
0x66: {  	_ =	shalt  }
0x67: {  	_ =	shalt  }
0x68: {  	_ =	shalt  }
0x69: {  	_ =	shalt  }
0x6a: {  	_ =	shalt  }
0x6b: {  	_ =	shalt  }
0x6c: {  	_ =	shalt  }
0x6d: {  	_ =	shalt  }
0x6e: {  	_ =	shalt  }
0x6f: {  	_ =	shalt  }
0x70: {  	_ =	shalt  }
0x71: {  	_ =	shalt  }
0x72: {  	_ =	shalt  }
0x73: {  	_ =	shalt  }
0x74: {  	_ =	shalt  }
0x75: {  	_ =	shalt  }
0x76: {  	_ =	shalt  }
0x77: {  	_ =	shalt  }
0x78: {  	_ =	shalt  }
0x79: {  	_ =	shalt  }
0x7a: {  	_ =	shalt  }
0x7b: {  	_ =	shalt  }
0x7c: {  	_ =	shalt  }
0x7d: {  	_ =	shalt  }
0x7e: {  	_ =	shalt  }
0x7f: {  	_ =	shalt  }
0x80: {  	_ =	shalt  }
0x81: {  	_ =	shalt  }
0x82: {  	_ =	shalt  }
0x83: {  	_ =	shalt  }
0x84: {  	_ =	shalt  }
0x85: {  	_ =	shalt  }
0x86: {  	_ =	shalt  }
0x87: {  	_ =	shalt  }
.Lfunc_end0:
.L_simem_size_0:
called_computation_lowered:
.L_overlay_start_0:
0x88: {  	s2 =	sld [smem:$0x3FD9]  }
0x89: {  	s3 =	sld [smem:$0x3FFE];
	_ =	sdelay $0x1  }
0x8a: {  	s1 =	srdreg.scid  }
0x8b: {  	s0 =	sand.u32 $0x1, s1  }
0x8c: {  	s17 =	sshll.u32 s0, $0xA;
	s2 =	sadd.s32 s3, s2  }
0x8d: {  	s2 =	sadd.s32 s2, s17  }
0x8e: {  	[smem:$0x3FC4] =	sst s2  }
0x8f: {  	_ = 	snop  }
0x90: {  	s2 =	sld [smem:$0x3FC9]  }
0x91: {  	s18 =	sld [smem:$0x3FC8]  }
0x92: {  	s4 =	sld [smem:$0x3FC7]  }
0x93: {  	s5 =	sld [smem:$0x3FC6];
	(tm) =	ssettm $0x1  }
0x94: {  	s6 =	sld [smem:$0x3FFB];
	_ =	sdelay $0x3  }
0x95: {  	_ =	strace s6  }
0x96: {  	s6 =	sld [smem:$0x3FFC];
	_ =	sdelay $0x3  }
0x97: {  	_ =	strace s6  }
0x98: {  	s6 =	sld [smem:$0x3FFD];
	_ =	sdelay $0x3  }
0x99: {  	_ =	strace s6  }
0x9a: {  	_ =	strace $0x8FFFFFFF  }
0x9b: {  	s19 =	sld [smem:$0x3FDB];
	_ =	sdelay $0x1  }
0x9c: {  	s7 =	simm.s32 $_scs_section_size  }
0x9d: {  	s8 =	simm.s32 $_size__tile_overlayer_lowered;
	s9 =	simm.s32 $_tile_overlayer_lowered  }
0x9e: {  	s22 =	simm.s32 $0x1BFF;
	s21 =	sshll.u32 s9, $0x1;
	s6 =	sadd.s32 s7, s19  }
0x9f: {  	s10 =	simm.s32 $0x0;
	s20 =	sshll.u32 s8, $0x1;
	s8 =	sadd.s32 s21, s6  }
0xa0: {  	[timem:s10], [sflag:s22] =	dma.local [hbm:s8], s20  }
0xa1: {  	_ =	swait.ge [sflag:s22], s20  }
0xa2: {  	s7 =	ssub.s32 $0x0, s20;
	[sflag:s22] =	ssyncset.done $0x0  }
0xa3: {  	[sflag:s22] =	ssyncadd.s32 s7;
	_ =	sdelay $0x1  }
0xa4: {  	s23 =	simm.s32 $0x1B8B  }
0xa5: {  	_ =	swait.ge [sflag:s23], $0x1  }
0xa6: {  	[sflag:s23] =	ssyncset.done $0x0  }
0xa7: {  	s25 =	simm.s32 $0x1B8E;
	s24 =	sld [smem:$0x3FFE];
	[sflag:s23] =	ssyncadd.s32 $0xFFFFFFFF  }
0xa8: {  	s26 =	simm.s32 $execute0_lowered;
	[smem:$0x3FD2] =	sst s25  }
0xa9: {  	s8 =	sshll.u32 s26, $0x1;
	_ =	strace $0x80000046;
	[dreg:$0x1] =	wrdreg $0xFFFFFFFF  }
0xaa: {  	s28 =	simm.s32 $_size_execute0_lowered;
	s6 =	sadd.s32 s6, s8;
	[dreg:$0x0] =	wrdreg $0x0  }
0xab: {  	s8 =	sshll.u32 s28, $0x1;
	[dreg:$0x2] =	wrdreg s6  }
0xac: {  	[dreg:$0x3] =	wrdreg s8  }
0xad: {  	[dreg:$0x4] =	wrdreg $0xC0  }
0xae: {  	_ =	task [dreg:s10], $0x5FFFF  }
0xaf: {  	[dreg:$0x1] =	wrdreg $0xFFFFFFFF  }
0xb0: {  	[dreg:$0x0] =	wrdreg $0x60  }
0xb1: {  	[dreg:$0x2] =	wrdreg s2  }
0xb2: {  	[dreg:$0x3] =	wrdreg s18  }
0xb3: {  	[dreg:$0x4] =	wrdreg s4  }
0xb4: {  	[dreg:$0x5] =	wrdreg s5  }
0xb5: {  	[dreg:$0x6] =	wrdreg s24  }
0xb6: {  	[dreg:$0x7] =	wrdreg $0x9  }
0xb7: {  	_ =	task.clear_ibuf [dreg:s10], $0x8FFFF;
	_ =	strace $0x90000046  }
0xb8: {  	s29 =	simm.s32 $0x9;
	_ =	strace $0x80000048  }
0xb9: {  	_ =	swait.ge [sflag:s29], $0x1  }
0xba: {  	[sflag:s29] =	ssyncadd.s32 $0xFFFFFFFF  }
0xbb: {  	_ =	strace $0x90000048  }
0xbc: {  	_ =	sfence  }
0xbd: {  	s30 =	sld [smem:$0x0];
	_ =	sdelay $0x2  }
0xbe: {  	s31 =	sshll.u32 s1, $0xD;
	s1 =	sshrl.u32 s1, $0x2  }
0xbf: {  	s3 =	sand.u32 $0x4000, s31;
	s1 =	sadd.s32 s1, s30  }
0xc0: {  	s0 =	sor.u32 s3, s0;
	s1 =	sshll.u32 s1, $0x11  }
0xc1: {  	s0 =	sor.u32 s1, s0  }
0xc2: {  	s0 =	sadd.s32 $0x8F2B, s0  }
0xc3: {  	[sflag:s0] =	ssyncadd.remote.s32 $0x1  }
0xc4: {  	_ =	sfence.sel $0xFFFF  }
0xc5: {  	[dreg:$0x0] =	wrdreg $0xFFFFFFFF;
	(pc) =	sbr.abs _section_cstart, $3  }
0xc6: {  	[dreg:$0x1] =	wrdreg $0xFFFFFFFF  }
0xc7: {  	_ =	task.clear_ibuf [dreg:s10], $0x2FFFF;
	_ =	strace $0x9FFFFFFF  }
0xc8: {  	(tm) =	ssettm $0x7FFFFFFF  }
0xc9: {  	_ =	shalt  }
tec
execute0_lowered:
.L_overlay_start_1:
0x0: {  	(tag) =	ssettag $0x1  }
0x1: {  	s31 =	rddreg [dreg:$0x0]  }
0x2: {  	s2 =	rddreg [dreg:$0x1]  }
0x3: {  	s3 =	rddreg [dreg:$0x2]  }
0x4: {  	s4 =	srdreg.scid;
	s5 =	stileid.u32  }
0x5: {  	s0 =	rddreg [dreg:$0x4];
	s4 =	sand.u32 $0x1, s4;
	s5 =	sshll.u32 s5, $0x1  }
0x6: {  	s6 =	simm.s32 $0x0;
	s8 =	ssub.s32 $0x2, s4;
	s4 =	sor.u32 s4, s5  }
0x7: {  	[smem:$0x7FF] =	sst s6;
	s1 =	sadd.s32 $0x400, s0;
	s5 =	smul.u32 $0x580, s4  }
0x8: {  	_ =	strace $0x80000047;
	s25 =	sshrl.u32 s8, $0x1;
	s10 =	smul.u32 $0xCC000, s4  }
0x9: {  	s7 =	sshll.u32 s4, $0x7;
	s9 =	sshll.u32 s4, $0x3;
	s4 =	smul.u32 $0xB, s4  }
0xa: {  	s0 =	ssub.s32 s8, s25;
	[dreg:$0x1a] =	wrdreg s7;
	s15 =	sadd.s32 s31, s5  }
0xb: {  	s0 =	smax.u32 s0, $0x1;
	[dreg:$0x6] =	wrdreg s15  }
0xc: {  	s4 =	sadd.s32 s4, s31;
	s30 =	sadd.s32 $0xB, s15;
	[dreg:$0x11] =	wrdreg s0  }
0xd: {  	s26 =	sshrl.u32 s10, $0x3;
	s4 =	sadd.s32 $0xB000, s4;
	[dreg:$0x7] =	wrdreg s30  }
0xe: {  	s5 =	sadd.s32 s1, s26;
	[dreg:$0x10] =	wrdreg s4  }
0xf: {  	s8 =	smov.u32 s1;
	s1 =	sadd.s32 $0x3300, s5;
	[dreg:$0x8] =	wrdreg s5  }
0x10: {  	s7 =	sadd.s32 $0x6600, s5;
	[dreg:$0x9] =	wrdreg s1  }
0x11: {  	s15 =	sadd.s32 $0x9900, s5;
	[dreg:$0xa] =	wrdreg s7  }
0x12: {  	s16 =	sadd.s32 $0xCC00, s5;
	[dreg:$0xb] =	wrdreg s15  }
0x13: {  	s17 =	sadd.s32 $0xFF00, s5;
	[dreg:$0xc] =	wrdreg s16  }
0x14: {  	s28 =	simm.s32 $0x1D100;
	s18 =	sadd.s32 $0x13200, s5;
	[dreg:$0xd] =	wrdreg s17  }
0x15: {  	s29 =	simm.s32 $0x1D900;
	s19 =	sadd.s32 $0x16500, s5;
	[dreg:$0xe] =	wrdreg s18  }
0x16: {  	s11 =	sadd.s32 $0x100, s2;
	s20 =	sadd.s32 $0x3000, s5;
	[dreg:$0xf] =	wrdreg s19  }
0x17: {  	s12 =	sadd.s32 $0x200, s2;
	s21 =	sadd.s32 $0x6300, s5;
	[dreg:$0x12] =	wrdreg s20  }
0x18: {  	s13 =	sadd.s32 $0x100, s3;
	s22 =	sadd.s32 $0x9600, s5;
	[dreg:$0x13] =	wrdreg s21  }
0x19: {  	s14 =	sadd.s32 $0x200, s3;
	s23 =	sadd.s32 $0xC900, s5;
	[dreg:$0x14] =	wrdreg s22  }
0x1a: {  	s10 =	simm.s32 $0x1B900;
	s24 =	sadd.s32 $0xFC00, s5;
	[dreg:$0x15] =	wrdreg s23  }
0x1b: {  	s0 =	simm.s32 $0x6;
	s25 =	sadd.s32 $0x12F00, s5;
	[dreg:$0x16] =	wrdreg s24  }
0x1c: {  	s26 =	sadd.s32 $0x16200, s5;
	s30 =	sadd.s32 $0x19500, s5;
	[dreg:$0x17] =	wrdreg s25  }
0x1d: {  	s5 =	simm.s32 $0x1;
	s4 =	simm.s32 $0x3;
	[dreg:$0x18] =	wrdreg s26  }
0x1e: {  	[dreg:$0x19] =	wrdreg s30;
	s15 =	simm.s32 $0x5;
	s25 =	simm.s32 $0x1B100  }
0x1f: {  	v2 =	vlaneseq.u32;
	s16 =	simm.s32 $0x1C100;
	s26 =	simm.s32 $0x1C900;
	s1 =	simm.s32 $0x80  }
0x20: {  	vm0 =	vmmov $0xffff;
	v1 =	vshrl.u32 v2, $0x3;
	s7 =	simm.s32 $0x1F900;
	s24 =	simm.s32 $0x7;
	s17 =	simm.s32 $0x1E100  }
0x21: {  	v0 =	vand.u32 $0x7, v2;
	v2 =	vor.u32 $0x8, v2;
	v1 =	vmul.u32 $0x8, v1;
	s18 =	simm.s32 $0x2;
	s19 =	simm.s32 $0x4;
	s21 =	simm.s32 $0x0  }
.LBB2_1:
0x22: {  	[dreg:$0x1b] =	wrdreg s21  }
0x23: {  	s20 =	rddreg [dreg:$0x6]  }
0x24: {  	[tilespmem:s6], [sflag:$0x5] =	stream.linear.gather [hbm4b:s20+s6], $0x58, $0x38;
	[tilespmem:$0x1FC00] =	vst v63  }
0x25: {  	_ =	swait.ge [sflag:s15], $0x58  }
0x26: {  	[sflag:s15] =	ssyncset.done $0x0  }
0x27: {  	[sflag:s15] =	ssyncadd.s32 $0xFFFFFFA8  }
0x28: {  	v3 =	vld [tilespmem:$0x0];
	_ =	sdelay $0x4  }
0x29: {  	v4 =	vshrl.u32 v3, $0x3  }
0x2a: {  	v4 =	vmul.u32 $0x30, v4  }
0x2b: {  	v3 =	vand.u32 $0x7, v3  }
0x2c: {  	v3 =	vor.u32 v3, v4  }
0x2d: {  	v4 =	vperm.xlane v3, v0;
	_ =	sdelay $0x1  }
0x2e: {  	v4 =	vadd.s32 v1, v4;
	_ =	sdelay $0x3  }
0x2f: {  	s30 =	simm.s32 $0x100;
	v3 =	vperm.xlane v3, v2  }
0x30: {  	[tilespmem:s30], [sflag:$0x1] =	stream.indirect_vreg.gather [hbm4b:s2+s6], $0x80, v4, vm0, $0xb8;
	[tilespmem:$0x1FC00] =	vst v63  }
0x31: {  	s21 =	simm.s32 $0x900;
	v3 =	vadd.s32 v1, v3  }
0x32: {  	[tilespmem:s21], [sflag:$0x1] =	stream.indirect_vreg.gather [hbm4b:s11+s6], $0x80, v4, vm0, $0xb8;
	[tilespmem:$0x1FC00] =	vst v63  }
0x33: {  	s22 =	simm.s32 $0x1100  }
0x34: {  	[tilespmem:s22], [sflag:$0x1] =	stream.indirect_vreg.gather [hbm4b:s12+s6], $0x80, v4, vm0, $0xb8;
	[tilespmem:$0x1FC00] =	vst v63  }
0x35: {  	s23 =	simm.s32 $0x1900  }
0x36: {  	[tilespmem:s23], [sflag:$0x1] =	stream.indirect_vreg.gather [hbm4b:s2+s6], $0x80, v3, vm0, $0xb8;
	[tilespmem:$0x1FC00] =	vst v63  }
0x37: {  	s30 =	simm.s32 $0x2100  }
0x38: {  	[tilespmem:s30], [sflag:$0x1] =	stream.indirect_vreg.gather [hbm4b:s11+s6], $0x80, v3, vm0, $0xb8;
	[tilespmem:$0x1FC00] =	vst v63  }
0x39: {  	s21 =	simm.s32 $0x2900  }
0x3a: {  	[tilespmem:s21], [sflag:$0x1] =	stream.indirect_vreg.gather [hbm4b:s12+s6], $0x80, v3, vm0, $0xb8;
	[tilespmem:$0x1FC00] =	vst v63  }
0x3b: {  	v3 =	vld [tilespmem:$0x10];
	_ =	sdelay $0x4  }
0x3c: {  	v59 =	vshrl.u32 v3, $0x3  }
0x3d: {  	v4 =	vmul.u32 $0x30, v59  }
0x3e: {  	v3 =	vand.u32 $0x7, v3  }
0x3f: {  	v3 =	vor.u32 v3, v4  }
0x40: {  	v4 =	vperm.xlane v3, v0;
	_ =	sdelay $0x1  }
0x41: {  	v4 =	vadd.s32 v1, v4;
	_ =	sdelay $0x3  }
0x42: {  	s22 =	simm.s32 $0x3100;
	v3 =	vperm.xlane v3, v2  }
0x43: {  	[tilespmem:s22], [sflag:$0x1] =	stream.indirect_vreg.gather [hbm4b:s2+s6], $0x80, v4, vm0, $0xb8;
	[tilespmem:$0x1FC00] =	vst v63  }
0x44: {  	s23 =	simm.s32 $0x3900;
	v3 =	vadd.s32 v1, v3  }
0x45: {  	[tilespmem:s23], [sflag:$0x1] =	stream.indirect_vreg.gather [hbm4b:s11+s6], $0x80, v4, vm0, $0xb8;
	[tilespmem:$0x1FC00] =	vst v63  }
0x46: {  	s30 =	simm.s32 $0x4100  }
0x47: {  	[tilespmem:s30], [sflag:$0x1] =	stream.indirect_vreg.gather [hbm4b:s12+s6], $0x80, v4, vm0, $0xb8;
	[tilespmem:$0x1FC00] =	vst v63  }
0x48: {  	s21 =	simm.s32 $0x4900  }
0x49: {  	[tilespmem:s21], [sflag:$0x1] =	stream.indirect_vreg.gather [hbm4b:s2+s6], $0x80, v3, vm0, $0xb8;
	[tilespmem:$0x1FC00] =	vst v63  }
0x4a: {  	s22 =	simm.s32 $0x5100  }
0x4b: {  	[tilespmem:s22], [sflag:$0x1] =	stream.indirect_vreg.gather [hbm4b:s11+s6], $0x80, v3, vm0, $0xb8;
	[tilespmem:$0x1FC00] =	vst v63  }
0x4c: {  	s23 =	simm.s32 $0x5900  }
0x4d: {  	[tilespmem:s23], [sflag:$0x1] =	stream.indirect_vreg.gather [hbm4b:s12+s6], $0x80, v3, vm0, $0xb8;
	[tilespmem:$0x1FC00] =	vst v63  }
0x4e: {  	v3 =	vld [tilespmem:$0x20];
	_ =	sdelay $0x4  }
0x4f: {  	v60 =	vshrl.u32 v3, $0x3  }
0x50: {  	v4 =	vmul.u32 $0x30, v60  }
0x51: {  	v3 =	vand.u32 $0x7, v3  }
0x52: {  	v3 =	vor.u32 v3, v4  }
0x53: {  	v4 =	vperm.xlane v3, v0;
	_ =	sdelay $0x1  }
0x54: {  	v4 =	vadd.s32 v1, v4;
	_ =	sdelay $0x3  }
0x55: {  	s30 =	simm.s32 $0x6100;
	v3 =	vperm.xlane v3, v2  }
0x56: {  	[tilespmem:s30], [sflag:$0x1] =	stream.indirect_vreg.gather [hbm4b:s2+s6], $0x80, v4, vm0, $0xb8;
	[tilespmem:$0x1FC00] =	vst v63  }
0x57: {  	s21 =	simm.s32 $0x6900;
	v3 =	vadd.s32 v1, v3  }
0x58: {  	[tilespmem:s21], [sflag:$0x1] =	stream.indirect_vreg.gather [hbm4b:s11+s6], $0x80, v4, vm0, $0xb8;
	[tilespmem:$0x1FC00] =	vst v63  }
0x59: {  	s22 =	simm.s32 $0x7100  }
0x5a: {  	[tilespmem:s22], [sflag:$0x1] =	stream.indirect_vreg.gather [hbm4b:s12+s6], $0x80, v4, vm0, $0xb8;
	[tilespmem:$0x1FC00] =	vst v63  }
0x5b: {  	s23 =	simm.s32 $0x7900  }
0x5c: {  	[tilespmem:s23], [sflag:$0x1] =	stream.indirect_vreg.gather [hbm4b:s2+s6], $0x80, v3, vm0, $0xb8;
	[tilespmem:$0x1FC00] =	vst v63  }
0x5d: {  	s30 =	simm.s32 $0x8100  }
0x5e: {  	[tilespmem:s30], [sflag:$0x1] =	stream.indirect_vreg.gather [hbm4b:s11+s6], $0x80, v3, vm0, $0xb8;
	[tilespmem:$0x1FC00] =	vst v63  }
0x5f: {  	s21 =	simm.s32 $0x8900  }
0x60: {  	[tilespmem:s21], [sflag:$0x1] =	stream.indirect_vreg.gather [hbm4b:s12+s6], $0x80, v3, vm0, $0xb8;
	[tilespmem:$0x1FC00] =	vst v63  }
0x61: {  	v3 =	vld [tilespmem:$0x30];
	_ =	sdelay $0x4  }
0x62: {  	v61 =	vshrl.u32 v3, $0x3  }
0x63: {  	v4 =	vmul.u32 $0x30, v61  }
0x64: {  	v3 =	vand.u32 $0x7, v3  }
0x65: {  	v3 =	vor.u32 v3, v4  }
0x66: {  	v4 =	vperm.xlane v3, v0;
	_ =	sdelay $0x1  }
0x67: {  	v4 =	vadd.s32 v1, v4;
	_ =	sdelay $0x3  }
0x68: {  	s22 =	simm.s32 $0x9100;
	v3 =	vperm.xlane v3, v2  }
0x69: {  	[tilespmem:s22], [sflag:$0x1] =	stream.indirect_vreg.gather [hbm4b:s2+s6], $0x80, v4, vm0, $0xb8;
	[tilespmem:$0x1FC00] =	vst v63  }
0x6a: {  	s23 =	simm.s32 $0x9900;
	v3 =	vadd.s32 v1, v3  }
0x6b: {  	[tilespmem:s23], [sflag:$0x1] =	stream.indirect_vreg.gather [hbm4b:s11+s6], $0x80, v4, vm0, $0xb8;
	[tilespmem:$0x1FC00] =	vst v63  }
0x6c: {  	s30 =	simm.s32 $0xA100  }
0x6d: {  	[tilespmem:s30], [sflag:$0x1] =	stream.indirect_vreg.gather [hbm4b:s12+s6], $0x80, v4, vm0, $0xb8;
	[tilespmem:$0x1FC00] =	vst v63  }
0x6e: {  	s21 =	simm.s32 $0xA900  }
0x6f: {  	[tilespmem:s21], [sflag:$0x1] =	stream.indirect_vreg.gather [hbm4b:s2+s6], $0x80, v3, vm0, $0xb8;
	[tilespmem:$0x1FC00] =	vst v63  }
0x70: {  	s22 =	simm.s32 $0xB100  }
0x71: {  	[tilespmem:s22], [sflag:$0x1] =	stream.indirect_vreg.gather [hbm4b:s11+s6], $0x80, v3, vm0, $0xb8;
	[tilespmem:$0x1FC00] =	vst v63  }
0x72: {  	s23 =	simm.s32 $0xB900  }
0x73: {  	[tilespmem:s23], [sflag:$0x1] =	stream.indirect_vreg.gather [hbm4b:s12+s6], $0x80, v3, vm0, $0xb8;
	[tilespmem:$0x1FC00] =	vst v63  }
0x74: {  	v3 =	vld.msk [tilespmem:$0x40], $0xff;
	_ =	sdelay $0x4  }
0x75: {  	v62 =	vshrl.u32 v3, $0x3  }
0x76: {  	v4 =	vmul.u32 $0x30, v62  }
0x77: {  	v3 =	vand.u32 $0x7, v3  }
0x78: {  	v3 =	vor.u32 v3, v4  }
0x79: {  	v3 =	vperm.xlane v3, v0;
	_ =	sdelay $0x1  }
0x7a: {  	v3 =	vadd.s32 v1, v3;
	_ =	sdelay $0x3  }
0x7b: {  	s30 =	simm.s32 $0xC100  }
0x7c: {  	[tilespmem:s30], [sflag:$0x1] =	stream.indirect_vreg.gather [hbm4b:s2+s6], $0x80, v3, vm0, $0xb8;
	[tilespmem:$0x1FC00] =	vst v63  }
0x7d: {  	s21 =	simm.s32 $0xC900  }
0x7e: {  	[tilespmem:s21], [sflag:$0x1] =	stream.indirect_vreg.gather [hbm4b:s11+s6], $0x80, v3, vm0, $0xb8;
	[tilespmem:$0x1FC00] =	vst v63  }
0x7f: {  	s22 =	simm.s32 $0xD100  }
0x80: {  	[tilespmem:s22], [sflag:$0x1] =	stream.indirect_vreg.gather [hbm4b:s12+s6], $0x80, v3, vm0, $0xb8;
	[tilespmem:$0x1FC00] =	vst v63  }
0x81: {  	v3 =	vld [tilespmem:$0x48];
	_ =	sdelay $0x4  }
0x82: {  	v63 =	vshrl.u32 v3, $0x3  }
0x83: {  	v4 =	vmul.u32 $0x30, v63  }
0x84: {  	v3 =	vand.u32 $0x7, v3  }
0x85: {  	v3 =	vor.u32 v3, v4  }
0x86: {  	v4 =	vperm.xlane v3, v0;
	_ =	sdelay $0x1  }
0x87: {  	v4 =	vadd.s32 v1, v4;
	_ =	sdelay $0x3  }
0x88: {  	v3 =	vperm.xlane v3, v2  }
0x89: {  	[tilespmem:s25], [sflag:$0x3] =	stream.indirect_vreg.gather [hbm4b:s3+s6], $0x80, v4, vm0, $0xb8;
	[tilespmem:$0x1FC00] =	vst v63  }
0x8a: {  	v3 =	vadd.s32 v1, v3  }
0x8b: {  	[tilespmem:s10], [sflag:$0x3] =	stream.indirect_vreg.gather [hbm4b:s13+s6], $0x80, v4, vm0, $0xb8;
	[tilespmem:$0x1FC00] =	vst v63  }
0x8c: {  	_ = 	snop  }
0x8d: {  	[tilespmem:s16], [sflag:$0x3] =	stream.indirect_vreg.gather [hbm4b:s14+s6], $0x80, v4, vm0, $0xb8;
	[tilespmem:$0x1FC00] =	vst v63  }
0x8e: {  	_ = 	snop  }
0x8f: {  	[tilespmem:s26], [sflag:$0x3] =	stream.indirect_vreg.gather [hbm4b:s3+s6], $0x80, v3, vm0, $0xb8;
	[tilespmem:$0x1FC00] =	vst v63  }
0x90: {  	_ = 	snop  }
0x91: {  	[tilespmem:s28], [sflag:$0x3] =	stream.indirect_vreg.gather [hbm4b:s13+s6], $0x80, v3, vm0, $0xb8;
	[tilespmem:$0x1FC00] =	vst v63  }
0x92: {  	_ = 	snop  }
0x93: {  	[tilespmem:s29], [sflag:$0x3] =	stream.indirect_vreg.gather [hbm4b:s14+s6], $0x80, v3, vm0, $0xb8;
	[tilespmem:$0x1FC00] =	vst v63  }
0x94: {  	s23 =	rddreg [dreg:$0x7]  }
0x95: {  	[tilespmem:s1], [sflag:$0x6] =	stream.linear.gather [hbm4b:s23+s6], $0x58, $0x38;
	[tilespmem:$0x1FC00] =	vst v63  }
0x96: {  	s30 =	rddreg [dreg:$0x3]  }
0x97: {  	[tilespmem:s7], [sflag:$0x7] =	stream.linear.gather [hbm4b:s30+s6], $0x300, $0x38;
	[tilespmem:$0x1FC00] =	vst v63  }
0x98: {  	_ =	swait.ge [sflag:s24], $0x300  }
0x99: {  	[sflag:s24] =	ssyncset.done $0x0  }
0x9a: {  	s20 =	simm.s32 $0x0;
	[sflag:s24] =	ssyncadd.s32 $0xFFFFFD00  }
.LBB2_2:
0x9b: {  	_ =	swait.ge [sflag:s0], $0x58  }
0x9c: {  	[sflag:s0] =	ssyncset.done $0x0  }
0x9d: {  	[sflag:s0] =	ssyncadd.s32 $0xFFFFFFA8  }
0x9e: {  	v3 =	vld [tilespmem:$0x80];
	_ =	sdelay $0x4  }
0x9f: {  	v4 =	vshrl.u32 v3, $0x3  }
0xa0: {  	v4 =	vmul.u32 $0x30, v4  }
0xa1: {  	v3 =	vand.u32 $0x7, v3  }
0xa2: {  	v3 =	vor.u32 v3, v4  }
0xa3: {  	v4 =	vperm.xlane v3, v0;
	_ =	sdelay $0x1  }
0xa4: {  	v4 =	vadd.s32 v1, v4;
	_ =	sdelay $0x3  }
0xa5: {  	s7 =	simm.s32 $0xD900;
	v3 =	vperm.xlane v3, v2  }
0xa6: {  	[tilespmem:s7], [sflag:$0x2] =	stream.indirect_vreg.gather [hbm4b:s2+s6], $0x80, v4, vm0, $0xb8;
	[tilespmem:$0x1FC00] =	vst v63  }
0xa7: {  	s24 =	simm.s32 $0xE100;
	v3 =	vadd.s32 v1, v3  }
0xa8: {  	[tilespmem:s24], [sflag:$0x2] =	stream.indirect_vreg.gather [hbm4b:s11+s6], $0x80, v4, vm0, $0xb8;
	[tilespmem:$0x1FC00] =	vst v63  }
0xa9: {  	s30 =	simm.s32 $0xE900  }
0xaa: {  	[tilespmem:s30], [sflag:$0x2] =	stream.indirect_vreg.gather [hbm4b:s12+s6], $0x80, v4, vm0, $0xb8;
	[tilespmem:$0x1FC00] =	vst v63  }
0xab: {  	s21 =	simm.s32 $0xF100  }
0xac: {  	[tilespmem:s21], [sflag:$0x2] =	stream.indirect_vreg.gather [hbm4b:s2+s6], $0x80, v3, vm0, $0xb8;
	[tilespmem:$0x1FC00] =	vst v63  }
0xad: {  	s22 =	simm.s32 $0xF900  }
0xae: {  	[tilespmem:s22], [sflag:$0x2] =	stream.indirect_vreg.gather [hbm4b:s11+s6], $0x80, v3, vm0, $0xb8;
	[tilespmem:$0x1FC00] =	vst v63  }
0xaf: {  	s23 =	simm.s32 $0x10100  }
0xb0: {  	[tilespmem:s23], [sflag:$0x2] =	stream.indirect_vreg.gather [hbm4b:s12+s6], $0x80, v3, vm0, $0xb8;
	[tilespmem:$0x1FC00] =	vst v63  }
0xb1: {  	v3 =	vld [tilespmem:$0x90];
	_ =	sdelay $0x4  }
0xb2: {  	v60 =	vshrl.u32 v3, $0x3  }
0xb3: {  	v4 =	vmul.u32 $0x30, v60  }
0xb4: {  	v3 =	vand.u32 $0x7, v3  }
0xb5: {  	v3 =	vor.u32 v3, v4  }
0xb6: {  	v4 =	vperm.xlane v3, v0;
	_ =	sdelay $0x1  }
0xb7: {  	v4 =	vadd.s32 v1, v4;
	_ =	sdelay $0x3  }
0xb8: {  	s24 =	simm.s32 $0x10900;
	v3 =	vperm.xlane v3, v2  }
0xb9: {  	[tilespmem:s24], [sflag:$0x2] =	stream.indirect_vreg.gather [hbm4b:s2+s6], $0x80, v4, vm0, $0xb8;
	[tilespmem:$0x1FC00] =	vst v63  }
0xba: {  	s30 =	simm.s32 $0x11100;
	v3 =	vadd.s32 v1, v3  }
0xbb: {  	[tilespmem:s30], [sflag:$0x2] =	stream.indirect_vreg.gather [hbm4b:s11+s6], $0x80, v4, vm0, $0xb8;
	[tilespmem:$0x1FC00] =	vst v63  }
0xbc: {  	s21 =	simm.s32 $0x11900  }
0xbd: {  	[tilespmem:s21], [sflag:$0x2] =	stream.indirect_vreg.gather [hbm4b:s12+s6], $0x80, v4, vm0, $0xb8;
	[tilespmem:$0x1FC00] =	vst v63  }
0xbe: {  	s22 =	simm.s32 $0x12100  }
0xbf: {  	[tilespmem:s22], [sflag:$0x2] =	stream.indirect_vreg.gather [hbm4b:s2+s6], $0x80, v3, vm0, $0xb8;
	[tilespmem:$0x1FC00] =	vst v63  }
0xc0: {  	s23 =	simm.s32 $0x12900  }
0xc1: {  	[tilespmem:s23], [sflag:$0x2] =	stream.indirect_vreg.gather [hbm4b:s11+s6], $0x80, v3, vm0, $0xb8;
	[tilespmem:$0x1FC00] =	vst v63  }
0xc2: {  	s24 =	simm.s32 $0x13100  }
0xc3: {  	[tilespmem:s24], [sflag:$0x2] =	stream.indirect_vreg.gather [hbm4b:s12+s6], $0x80, v3, vm0, $0xb8;
	[tilespmem:$0x1FC00] =	vst v63  }
0xc4: {  	v3 =	vld [tilespmem:$0xA0];
	_ =	sdelay $0x4  }
0xc5: {  	v61 =	vshrl.u32 v3, $0x3  }
0xc6: {  	v4 =	vmul.u32 $0x30, v61  }
0xc7: {  	v3 =	vand.u32 $0x7, v3  }
0xc8: {  	v3 =	vor.u32 v3, v4  }
0xc9: {  	v4 =	vperm.xlane v3, v0;
	_ =	sdelay $0x1  }
0xca: {  	v4 =	vadd.s32 v1, v4;
	_ =	sdelay $0x3  }
0xcb: {  	s30 =	simm.s32 $0x13900;
	v3 =	vperm.xlane v3, v2  }
0xcc: {  	[tilespmem:s30], [sflag:$0x2] =	stream.indirect_vreg.gather [hbm4b:s2+s6], $0x80, v4, vm0, $0xb8;
	[tilespmem:$0x1FC00] =	vst v63  }
0xcd: {  	s21 =	simm.s32 $0x14100;
	v3 =	vadd.s32 v1, v3  }
0xce: {  	[tilespmem:s21], [sflag:$0x2] =	stream.indirect_vreg.gather [hbm4b:s11+s6], $0x80, v4, vm0, $0xb8;
	[tilespmem:$0x1FC00] =	vst v63  }
0xcf: {  	s22 =	simm.s32 $0x14900  }
0xd0: {  	[tilespmem:s22], [sflag:$0x2] =	stream.indirect_vreg.gather [hbm4b:s12+s6], $0x80, v4, vm0, $0xb8;
	[tilespmem:$0x1FC00] =	vst v63  }
0xd1: {  	s23 =	simm.s32 $0x15100  }
0xd2: {  	[tilespmem:s23], [sflag:$0x2] =	stream.indirect_vreg.gather [hbm4b:s2+s6], $0x80, v3, vm0, $0xb8;
	[tilespmem:$0x1FC00] =	vst v63  }
0xd3: {  	s24 =	simm.s32 $0x15900  }
0xd4: {  	[tilespmem:s24], [sflag:$0x2] =	stream.indirect_vreg.gather [hbm4b:s11+s6], $0x80, v3, vm0, $0xb8;
	[tilespmem:$0x1FC00] =	vst v63  }
0xd5: {  	s30 =	simm.s32 $0x16100  }
0xd6: {  	[tilespmem:s30], [sflag:$0x2] =	stream.indirect_vreg.gather [hbm4b:s12+s6], $0x80, v3, vm0, $0xb8;
	[tilespmem:$0x1FC00] =	vst v63  }
0xd7: {  	v3 =	vld [tilespmem:$0xB0];
	_ =	sdelay $0x4  }
0xd8: {  	v62 =	vshrl.u32 v3, $0x3  }
0xd9: {  	v4 =	vmul.u32 $0x30, v62  }
0xda: {  	v3 =	vand.u32 $0x7, v3  }
0xdb: {  	v3 =	vor.u32 v3, v4  }
0xdc: {  	v4 =	vperm.xlane v3, v0;
	_ =	sdelay $0x1  }
0xdd: {  	v4 =	vadd.s32 v1, v4;
	_ =	sdelay $0x3  }
0xde: {  	s21 =	simm.s32 $0x16900;
	v3 =	vperm.xlane v3, v2  }
0xdf: {  	[tilespmem:s21], [sflag:$0x2] =	stream.indirect_vreg.gather [hbm4b:s2+s6], $0x80, v4, vm0, $0xb8;
	[tilespmem:$0x1FC00] =	vst v63  }
0xe0: {  	s22 =	simm.s32 $0x17100;
	v3 =	vadd.s32 v1, v3  }
0xe1: {  	[tilespmem:s22], [sflag:$0x2] =	stream.indirect_vreg.gather [hbm4b:s11+s6], $0x80, v4, vm0, $0xb8;
	[tilespmem:$0x1FC00] =	vst v63  }
0xe2: {  	s23 =	simm.s32 $0x17900  }
0xe3: {  	[tilespmem:s23], [sflag:$0x2] =	stream.indirect_vreg.gather [hbm4b:s12+s6], $0x80, v4, vm0, $0xb8;
	[tilespmem:$0x1FC00] =	vst v63  }
0xe4: {  	s24 =	simm.s32 $0x18100  }
0xe5: {  	[tilespmem:s24], [sflag:$0x2] =	stream.indirect_vreg.gather [hbm4b:s2+s6], $0x80, v3, vm0, $0xb8;
	[tilespmem:$0x1FC00] =	vst v63  }
0xe6: {  	s30 =	simm.s32 $0x18900  }
0xe7: {  	[tilespmem:s30], [sflag:$0x2] =	stream.indirect_vreg.gather [hbm4b:s11+s6], $0x80, v3, vm0, $0xb8;
	[tilespmem:$0x1FC00] =	vst v63  }
0xe8: {  	s21 =	simm.s32 $0x19100  }
0xe9: {  	[tilespmem:s21], [sflag:$0x2] =	stream.indirect_vreg.gather [hbm4b:s12+s6], $0x80, v3, vm0, $0xb8;
	[tilespmem:$0x1FC00] =	vst v63  }
0xea: {  	v3 =	vld.msk [tilespmem:$0xC0], $0xff;
	_ =	sdelay $0x4  }
0xeb: {  	v63 =	vshrl.u32 v3, $0x3  }
0xec: {  	v4 =	vmul.u32 $0x30, v63  }
0xed: {  	v3 =	vand.u32 $0x7, v3  }
0xee: {  	v3 =	vor.u32 v3, v4  }
0xef: {  	v3 =	vperm.xlane v3, v0;
	_ =	sdelay $0x1  }
0xf0: {  	v3 =	vadd.s32 v1, v3;
	_ =	sdelay $0x3  }
0xf1: {  	s22 =	simm.s32 $0x19900  }
0xf2: {  	[tilespmem:s22], [sflag:$0x2] =	stream.indirect_vreg.gather [hbm4b:s2+s6], $0x80, v3, vm0, $0xb8;
	[tilespmem:$0x1FC00] =	vst v63  }
0xf3: {  	s23 =	simm.s32 $0x1A100  }
0xf4: {  	[tilespmem:s23], [sflag:$0x2] =	stream.indirect_vreg.gather [hbm4b:s11+s6], $0x80, v3, vm0, $0xb8;
	[tilespmem:$0x1FC00] =	vst v63  }
0xf5: {  	s24 =	simm.s32 $0x1A900  }
0xf6: {  	[tilespmem:s24], [sflag:$0x2] =	stream.indirect_vreg.gather [hbm4b:s12+s6], $0x80, v3, vm0, $0xb8;
	[tilespmem:$0x1FC00] =	vst v63  }
0xf7: {  	_ =	swait.ge [sflag:s5], $0xD800  }
0xf8: {  	[sflag:s5] =	ssyncset.done $0x0  }
0xf9: {  	[sflag:s5] =	ssyncadd.s32 $0xFFFF2800  }
0xfa: {  	_ =	swait.ge [sflag:s4], $0x3000  }
0xfb: {  	s22 =	sshll.u32 s20, $0x1;
	s30 =	rddreg [dreg:$0x1a]  }
0xfc: {  	s21 =	sadd.s32 s30, s22  }
0xfd: {  	p0 =	seq.s32 s20, $0x0;
	[sflag:s4] =	ssyncset.done $0x0;
	s21 =	smul.u32 $0x58, s21  }
0xfe: {  	s23 =	simm.s32 @!p0 $0x4;
	[sflag:s4] =	ssyncadd.s32 $0xFFFFD000  }
0xff: {  	_ =	swait.ge @!p0 [sflag:s23], $0x1800;
	s24 =	sshrl.u32 s21, $0x3  }
0x100: {  	[sflag:s23] =	ssyncset.done @!p0 $0x0;
	s24 =	sadd.s32 s31, s24  }
0x101: {  	[sflag:s23] =	ssyncadd.s32 @!p0 $0xFFFFE800;
	s23 =	simm.s32 $0x0;
	s24 =	sadd.s32 $0x16, s24  }
0x102: {  	[tilespmem:s23], [sflag:$0x5] =	stream.linear.gather [hbm4b:s24+s23], $0x58, $0x38;
	[tilespmem:$0x1FC00] =	vst v63  }
0x103: {  	s7 =	smov.u32 s31;
	s24 =	simm.s32 $0x0  }
.LBB2_3:
0x104: {  	s30 =	sand.u32 $0x70, s24;
	s31 =	sand.u32 $0x1C00, s23  }
0x105: {  	s30 =	sor.u32 s30, s31  }
0x106: {  	v3 =	vld [tilespmem:s30+$0x100]  }
0x107: {  	v4 =	vld [tilespmem:s30+$0x1980]  }
0x108: {  	v5 =	vld [tilespmem:s30+$0x3200]  }
0x109: {  	v6 =	vld [tilespmem:s30+$0x4A80]  }
0x10a: {  	v7 =	vld [tilespmem:s30+$0x6300]  }
0x10b: {  	v8 =	vld [tilespmem:s30+$0x7B80]  }
0x10c: {  	v9 =	vld [tilespmem:s30+$0x9400]  }
0x10d: {  	v10 =	vld [tilespmem:s30+$0xAC80]  }
0x10e: {  	v11 =	vld [tilespmem:s30+$0x180]  }
0x10f: {  	v12 =	vld [tilespmem:s30+$0x1A00]  }
0x110: {  	v13 =	vld [tilespmem:s30+$0x3280]  }
0x111: {  	v14 =	vld [tilespmem:s30+$0x4B00]  }
0x112: {  	v15 =	vld [tilespmem:s30+$0x6380]  }
0x113: {  	v16 =	vld [tilespmem:s30+$0x7C00]  }
0x114: {  	v17 =	vld [tilespmem:s30+$0x9480]  }
0x115: {  	v18 =	vld [tilespmem:s30+$0xC100]  }
0x116: {  	v19 =	vld [tilespmem:s30+$0x200]  }
0x117: {  	v20 =	vld [tilespmem:s30+$0x1A80]  }
0x118: {  	v21 =	vld [tilespmem:s30+$0x3300]  }
0x119: {  	v22 =	vld [tilespmem:s30+$0x4B80]  }
0x11a: {  	v23 =	vld [tilespmem:s30+$0x6400]  }
0x11b: {  	v24 =	vld [tilespmem:s30+$0x7C80]  }
0x11c: {  	v25 =	vld [tilespmem:s30+$0xA900]  }
0x11d: {  	v26 =	vld [tilespmem:s30+$0xC180]  }
0x11e: {  	v27 =	vld [tilespmem:s30+$0x280]  }
0x11f: {  	v28 =	vld [tilespmem:s30+$0x1B00]  }
0x120: {  	v29 =	vld [tilespmem:s30+$0x3380]  }
0x121: {  	v30 =	vld [tilespmem:s30+$0x4C00]  }
0x122: {  	v31 =	vld [tilespmem:s30+$0x6480]  }
0x123: {  	v32 =	vld [tilespmem:s30+$0x9100]  }
0x124: {  	v33 =	vld [tilespmem:s30+$0xA980]  }
0x125: {  	v34 =	vld [tilespmem:s30+$0xC200]  }
0x126: {  	v35 =	vld [tilespmem:s30+$0x300]  }
0x127: {  	v36 =	vld [tilespmem:s30+$0x1B80]  }
0x128: {  	v37 =	vld [tilespmem:s30+$0x3400]  }
0x129: {  	v38 =	vld [tilespmem:s30+$0x4C80]  }
0x12a: {  	v39 =	vld [tilespmem:s30+$0x7900]  }
0x12b: {  	v40 =	vld [tilespmem:s30+$0x9180]  }
0x12c: {  	v41 =	vld [tilespmem:s30+$0xAA00]  }
0x12d: {  	v42 =	vld [tilespmem:s30+$0xC280]  }
0x12e: {  	v43 =	vld [tilespmem:s30+$0x380]  }
0x12f: {  	v44 =	vld [tilespmem:s30+$0x1C00]  }
0x130: {  	v45 =	vld [tilespmem:s30+$0x3480]  }
0x131: {  	v46 =	vld [tilespmem:s30+$0x6100]  }
0x132: {  	v47 =	vld [tilespmem:s30+$0x7980]  }
0x133: {  	v48 =	vld [tilespmem:s30+$0x9200]  }
0x134: {  	v49 =	vld [tilespmem:s30+$0xAA80]  }
0x135: {  	v50 =	vld [tilespmem:s30+$0xC300]  }
0x136: {  	v51 =	vld [tilespmem:s30+$0x400]  }
0x137: {  	v52 =	vld [tilespmem:s30+$0x1C80]  }
0x138: {  	v53 =	vld [tilespmem:s30+$0x4900]  }
0x139: {  	v54 =	vld [tilespmem:s30+$0x6180]  }
0x13a: {  	v55 =	vld [tilespmem:s30+$0xC380];
	v3 =	vadd.f32 v11, v3;
	v4 =	vadd.f32 v12, v4  }
0x13b: {  	v57 =	vld [tilespmem:s30+$0x3100];
	v5 =	vadd.f32 v13, v5;
	v6 =	vadd.f32 v14, v6  }
0x13c: {  	v58 =	vld [tilespmem:s30+$0x4980];
	v7 =	vadd.f32 v15, v7;
	v8 =	vadd.f32 v16, v8  }
0x13d: {  	v59 =	vld [tilespmem:s30+$0x6200];
	v9 =	vadd.f32 v17, v9;
	v10 =	vadd.f32 v18, v10  }
0x13e: {  	v60 =	vld [tilespmem:s30+$0x7A80];
	v3 =	vadd.f32 v19, v3;
	v4 =	vadd.f32 v20, v4  }
0x13f: {  	v61 =	vld [tilespmem:s30+$0x9300];
	v5 =	vadd.f32 v21, v5;
	v6 =	vadd.f32 v22, v6  }
0x140: {  	s31 =	sor.u32 s23, s24;
	v62 =	vld [tilespmem:s30+$0xAB80];
	v7 =	vadd.f32 v23, v7;
	v8 =	vadd.f32 v24, v8  }
0x141: {  	s31 =	sor.u32 $0x380, s31;
	v63 =	vld [tilespmem:s30+$0xC400];
	v9 =	vadd.f32 v25, v9;
	v10 =	vadd.f32 v26, v10  }
0x142: {  	v56 =	vld [tilespmem:s31+$0x100];
	v3 =	vadd.f32 v27, v3;
	v4 =	vadd.f32 v28, v4  }
0x143: {  	v11 =	vld [tilespmem:s30+$0x7A00];
	v5 =	vadd.f32 v29, v5;
	v6 =	vadd.f32 v30, v6  }
0x144: {  	v12 =	vld [tilespmem:s30+$0x9280];
	v7 =	vadd.f32 v31, v7;
	v8 =	vadd.f32 v32, v8  }
0x145: {  	v13 =	vld [tilespmem:s30+$0xAB00];
	v9 =	vadd.f32 v33, v9;
	v10 =	vadd.f32 v34, v10  }
0x146: {  	v3 =	vadd.f32 v35, v3;
	v4 =	vadd.f32 v36, v4;
	v36 =	vld [tilespmem:s30+$0x1900]  }
0x147: {  	v5 =	vadd.f32 v37, v5;
	v6 =	vadd.f32 v38, v6;
	v38 =	vld [tilespmem:s30+$0x3180]  }
0x148: {  	v7 =	vadd.f32 v39, v7;
	v8 =	vadd.f32 v40, v8;
	v40 =	vld [tilespmem:s30+$0x4A00]  }
0x149: {  	v9 =	vadd.f32 v41, v9;
	v10 =	vadd.f32 v42, v10;
	v42 =	vld [tilespmem:s30+$0x6280]  }
0x14a: {  	v3 =	vadd.f32 v43, v3;
	v4 =	vadd.f32 v44, v4;
	v43 =	vld [tilespmem:s30+$0x7B00]  }
0x14b: {  	v5 =	vadd.f32 v45, v5;
	v6 =	vadd.f32 v46, v6;
	v44 =	vld [tilespmem:s30+$0x9380]  }
0x14c: {  	v7 =	vadd.f32 v47, v7;
	v8 =	vadd.f32 v48, v8;
	v45 =	vld [tilespmem:s30+$0xAC00]  }
0x14d: {  	v9 =	vadd.f32 v49, v9;
	v10 =	vadd.f32 v50, v10;
	v46 =	vld [tilespmem:s30+$0xC480]  }
0x14e: {  	v47 =	vld [tilespmem:s30+$0x1B100];
	v3 =	vadd.f32 v51, v3;
	v4 =	vadd.f32 v52, v4  }
0x14f: {  	v48 =	vld [tilespmem:s30+$0x1B180];
	v5 =	vadd.f32 v53, v5;
	v6 =	vadd.f32 v54, v6  }
0x150: {  	v49 =	vld [tilespmem:s30+$0x1B200];
	v7 =	vadd.f32 v11, v7;
	v8 =	vadd.f32 v12, v8  }
0x151: {  	v50 =	vld [tilespmem:s30+$0x1B280];
	v9 =	vadd.f32 v13, v9;
	v10 =	vadd.f32 v55, v10  }
0x152: {  	v51 =	vld [tilespmem:s30+$0x1B300];
	v3 =	vadd.f32 v56, v3;
	v4 =	vadd.f32 v57, v4  }
0x153: {  	v52 =	vld [tilespmem:s30+$0x1B380];
	v5 =	vadd.f32 v58, v5;
	v6 =	vadd.f32 v59, v6  }
0x154: {  	v53 =	vld [tilespmem:s30+$0x1B400];
	v7 =	vadd.f32 v60, v7;
	v8 =	vadd.f32 v61, v8  }
0x155: {  	v54 =	vld [tilespmem:s31+$0x1B100];
	v9 =	vadd.f32 v62, v9;
	v10 =	vadd.f32 v63, v10  }
0x156: {  	v55 =	vld [tilespmem:s30+$0x1C900];
	v3 =	vadd.f32 v36, v3;
	v4 =	vadd.f32 v38, v4  }
0x157: {  	v56 =	vld [tilespmem:s30+$0x1C980];
	v5 =	vadd.f32 v40, v5;
	v6 =	vadd.f32 v42, v6  }
0x158: {  	v57 =	vld [tilespmem:s30+$0x1CA00];
	v7 =	vadd.f32 v43, v7;
	v8 =	vadd.f32 v44, v8  }
0x159: {  	v58 =	vld [tilespmem:s30+$0x1CA80];
	v9 =	vadd.f32 v45, v9;
	v3 =	vadd.f32 v47, v3  }
0x15a: {  	v59 =	vld [tilespmem:s30+$0x1CB00];
	v10 =	vadd.f32 v46, v10;
	v4 =	vadd.f32 v48, v4  }
0x15b: {  	v60 =	vld [tilespmem:s30+$0x1CB80];
	v5 =	vadd.f32 v49, v5;
	v3 =	vadd.f32 v55, v3  }
0x15c: {  	v61 =	vld [tilespmem:s30+$0x1CC00];
	v6 =	vadd.f32 v50, v6;
	v4 =	vadd.f32 v56, v4  }
0x15d: {  	v7 =	vadd.f32 v51, v7;
	v5 =	vadd.f32 v57, v5;
	[tilespmem:s30+$0x1E100] =	vst v3;
	v3 =	vld [tilespmem:s30+$0x1CC80]  }
0x15e: {  	v8 =	vadd.f32 v52, v8;
	v6 =	vadd.f32 v58, v6;
	[tilespmem:s30+$0x1E180] =	vst v4  }
0x15f: {  	p0 =	sne.s32 s24, $0x2F0;
	v62 =	vadd.f32 v53, v9;
	v7 =	vadd.f32 v59, v7;
	[tilespmem:s30+$0x1E200] =	vst v5  }
.Ltmp0:
0x160: {  	v63 =	vadd.f32 v54, v10;
	v8 =	vadd.f32 v60, v8;
	[tilespmem:s30+$0x1E280] =	vst v6;
	(pc) =	sbr.rel @p0 .LBB2_3-.Ltmp0, $4  }
0x161: {  	v4 =	vadd.f32 v61, v62;
	[tilespmem:s30+$0x1E300] =	vst v7  }
0x162: {  	[tilespmem:s30+$0x1E380] =	vst v8;
	v3 =	vadd.f32 v3, v63  }
0x163: {  	[tilespmem:s30+$0x1E400] =	vst v4  }
0x164: {  	s23 =	sadd.s32 $0x80, s23;
	s24 =	sadd.s32 $0x10, s24;
	[tilespmem:s31+$0x1E100] =	vst v3  }
0x165: {  	v3 =	vld [tilespmem:$0xC8];
	_ =	sdelay $0x4  }
0x166: {  	v4 =	vshrl.u32 v3, $0x3  }
0x167: {  	v4 =	vmul.u32 $0x30, v4  }
0x168: {  	v3 =	vand.u32 $0x7, v3  }
0x169: {  	v3 =	vor.u32 v3, v4  }
0x16a: {  	v4 =	vperm.xlane v3, v0;
	_ =	sdelay $0x1  }
0x16b: {  	v4 =	vadd.s32 v1, v4;
	_ =	sdelay $0x3  }
0x16c: {  	s23 =	simm.s32 $0x0;
	v3 =	vperm.xlane v3, v2  }
0x16d: {  	[tilespmem:s25], [sflag:$0x3] =	stream.indirect_vreg.gather [hbm4b:s3+s23], $0x80, v4, vm0, $0xb8;
	[tilespmem:$0x1FC00] =	vst v63  }
0x16e: {  	s24 =	sshrl.u32 s20, $0x3;
	s22 =	sand.u32 $0xE, s22;
	v3 =	vadd.s32 v1, v3  }
0x16f: {  	[tilespmem:s10], [sflag:$0x3] =	stream.indirect_vreg.gather [hbm4b:s13+s23], $0x80, v4, vm0, $0xb8;
	[tilespmem:$0x1FC00] =	vst v63  }
0x170: {  	s24 =	sadd.s32 s9, s24;
	s22 =	smul.u32 $0x1800, s22  }
0x171: {  	[tilespmem:s16], [sflag:$0x3] =	stream.indirect_vreg.gather [hbm4b:s14+s23], $0x80, v4, vm0, $0xb8;
	[tilespmem:$0x1FC00] =	vst v63  }
0x172: {  	s24 =	smul.u32 $0x19800, s24  }
0x173: {  	[tilespmem:s26], [sflag:$0x3] =	stream.indirect_vreg.gather [hbm4b:s3+s23], $0x80, v3, vm0, $0xb8;
	[tilespmem:$0x1FC00] =	vst v63  }
0x174: {  	s22 =	sadd.s32 s22, s24  }
0x175: {  	[tilespmem:s28], [sflag:$0x3] =	stream.indirect_vreg.gather [hbm4b:s13+s23], $0x80, v3, vm0, $0xb8;
	[tilespmem:$0x1FC00] =	vst v63  }
0x176: {  	s22 =	sshrl.u32 s22, $0x3  }
0x177: {  	[tilespmem:s29], [sflag:$0x3] =	stream.indirect_vreg.gather [hbm4b:s14+s23], $0x80, v3, vm0, $0xb8;
	[tilespmem:$0x1FC00] =	vst v63  }
0x178: {  	s22 =	sadd.s32 s8, s22  }
0x179: {  	[hbm4b:s22+s23] =	stream.linear.scatter [tilespmem:s17], [sflag:$0x4], $0x1800, $0x38;
	[tilespmem:$0x1FC00] =	vst v63  }
0x17a: {  	_ =	swait.ge [sflag:s15], $0x58  }
0x17b: {  	[sflag:s15] =	ssyncset.done $0x0  }
0x17c: {  	[sflag:s15] =	ssyncadd.s32 $0xFFFFFFA8  }
0x17d: {  	v3 =	vld [tilespmem:$0x0];
	_ =	sdelay $0x4  }
0x17e: {  	v59 =	vshrl.u32 v3, $0x3  }
0x17f: {  	v4 =	vmul.u32 $0x30, v59  }
0x180: {  	v3 =	vand.u32 $0x7, v3  }
0x181: {  	v3 =	vor.u32 v3, v4  }
0x182: {  	v4 =	vperm.xlane v3, v0;
	_ =	sdelay $0x1  }
0x183: {  	v4 =	vadd.s32 v1, v4;
	_ =	sdelay $0x3  }
0x184: {  	s30 =	simm.s32 $0x100;
	v3 =	vperm.xlane v3, v2  }
0x185: {  	[tilespmem:s30], [sflag:$0x1] =	stream.indirect_vreg.gather [hbm4b:s2+s23], $0x80, v4, vm0, $0xb8;
	[tilespmem:$0x1FC00] =	vst v63  }
0x186: {  	v3 =	vadd.s32 v1, v3;
	s30 =	simm.s32 $0x900  }
0x187: {  	[tilespmem:s30], [sflag:$0x1] =	stream.indirect_vreg.gather [hbm4b:s11+s23], $0x80, v4, vm0, $0xb8;
	[tilespmem:$0x1FC00] =	vst v63  }
0x188: {  	s30 =	simm.s32 $0x1100  }
0x189: {  	[tilespmem:s30], [sflag:$0x1] =	stream.indirect_vreg.gather [hbm4b:s12+s23], $0x80, v4, vm0, $0xb8;
	[tilespmem:$0x1FC00] =	vst v63  }
0x18a: {  	s30 =	simm.s32 $0x1900  }
0x18b: {  	[tilespmem:s30], [sflag:$0x1] =	stream.indirect_vreg.gather [hbm4b:s2+s23], $0x80, v3, vm0, $0xb8;
	[tilespmem:$0x1FC00] =	vst v63  }
0x18c: {  	s30 =	simm.s32 $0x2100  }
0x18d: {  	[tilespmem:s30], [sflag:$0x1] =	stream.indirect_vreg.gather [hbm4b:s11+s23], $0x80, v3, vm0, $0xb8;
	[tilespmem:$0x1FC00] =	vst v63  }
0x18e: {  	s30 =	simm.s32 $0x2900  }
0x18f: {  	[tilespmem:s30], [sflag:$0x1] =	stream.indirect_vreg.gather [hbm4b:s12+s23], $0x80, v3, vm0, $0xb8;
	[tilespmem:$0x1FC00] =	vst v63  }
0x190: {  	v3 =	vld [tilespmem:$0x10];
	_ =	sdelay $0x4  }
0x191: {  	v60 =	vshrl.u32 v3, $0x3  }
0x192: {  	v4 =	vmul.u32 $0x30, v60  }
0x193: {  	v3 =	vand.u32 $0x7, v3  }
0x194: {  	v3 =	vor.u32 v3, v4  }
0x195: {  	v4 =	vperm.xlane v3, v0;
	_ =	sdelay $0x1  }
0x196: {  	v4 =	vadd.s32 v1, v4;
	_ =	sdelay $0x3  }
0x197: {  	s30 =	simm.s32 $0x3100;
	v3 =	vperm.xlane v3, v2  }
0x198: {  	[tilespmem:s30], [sflag:$0x1] =	stream.indirect_vreg.gather [hbm4b:s2+s23], $0x80, v4, vm0, $0xb8;
	[tilespmem:$0x1FC00] =	vst v63  }
0x199: {  	v3 =	vadd.s32 v1, v3;
	s30 =	simm.s32 $0x3900  }
0x19a: {  	[tilespmem:s30], [sflag:$0x1] =	stream.indirect_vreg.gather [hbm4b:s11+s23], $0x80, v4, vm0, $0xb8;
	[tilespmem:$0x1FC00] =	vst v63  }
0x19b: {  	s30 =	simm.s32 $0x4100  }
0x19c: {  	[tilespmem:s30], [sflag:$0x1] =	stream.indirect_vreg.gather [hbm4b:s12+s23], $0x80, v4, vm0, $0xb8;
	[tilespmem:$0x1FC00] =	vst v63  }
0x19d: {  	s30 =	simm.s32 $0x4900  }
0x19e: {  	[tilespmem:s30], [sflag:$0x1] =	stream.indirect_vreg.gather [hbm4b:s2+s23], $0x80, v3, vm0, $0xb8;
	[tilespmem:$0x1FC00] =	vst v63  }
0x19f: {  	s30 =	simm.s32 $0x5100  }
0x1a0: {  	[tilespmem:s30], [sflag:$0x1] =	stream.indirect_vreg.gather [hbm4b:s11+s23], $0x80, v3, vm0, $0xb8;
	[tilespmem:$0x1FC00] =	vst v63  }
0x1a1: {  	s30 =	simm.s32 $0x5900  }
0x1a2: {  	[tilespmem:s30], [sflag:$0x1] =	stream.indirect_vreg.gather [hbm4b:s12+s23], $0x80, v3, vm0, $0xb8;
	[tilespmem:$0x1FC00] =	vst v63  }
0x1a3: {  	v3 =	vld [tilespmem:$0x20];
	_ =	sdelay $0x4  }
0x1a4: {  	v61 =	vshrl.u32 v3, $0x3  }
0x1a5: {  	v4 =	vmul.u32 $0x30, v61  }
0x1a6: {  	v3 =	vand.u32 $0x7, v3  }
0x1a7: {  	v3 =	vor.u32 v3, v4  }
0x1a8: {  	v4 =	vperm.xlane v3, v0;
	_ =	sdelay $0x1  }
0x1a9: {  	v4 =	vadd.s32 v1, v4;
	_ =	sdelay $0x3  }
0x1aa: {  	s30 =	simm.s32 $0x6100;
	v3 =	vperm.xlane v3, v2  }
0x1ab: {  	[tilespmem:s30], [sflag:$0x1] =	stream.indirect_vreg.gather [hbm4b:s2+s23], $0x80, v4, vm0, $0xb8;
	[tilespmem:$0x1FC00] =	vst v63  }
0x1ac: {  	v3 =	vadd.s32 v1, v3;
	s30 =	simm.s32 $0x6900  }
0x1ad: {  	[tilespmem:s30], [sflag:$0x1] =	stream.indirect_vreg.gather [hbm4b:s11+s23], $0x80, v4, vm0, $0xb8;
	[tilespmem:$0x1FC00] =	vst v63  }
0x1ae: {  	s30 =	simm.s32 $0x7100  }
0x1af: {  	[tilespmem:s30], [sflag:$0x1] =	stream.indirect_vreg.gather [hbm4b:s12+s23], $0x80, v4, vm0, $0xb8;
	[tilespmem:$0x1FC00] =	vst v63  }
0x1b0: {  	s30 =	simm.s32 $0x7900  }
0x1b1: {  	[tilespmem:s30], [sflag:$0x1] =	stream.indirect_vreg.gather [hbm4b:s2+s23], $0x80, v3, vm0, $0xb8;
	[tilespmem:$0x1FC00] =	vst v63  }
0x1b2: {  	s30 =	simm.s32 $0x8100  }
0x1b3: {  	[tilespmem:s30], [sflag:$0x1] =	stream.indirect_vreg.gather [hbm4b:s11+s23], $0x80, v3, vm0, $0xb8;
	[tilespmem:$0x1FC00] =	vst v63  }
0x1b4: {  	s30 =	simm.s32 $0x8900  }
0x1b5: {  	[tilespmem:s30], [sflag:$0x1] =	stream.indirect_vreg.gather [hbm4b:s12+s23], $0x80, v3, vm0, $0xb8;
	[tilespmem:$0x1FC00] =	vst v63  }
0x1b6: {  	v3 =	vld [tilespmem:$0x30];
	_ =	sdelay $0x4  }
0x1b7: {  	v62 =	vshrl.u32 v3, $0x3  }
0x1b8: {  	v4 =	vmul.u32 $0x30, v62  }
0x1b9: {  	v3 =	vand.u32 $0x7, v3  }
0x1ba: {  	v3 =	vor.u32 v3, v4  }
0x1bb: {  	v4 =	vperm.xlane v3, v0;
	_ =	sdelay $0x1  }
0x1bc: {  	v4 =	vadd.s32 v1, v4;
	_ =	sdelay $0x3  }
0x1bd: {  	s30 =	simm.s32 $0x9100;
	v3 =	vperm.xlane v3, v2  }
0x1be: {  	[tilespmem:s30], [sflag:$0x1] =	stream.indirect_vreg.gather [hbm4b:s2+s23], $0x80, v4, vm0, $0xb8;
	[tilespmem:$0x1FC00] =	vst v63  }
0x1bf: {  	v3 =	vadd.s32 v1, v3;
	s30 =	simm.s32 $0x9900  }
0x1c0: {  	[tilespmem:s30], [sflag:$0x1] =	stream.indirect_vreg.gather [hbm4b:s11+s23], $0x80, v4, vm0, $0xb8;
	[tilespmem:$0x1FC00] =	vst v63  }
0x1c1: {  	s30 =	simm.s32 $0xA100  }
0x1c2: {  	[tilespmem:s30], [sflag:$0x1] =	stream.indirect_vreg.gather [hbm4b:s12+s23], $0x80, v4, vm0, $0xb8;
	[tilespmem:$0x1FC00] =	vst v63  }
0x1c3: {  	s30 =	simm.s32 $0xA900  }
0x1c4: {  	[tilespmem:s30], [sflag:$0x1] =	stream.indirect_vreg.gather [hbm4b:s2+s23], $0x80, v3, vm0, $0xb8;
	[tilespmem:$0x1FC00] =	vst v63  }
0x1c5: {  	s30 =	simm.s32 $0xB100  }
0x1c6: {  	[tilespmem:s30], [sflag:$0x1] =	stream.indirect_vreg.gather [hbm4b:s11+s23], $0x80, v3, vm0, $0xb8;
	[tilespmem:$0x1FC00] =	vst v63  }
0x1c7: {  	s30 =	simm.s32 $0xB900  }
0x1c8: {  	[tilespmem:s30], [sflag:$0x1] =	stream.indirect_vreg.gather [hbm4b:s12+s23], $0x80, v3, vm0, $0xb8;
	[tilespmem:$0x1FC00] =	vst v63  }
0x1c9: {  	v3 =	vld.msk [tilespmem:$0x40], $0xff;
	_ =	sdelay $0x4  }
0x1ca: {  	v63 =	vshrl.u32 v3, $0x3  }
0x1cb: {  	v4 =	vmul.u32 $0x30, v63  }
0x1cc: {  	v3 =	vand.u32 $0x7, v3  }
0x1cd: {  	v3 =	vor.u32 v3, v4  }
0x1ce: {  	v3 =	vperm.xlane v3, v0;
	_ =	sdelay $0x1  }
0x1cf: {  	v3 =	vadd.s32 v1, v3;
	_ =	sdelay $0x3  }
0x1d0: {  	s30 =	simm.s32 $0xC100  }
0x1d1: {  	[tilespmem:s30], [sflag:$0x1] =	stream.indirect_vreg.gather [hbm4b:s2+s23], $0x80, v3, vm0, $0xb8;
	[tilespmem:$0x1FC00] =	vst v63  }
0x1d2: {  	s30 =	simm.s32 $0xC900  }
0x1d3: {  	[tilespmem:s30], [sflag:$0x1] =	stream.indirect_vreg.gather [hbm4b:s11+s23], $0x80, v3, vm0, $0xb8;
	[tilespmem:$0x1FC00] =	vst v63  }
0x1d4: {  	s30 =	simm.s32 $0xD100  }
0x1d5: {  	[tilespmem:s30], [sflag:$0x1] =	stream.indirect_vreg.gather [hbm4b:s12+s23], $0x80, v3, vm0, $0xb8;
	[tilespmem:$0x1FC00] =	vst v63  }
0x1d6: {  	_ =	swait.ge [sflag:s18], $0xD800  }
0x1d7: {  	[sflag:s18] =	ssyncset.done $0x0  }
0x1d8: {  	[sflag:s18] =	ssyncadd.s32 $0xFFFF2800  }
0x1d9: {  	_ =	swait.ge [sflag:s4], $0x3000  }
0x1da: {  	[sflag:s4] =	ssyncset.done $0x0  }
0x1db: {  	[sflag:s4] =	ssyncadd.s32 $0xFFFFD000  }
0x1dc: {  	s21 =	sadd.s32 $0x108, s21;
	_ =	swait.ge [sflag:s19], $0x1800  }
0x1dd: {  	s21 =	sshrl.u32 s21, $0x3;
	[sflag:s19] =	ssyncset.done $0x0  }
0x1de: {  	s21 =	sadd.s32 s7, s21;
	[sflag:s19] =	ssyncadd.s32 $0xFFFFE800  }
0x1df: {  	[tilespmem:s1], [sflag:$0x6] =	stream.linear.gather [hbm4b:s21+s23], $0x58, $0x38;
	[tilespmem:$0x1FC00] =	vst v63  }
0x1e0: {  	s31 =	smov.u32 s7;
	s21 =	simm.s32 $0x0  }
.LBB2_5:
0x1e1: {  	s24 =	sand.u32 $0x70, s21;
	s30 =	sand.u32 $0x1C00, s23  }
0x1e2: {  	s24 =	sor.u32 s24, s30  }
0x1e3: {  	v3 =	vld [tilespmem:s24+$0xD900]  }
0x1e4: {  	v4 =	vld [tilespmem:s24+$0xF180]  }
0x1e5: {  	v5 =	vld [tilespmem:s24+$0x10A00]  }
0x1e6: {  	v6 =	vld [tilespmem:s24+$0x12280]  }
0x1e7: {  	v7 =	vld [tilespmem:s24+$0x13B00]  }
0x1e8: {  	v8 =	vld [tilespmem:s24+$0x15380]  }
0x1e9: {  	v9 =	vld [tilespmem:s24+$0x16C00]  }
0x1ea: {  	v10 =	vld [tilespmem:s24+$0x18480]  }
0x1eb: {  	v11 =	vld [tilespmem:s24+$0xD980]  }
0x1ec: {  	v12 =	vld [tilespmem:s24+$0xF200]  }
0x1ed: {  	v13 =	vld [tilespmem:s24+$0x10A80]  }
0x1ee: {  	v14 =	vld [tilespmem:s24+$0x12300]  }
0x1ef: {  	v15 =	vld [tilespmem:s24+$0x13B80]  }
0x1f0: {  	v16 =	vld [tilespmem:s24+$0x15400]  }
0x1f1: {  	v17 =	vld [tilespmem:s24+$0x16C80]  }
0x1f2: {  	v18 =	vld [tilespmem:s24+$0x19900]  }
0x1f3: {  	v19 =	vld [tilespmem:s24+$0xDA00]  }
0x1f4: {  	v20 =	vld [tilespmem:s24+$0xF280]  }
0x1f5: {  	v21 =	vld [tilespmem:s24+$0x10B00]  }
0x1f6: {  	v22 =	vld [tilespmem:s24+$0x12380]  }
0x1f7: {  	v23 =	vld [tilespmem:s24+$0x13C00]  }
0x1f8: {  	v24 =	vld [tilespmem:s24+$0x15480]  }
0x1f9: {  	v25 =	vld [tilespmem:s24+$0x18100]  }
0x1fa: {  	v26 =	vld [tilespmem:s24+$0x19980]  }
0x1fb: {  	v27 =	vld [tilespmem:s24+$0xDA80]  }
0x1fc: {  	v28 =	vld [tilespmem:s24+$0xF300]  }
0x1fd: {  	v29 =	vld [tilespmem:s24+$0x10B80]  }
0x1fe: {  	v30 =	vld [tilespmem:s24+$0x12400]  }
0x1ff: {  	v31 =	vld [tilespmem:s24+$0x13C80]  }
0x200: {  	v32 =	vld [tilespmem:s24+$0x16900]  }
0x201: {  	v33 =	vld [tilespmem:s24+$0x18180]  }
0x202: {  	v34 =	vld [tilespmem:s24+$0x19A00]  }
0x203: {  	v35 =	vld [tilespmem:s24+$0xDB00]  }
0x204: {  	v36 =	vld [tilespmem:s24+$0xF380]  }
0x205: {  	v37 =	vld [tilespmem:s24+$0x10C00]  }
0x206: {  	v38 =	vld [tilespmem:s24+$0x12480]  }
0x207: {  	v39 =	vld [tilespmem:s24+$0x15100]  }
0x208: {  	v40 =	vld [tilespmem:s24+$0x16980]  }
0x209: {  	v41 =	vld [tilespmem:s24+$0x18200]  }
0x20a: {  	v42 =	vld [tilespmem:s24+$0x19A80]  }
0x20b: {  	v43 =	vld [tilespmem:s24+$0xDB80]  }
0x20c: {  	v44 =	vld [tilespmem:s24+$0xF400]  }
0x20d: {  	v45 =	vld [tilespmem:s24+$0x10C80]  }
0x20e: {  	v46 =	vld [tilespmem:s24+$0x13900]  }
0x20f: {  	v47 =	vld [tilespmem:s24+$0x15180]  }
0x210: {  	v48 =	vld [tilespmem:s24+$0x16A00]  }
0x211: {  	v49 =	vld [tilespmem:s24+$0x18280]  }
0x212: {  	v50 =	vld [tilespmem:s24+$0x19B00]  }
0x213: {  	v51 =	vld [tilespmem:s24+$0xDC00]  }
0x214: {  	v52 =	vld [tilespmem:s24+$0xF480]  }
0x215: {  	v53 =	vld [tilespmem:s24+$0x12100]  }
0x216: {  	s7 =	sor.u32 s23, s21;
	v54 =	vld [tilespmem:s24+$0x13980]  }
0x217: {  	s30 =	sor.u32 $0x380, s7;
	v55 =	vld [tilespmem:s24+$0x19B80];
	v3 =	vadd.f32 v11, v3;
	v4 =	vadd.f32 v12, v4  }
0x218: {  	v56 =	vld [tilespmem:s30+$0xD900];
	v5 =	vadd.f32 v13, v5;
	v6 =	vadd.f32 v14, v6  }
0x219: {  	v57 =	vld [tilespmem:s24+$0x10900];
	v7 =	vadd.f32 v15, v7;
	v8 =	vadd.f32 v16, v8  }
0x21a: {  	v58 =	vld [tilespmem:s24+$0x12180];
	v9 =	vadd.f32 v17, v9;
	v10 =	vadd.f32 v18, v10  }
0x21b: {  	v59 =	vld [tilespmem:s24+$0x13A00];
	v3 =	vadd.f32 v19, v3;
	v4 =	vadd.f32 v20, v4  }
0x21c: {  	v60 =	vld [tilespmem:s24+$0x15280];
	v5 =	vadd.f32 v21, v5;
	v6 =	vadd.f32 v22, v6  }
0x21d: {  	v61 =	vld [tilespmem:s24+$0x16B00];
	v7 =	vadd.f32 v23, v7;
	v8 =	vadd.f32 v24, v8  }
0x21e: {  	v62 =	vld [tilespmem:s24+$0x18380];
	v9 =	vadd.f32 v25, v9;
	v10 =	vadd.f32 v26, v10  }
0x21f: {  	v63 =	vld [tilespmem:s24+$0x19C00];
	v3 =	vadd.f32 v27, v3;
	v4 =	vadd.f32 v28, v4  }
0x220: {  	v11 =	vld [tilespmem:s24+$0x15200];
	v5 =	vadd.f32 v29, v5;
	v6 =	vadd.f32 v30, v6  }
0x221: {  	v12 =	vld [tilespmem:s24+$0x16A80];
	v7 =	vadd.f32 v31, v7;
	v8 =	vadd.f32 v32, v8  }
0x222: {  	v13 =	vld [tilespmem:s24+$0x18300];
	v9 =	vadd.f32 v33, v9;
	v10 =	vadd.f32 v34, v10  }
0x223: {  	v3 =	vadd.f32 v35, v3;
	v4 =	vadd.f32 v36, v4;
	v36 =	vld [tilespmem:s24+$0xF100]  }
0x224: {  	v5 =	vadd.f32 v37, v5;
	v6 =	vadd.f32 v38, v6;
	v38 =	vld [tilespmem:s24+$0x10980]  }
0x225: {  	v7 =	vadd.f32 v39, v7;
	v8 =	vadd.f32 v40, v8;
	v40 =	vld [tilespmem:s24+$0x12200]  }
0x226: {  	v9 =	vadd.f32 v41, v9;
	v10 =	vadd.f32 v42, v10;
	v42 =	vld [tilespmem:s24+$0x13A80]  }
0x227: {  	v3 =	vadd.f32 v43, v3;
	v4 =	vadd.f32 v44, v4;
	v43 =	vld [tilespmem:s24+$0x15300]  }
0x228: {  	v5 =	vadd.f32 v45, v5;
	v6 =	vadd.f32 v46, v6;
	v44 =	vld [tilespmem:s24+$0x16B80]  }
0x229: {  	v7 =	vadd.f32 v47, v7;
	v8 =	vadd.f32 v48, v8;
	v45 =	vld [tilespmem:s24+$0x18400]  }
0x22a: {  	v9 =	vadd.f32 v49, v9;
	v10 =	vadd.f32 v50, v10;
	v46 =	vld [tilespmem:s24+$0x19C80]  }
0x22b: {  	v47 =	vld [tilespmem:s24+$0x1B100];
	v3 =	vadd.f32 v51, v3;
	v4 =	vadd.f32 v52, v4  }
0x22c: {  	v48 =	vld [tilespmem:s24+$0x1B180];
	v5 =	vadd.f32 v53, v5;
	v6 =	vadd.f32 v54, v6  }
0x22d: {  	v49 =	vld [tilespmem:s24+$0x1B200];
	v7 =	vadd.f32 v11, v7;
	v8 =	vadd.f32 v12, v8  }
0x22e: {  	v50 =	vld [tilespmem:s24+$0x1B280];
	v9 =	vadd.f32 v13, v9;
	v10 =	vadd.f32 v55, v10  }
0x22f: {  	v51 =	vld [tilespmem:s24+$0x1B300];
	v3 =	vadd.f32 v56, v3;
	v4 =	vadd.f32 v57, v4  }
0x230: {  	v52 =	vld [tilespmem:s24+$0x1B380];
	v5 =	vadd.f32 v58, v5;
	v6 =	vadd.f32 v59, v6  }
0x231: {  	v53 =	vld [tilespmem:s24+$0x1B400];
	v7 =	vadd.f32 v60, v7;
	v8 =	vadd.f32 v61, v8  }
0x232: {  	v54 =	vld [tilespmem:s30+$0x1B100];
	v9 =	vadd.f32 v62, v9;
	v10 =	vadd.f32 v63, v10  }
0x233: {  	v55 =	vld [tilespmem:s24+$0x1C900];
	v3 =	vadd.f32 v36, v3;
	v4 =	vadd.f32 v38, v4  }
0x234: {  	v56 =	vld [tilespmem:s24+$0x1C980];
	v5 =	vadd.f32 v40, v5;
	v6 =	vadd.f32 v42, v6  }
0x235: {  	v57 =	vld [tilespmem:s24+$0x1CA00];
	v7 =	vadd.f32 v43, v7;
	v8 =	vadd.f32 v44, v8  }
0x236: {  	v58 =	vld [tilespmem:s24+$0x1CA80];
	v9 =	vadd.f32 v45, v9;
	v3 =	vadd.f32 v47, v3  }
0x237: {  	v59 =	vld [tilespmem:s24+$0x1CB00];
	v10 =	vadd.f32 v46, v10;
	v4 =	vadd.f32 v48, v4  }
0x238: {  	v60 =	vld [tilespmem:s24+$0x1CB80];
	v5 =	vadd.f32 v49, v5;
	v3 =	vadd.f32 v55, v3  }
0x239: {  	v61 =	vld [tilespmem:s24+$0x1CC00];
	v6 =	vadd.f32 v50, v6;
	v4 =	vadd.f32 v56, v4  }
0x23a: {  	v7 =	vadd.f32 v51, v7;
	v5 =	vadd.f32 v57, v5;
	[tilespmem:s24+$0x1E100] =	vst v3;
	v3 =	vld [tilespmem:s24+$0x1CC80]  }
0x23b: {  	v8 =	vadd.f32 v52, v8;
	v6 =	vadd.f32 v58, v6;
	[tilespmem:s24+$0x1E180] =	vst v4  }
0x23c: {  	p0 =	sne.s32 s21, $0x2F0;
	v62 =	vadd.f32 v53, v9;
	v7 =	vadd.f32 v59, v7;
	[tilespmem:s24+$0x1E200] =	vst v5  }
.Ltmp1:
0x23d: {  	v63 =	vadd.f32 v54, v10;
	v8 =	vadd.f32 v60, v8;
	[tilespmem:s24+$0x1E280] =	vst v6;
	(pc) =	sbr.rel @p0 .LBB2_5-.Ltmp1, $4  }
0x23e: {  	v4 =	vadd.f32 v61, v62;
	[tilespmem:s24+$0x1E300] =	vst v7  }
0x23f: {  	[tilespmem:s24+$0x1E380] =	vst v8;
	v3 =	vadd.f32 v3, v63  }
0x240: {  	[tilespmem:s24+$0x1E400] =	vst v4  }
0x241: {  	s23 =	sadd.s32 $0x80, s23;
	s21 =	sadd.s32 $0x10, s21;
	[tilespmem:s30+$0x1E100] =	vst v3  }
0x242: {  	v3 =	vld [tilespmem:$0x48];
	_ =	sdelay $0x4  }
0x243: {  	v4 =	vshrl.u32 v3, $0x3  }
0x244: {  	v4 =	vmul.u32 $0x30, v4  }
0x245: {  	v3 =	vand.u32 $0x7, v3  }
0x246: {  	v3 =	vor.u32 v3, v4  }
0x247: {  	v4 =	vperm.xlane v3, v0;
	_ =	sdelay $0x1  }
0x248: {  	v4 =	vadd.s32 v1, v4;
	_ =	sdelay $0x3  }
0x249: {  	v3 =	vperm.xlane v3, v2  }
0x24a: {  	[tilespmem:s25], [sflag:$0x3] =	stream.indirect_vreg.gather [hbm4b:s3+s6], $0x80, v4, vm0, $0xb8;
	[tilespmem:$0x1FC00] =	vst v63  }
0x24b: {  	v3 =	vadd.s32 v1, v3  }
0x24c: {  	[tilespmem:s10], [sflag:$0x3] =	stream.indirect_vreg.gather [hbm4b:s13+s6], $0x80, v4, vm0, $0xb8;
	[tilespmem:$0x1FC00] =	vst v63  }
0x24d: {  	_ = 	snop  }
0x24e: {  	[tilespmem:s16], [sflag:$0x3] =	stream.indirect_vreg.gather [hbm4b:s14+s6], $0x80, v4, vm0, $0xb8;
	[tilespmem:$0x1FC00] =	vst v63  }
0x24f: {  	s20 =	sadd.s32 $0x1, s20  }
0x250: {  	[tilespmem:s26], [sflag:$0x3] =	stream.indirect_vreg.gather [hbm4b:s3+s6], $0x80, v3, vm0, $0xb8;
	[tilespmem:$0x1FC00] =	vst v63  }
0x251: {  	p0 =	sne.s32 s20, $0x40  }
0x252: {  	[tilespmem:s28], [sflag:$0x3] =	stream.indirect_vreg.gather [hbm4b:s13+s6], $0x80, v3, vm0, $0xb8;
	[tilespmem:$0x1FC00] =	vst v63  }
.Ltmp2:
0x253: {  	_ = 	snop;
	(pc) =	sbr.rel @p0 .LBB2_2-.Ltmp2, $4  }
0x254: {  	_ = 	snop  }
0x255: {  	[tilespmem:s29], [sflag:$0x3] =	stream.indirect_vreg.gather [hbm4b:s14+s6], $0x80, v3, vm0, $0xb8;
	[tilespmem:$0x1FC00] =	vst v63  }
0x256: {  	s21 =	sadd.s32 $0x300, s22  }
0x257: {  	[hbm4b:s21+s6] =	stream.linear.scatter [tilespmem:s17], [sflag:$0x4], $0x1800, $0x38;
	[tilespmem:$0x1FC00] =	vst v63  }
0x258: {  	_ =	swait.ge [sflag:s0], $0x58  }
0x259: {  	[sflag:s0] =	ssyncset.done $0x0  }
0x25a: {  	[sflag:s0] =	ssyncadd.s32 $0xFFFFFFA8  }
0x25b: {  	_ =	swait.ge [sflag:s5], $0xD800  }
0x25c: {  	[sflag:s5] =	ssyncset.done $0x0  }
0x25d: {  	[sflag:s5] =	ssyncadd.s32 $0xFFFF2800  }
0x25e: {  	_ =	swait.ge [sflag:s4], $0x3000  }
0x25f: {  	[sflag:s4] =	ssyncset.done $0x0  }
0x260: {  	[sflag:s4] =	ssyncadd.s32 $0xFFFFD000  }
0x261: {  	s21 =	simm.s32 $0x80;
	_ =	swait.ge [sflag:s19], $0x1800  }
0x262: {  	s7 =	simm.s32 $0x1F900;
	s22 =	simm.s32 $0x400;
	[sflag:s19] =	ssyncset.done $0x0  }
0x263: {  	s24 =	simm.s32 $0x7;
	s20 =	rddreg [dreg:$0x8];
	[sflag:s19] =	ssyncadd.s32 $0xFFFFE800  }
0x264: {  	[hbm4b:s20+s21] =	stream.strided.scatter [tilespmem:s7], [sflag:$0x7], $0x300, s22, s21, $0x38;
	[tilespmem:$0x1FC00] =	vst v63  }
0x265: {  	_ =	swait.ge [sflag:s24], $0x300  }
0x266: {  	[sflag:s24] =	ssyncset.done $0x0  }
0x267: {  	s23 =	rddreg [dreg:$0x9];
	[sflag:s24] =	ssyncadd.s32 $0xFFFFFD00  }
0x268: {  	[hbm4b:s23+s21] =	stream.strided.scatter [tilespmem:s7], [sflag:$0x7], $0x300, s22, s21, $0x38;
	[tilespmem:$0x1FC00] =	vst v63  }
0x269: {  	_ =	swait.ge [sflag:s24], $0x300  }
0x26a: {  	[sflag:s24] =	ssyncset.done $0x0  }
0x26b: {  	s30 =	rddreg [dreg:$0xa];
	[sflag:s24] =	ssyncadd.s32 $0xFFFFFD00  }
0x26c: {  	[hbm4b:s30+s21] =	stream.strided.scatter [tilespmem:s7], [sflag:$0x7], $0x300, s22, s21, $0x38;
	[tilespmem:$0x1FC00] =	vst v63  }
0x26d: {  	_ =	swait.ge [sflag:s24], $0x300  }
0x26e: {  	[sflag:s24] =	ssyncset.done $0x0  }
0x26f: {  	s1 =	rddreg [dreg:$0xb];
	[sflag:s24] =	ssyncadd.s32 $0xFFFFFD00  }
0x270: {  	[hbm4b:s1+s21] =	stream.strided.scatter [tilespmem:s7], [sflag:$0x7], $0x300, s22, s21, $0x38;
	[tilespmem:$0x1FC00] =	vst v63  }
0x271: {  	_ =	swait.ge [sflag:s24], $0x300  }
0x272: {  	[sflag:s24] =	ssyncset.done $0x0  }
0x273: {  	s23 =	rddreg [dreg:$0xc];
	[sflag:s24] =	ssyncadd.s32 $0xFFFFFD00  }
0x274: {  	[hbm4b:s23+s21] =	stream.strided.scatter [tilespmem:s7], [sflag:$0x7], $0x300, s22, s21, $0x38;
	[tilespmem:$0x1FC00] =	vst v63  }
0x275: {  	_ =	swait.ge [sflag:s24], $0x300  }
0x276: {  	[sflag:s24] =	ssyncset.done $0x0  }
0x277: {  	s30 =	rddreg [dreg:$0xd];
	[sflag:s24] =	ssyncadd.s32 $0xFFFFFD00  }
0x278: {  	[hbm4b:s30+s21] =	stream.strided.scatter [tilespmem:s7], [sflag:$0x7], $0x300, s22, s21, $0x38;
	[tilespmem:$0x1FC00] =	vst v63  }
0x279: {  	_ =	swait.ge [sflag:s24], $0x300  }
0x27a: {  	[sflag:s24] =	ssyncset.done $0x0  }
0x27b: {  	s1 =	rddreg [dreg:$0xe];
	[sflag:s24] =	ssyncadd.s32 $0xFFFFFD00  }
0x27c: {  	[hbm4b:s1+s21] =	stream.strided.scatter [tilespmem:s7], [sflag:$0x7], $0x300, s22, s21, $0x38;
	[tilespmem:$0x1FC00] =	vst v63  }
0x27d: {  	_ =	swait.ge [sflag:s24], $0x300  }
0x27e: {  	[sflag:s24] =	ssyncset.done $0x0  }
0x27f: {  	s23 =	rddreg [dreg:$0xf];
	[sflag:s24] =	ssyncadd.s32 $0xFFFFFD00  }
0x280: {  	[hbm4b:s23+s21] =	stream.strided.scatter [tilespmem:s7], [sflag:$0x7], $0x300, s22, s21, $0x38;
	[tilespmem:$0x1FC00] =	vst v63  }
0x281: {  	_ =	swait.ge [sflag:s24], $0x300  }
0x282: {  	[sflag:s24] =	ssyncset.done $0x0  }
0x283: {  	s20 =	simm.s32 $0x0;
	s30 =	rddreg [dreg:$0x10];
	[sflag:s24] =	ssyncadd.s32 $0xFFFFFD00  }
0x284: {  	[tilespmem:s20], [sflag:$0x5] =	stream.linear.gather [hbm4b:s30+s20], $0x58, $0x38;
	[tilespmem:$0x1FC00] =	vst v63  }
0x285: {  	_ =	swait.ge [sflag:s15], $0x58  }
0x286: {  	[sflag:s15] =	ssyncset.done $0x0  }
0x287: {  	[sflag:s15] =	ssyncadd.s32 $0xFFFFFFA8  }
0x288: {  	v3 =	vld [tilespmem:$0x0];
	_ =	sdelay $0x4  }
0x289: {  	v4 =	vshrl.u32 v3, $0x3  }
0x28a: {  	v4 =	vmul.u32 $0x30, v4  }
0x28b: {  	v3 =	vand.u32 $0x7, v3  }
0x28c: {  	v3 =	vor.u32 v3, v4  }
0x28d: {  	v4 =	vperm.xlane v3, v0;
	_ =	sdelay $0x1  }
0x28e: {  	v4 =	vadd.s32 v1, v4;
	_ =	sdelay $0x3  }
0x28f: {  	s22 =	simm.s32 $0x100;
	v3 =	vperm.xlane v3, v2  }
0x290: {  	[tilespmem:s22], [sflag:$0x1] =	stream.indirect_vreg.gather [hbm4b:s2+s20], $0x80, v4, vm0, $0xb8;
	[tilespmem:$0x1FC00] =	vst v63  }
0x291: {  	s23 =	simm.s32 $0x900;
	v3 =	vadd.s32 v1, v3  }
0x292: {  	[tilespmem:s23], [sflag:$0x1] =	stream.indirect_vreg.gather [hbm4b:s11+s20], $0x80, v4, vm0, $0xb8;
	[tilespmem:$0x1FC00] =	vst v63  }
0x293: {  	s30 =	simm.s32 $0x1100  }
0x294: {  	[tilespmem:s30], [sflag:$0x1] =	stream.indirect_vreg.gather [hbm4b:s12+s20], $0x80, v4, vm0, $0xb8;
	[tilespmem:$0x1FC00] =	vst v63  }
0x295: {  	s22 =	simm.s32 $0x1900  }
0x296: {  	[tilespmem:s22], [sflag:$0x1] =	stream.indirect_vreg.gather [hbm4b:s2+s20], $0x80, v3, vm0, $0xb8;
	[tilespmem:$0x1FC00] =	vst v63  }
0x297: {  	s23 =	simm.s32 $0x2100  }
0x298: {  	[tilespmem:s23], [sflag:$0x1] =	stream.indirect_vreg.gather [hbm4b:s11+s20], $0x80, v3, vm0, $0xb8;
	[tilespmem:$0x1FC00] =	vst v63  }
0x299: {  	s30 =	simm.s32 $0x2900  }
0x29a: {  	[tilespmem:s30], [sflag:$0x1] =	stream.indirect_vreg.gather [hbm4b:s12+s20], $0x80, v3, vm0, $0xb8;
	[tilespmem:$0x1FC00] =	vst v63  }
0x29b: {  	v3 =	vld [tilespmem:$0x10];
	_ =	sdelay $0x4  }
0x29c: {  	v59 =	vshrl.u32 v3, $0x3  }
0x29d: {  	v4 =	vmul.u32 $0x30, v59  }
0x29e: {  	v3 =	vand.u32 $0x7, v3  }
0x29f: {  	v3 =	vor.u32 v3, v4  }
0x2a0: {  	v4 =	vperm.xlane v3, v0;
	_ =	sdelay $0x1  }
0x2a1: {  	v4 =	vadd.s32 v1, v4;
	_ =	sdelay $0x3  }
0x2a2: {  	s22 =	simm.s32 $0x3100;
	v3 =	vperm.xlane v3, v2  }
0x2a3: {  	[tilespmem:s22], [sflag:$0x1] =	stream.indirect_vreg.gather [hbm4b:s2+s20], $0x80, v4, vm0, $0xb8;
	[tilespmem:$0x1FC00] =	vst v63  }
0x2a4: {  	s23 =	simm.s32 $0x3900;
	v3 =	vadd.s32 v1, v3  }
0x2a5: {  	[tilespmem:s23], [sflag:$0x1] =	stream.indirect_vreg.gather [hbm4b:s11+s20], $0x80, v4, vm0, $0xb8;
	[tilespmem:$0x1FC00] =	vst v63  }
0x2a6: {  	s30 =	simm.s32 $0x4100  }
0x2a7: {  	[tilespmem:s30], [sflag:$0x1] =	stream.indirect_vreg.gather [hbm4b:s12+s20], $0x80, v4, vm0, $0xb8;
	[tilespmem:$0x1FC00] =	vst v63  }
0x2a8: {  	s22 =	simm.s32 $0x4900  }
0x2a9: {  	[tilespmem:s22], [sflag:$0x1] =	stream.indirect_vreg.gather [hbm4b:s2+s20], $0x80, v3, vm0, $0xb8;
	[tilespmem:$0x1FC00] =	vst v63  }
0x2aa: {  	s23 =	simm.s32 $0x5100  }
0x2ab: {  	[tilespmem:s23], [sflag:$0x1] =	stream.indirect_vreg.gather [hbm4b:s11+s20], $0x80, v3, vm0, $0xb8;
	[tilespmem:$0x1FC00] =	vst v63  }
0x2ac: {  	s30 =	simm.s32 $0x5900  }
0x2ad: {  	[tilespmem:s30], [sflag:$0x1] =	stream.indirect_vreg.gather [hbm4b:s12+s20], $0x80, v3, vm0, $0xb8;
	[tilespmem:$0x1FC00] =	vst v63  }
0x2ae: {  	v3 =	vld [tilespmem:$0x20];
	_ =	sdelay $0x4  }
0x2af: {  	v60 =	vshrl.u32 v3, $0x3  }
0x2b0: {  	v4 =	vmul.u32 $0x30, v60  }
0x2b1: {  	v3 =	vand.u32 $0x7, v3  }
0x2b2: {  	v3 =	vor.u32 v3, v4  }
0x2b3: {  	v4 =	vperm.xlane v3, v0;
	_ =	sdelay $0x1  }
0x2b4: {  	v4 =	vadd.s32 v1, v4;
	_ =	sdelay $0x3  }
0x2b5: {  	s22 =	simm.s32 $0x6100;
	v3 =	vperm.xlane v3, v2  }
0x2b6: {  	[tilespmem:s22], [sflag:$0x1] =	stream.indirect_vreg.gather [hbm4b:s2+s20], $0x80, v4, vm0, $0xb8;
	[tilespmem:$0x1FC00] =	vst v63  }
0x2b7: {  	s23 =	simm.s32 $0x6900;
	v3 =	vadd.s32 v1, v3  }
0x2b8: {  	[tilespmem:s23], [sflag:$0x1] =	stream.indirect_vreg.gather [hbm4b:s11+s20], $0x80, v4, vm0, $0xb8;
	[tilespmem:$0x1FC00] =	vst v63  }
0x2b9: {  	s30 =	simm.s32 $0x7100  }
0x2ba: {  	[tilespmem:s30], [sflag:$0x1] =	stream.indirect_vreg.gather [hbm4b:s12+s20], $0x80, v4, vm0, $0xb8;
	[tilespmem:$0x1FC00] =	vst v63  }
0x2bb: {  	s22 =	simm.s32 $0x7900  }
0x2bc: {  	[tilespmem:s22], [sflag:$0x1] =	stream.indirect_vreg.gather [hbm4b:s2+s20], $0x80, v3, vm0, $0xb8;
	[tilespmem:$0x1FC00] =	vst v63  }
0x2bd: {  	s23 =	simm.s32 $0x8100  }
0x2be: {  	[tilespmem:s23], [sflag:$0x1] =	stream.indirect_vreg.gather [hbm4b:s11+s20], $0x80, v3, vm0, $0xb8;
	[tilespmem:$0x1FC00] =	vst v63  }
0x2bf: {  	s30 =	simm.s32 $0x8900  }
0x2c0: {  	[tilespmem:s30], [sflag:$0x1] =	stream.indirect_vreg.gather [hbm4b:s12+s20], $0x80, v3, vm0, $0xb8;
	[tilespmem:$0x1FC00] =	vst v63  }
0x2c1: {  	v3 =	vld [tilespmem:$0x30];
	_ =	sdelay $0x4  }
0x2c2: {  	v61 =	vshrl.u32 v3, $0x3  }
0x2c3: {  	v4 =	vmul.u32 $0x30, v61  }
0x2c4: {  	v3 =	vand.u32 $0x7, v3  }
0x2c5: {  	v3 =	vor.u32 v3, v4  }
0x2c6: {  	v4 =	vperm.xlane v3, v0;
	_ =	sdelay $0x1  }
0x2c7: {  	v4 =	vadd.s32 v1, v4;
	_ =	sdelay $0x3  }
0x2c8: {  	s22 =	simm.s32 $0x9100;
	v3 =	vperm.xlane v3, v2  }
0x2c9: {  	[tilespmem:s22], [sflag:$0x1] =	stream.indirect_vreg.gather [hbm4b:s2+s20], $0x80, v4, vm0, $0xb8;
	[tilespmem:$0x1FC00] =	vst v63  }
0x2ca: {  	s23 =	simm.s32 $0x9900;
	v3 =	vadd.s32 v1, v3  }
0x2cb: {  	[tilespmem:s23], [sflag:$0x1] =	stream.indirect_vreg.gather [hbm4b:s11+s20], $0x80, v4, vm0, $0xb8;
	[tilespmem:$0x1FC00] =	vst v63  }
0x2cc: {  	s30 =	simm.s32 $0xA100  }
0x2cd: {  	[tilespmem:s30], [sflag:$0x1] =	stream.indirect_vreg.gather [hbm4b:s12+s20], $0x80, v4, vm0, $0xb8;
	[tilespmem:$0x1FC00] =	vst v63  }
0x2ce: {  	s22 =	simm.s32 $0xA900  }
0x2cf: {  	[tilespmem:s22], [sflag:$0x1] =	stream.indirect_vreg.gather [hbm4b:s2+s20], $0x80, v3, vm0, $0xb8;
	[tilespmem:$0x1FC00] =	vst v63  }
0x2d0: {  	s23 =	simm.s32 $0xB100  }
0x2d1: {  	[tilespmem:s23], [sflag:$0x1] =	stream.indirect_vreg.gather [hbm4b:s11+s20], $0x80, v3, vm0, $0xb8;
	[tilespmem:$0x1FC00] =	vst v63  }
0x2d2: {  	s30 =	simm.s32 $0xB900  }
0x2d3: {  	[tilespmem:s30], [sflag:$0x1] =	stream.indirect_vreg.gather [hbm4b:s12+s20], $0x80, v3, vm0, $0xb8;
	[tilespmem:$0x1FC00] =	vst v63  }
0x2d4: {  	v3 =	vld.msk [tilespmem:$0x40], $0xff;
	_ =	sdelay $0x4  }
0x2d5: {  	v62 =	vshrl.u32 v3, $0x3  }
0x2d6: {  	v4 =	vmul.u32 $0x30, v62  }
0x2d7: {  	v3 =	vand.u32 $0x7, v3  }
0x2d8: {  	v3 =	vor.u32 v3, v4  }
0x2d9: {  	v3 =	vperm.xlane v3, v0;
	_ =	sdelay $0x1  }
0x2da: {  	v3 =	vadd.s32 v1, v3;
	_ =	sdelay $0x3  }
0x2db: {  	s22 =	simm.s32 $0xC100  }
0x2dc: {  	[tilespmem:s22], [sflag:$0x1] =	stream.indirect_vreg.gather [hbm4b:s2+s20], $0x80, v3, vm0, $0xb8;
	[tilespmem:$0x1FC00] =	vst v63  }
0x2dd: {  	s23 =	simm.s32 $0xC900  }
0x2de: {  	[tilespmem:s23], [sflag:$0x1] =	stream.indirect_vreg.gather [hbm4b:s11+s20], $0x80, v3, vm0, $0xb8;
	[tilespmem:$0x1FC00] =	vst v63  }
0x2df: {  	s30 =	simm.s32 $0xD100  }
0x2e0: {  	[tilespmem:s30], [sflag:$0x1] =	stream.indirect_vreg.gather [hbm4b:s12+s20], $0x80, v3, vm0, $0xb8;
	[tilespmem:$0x1FC00] =	vst v63  }
0x2e1: {  	v3 =	vld [tilespmem:$0x48];
	_ =	sdelay $0x4  }
0x2e2: {  	v63 =	vshrl.u32 v3, $0x3  }
0x2e3: {  	v4 =	vmul.u32 $0x30, v63  }
0x2e4: {  	v3 =	vand.u32 $0x7, v3  }
0x2e5: {  	v3 =	vor.u32 v3, v4  }
0x2e6: {  	v4 =	vperm.xlane v3, v0;
	_ =	sdelay $0x1  }
0x2e7: {  	v4 =	vadd.s32 v1, v4;
	_ =	sdelay $0x3  }
0x2e8: {  	v3 =	vperm.xlane v3, v2  }
0x2e9: {  	[tilespmem:s25], [sflag:$0x3] =	stream.indirect_vreg.gather [hbm4b:s3+s20], $0x80, v4, vm0, $0xb8;
	[tilespmem:$0x1FC00] =	vst v63  }
0x2ea: {  	v3 =	vadd.s32 v1, v3  }
0x2eb: {  	[tilespmem:s10], [sflag:$0x3] =	stream.indirect_vreg.gather [hbm4b:s13+s20], $0x80, v4, vm0, $0xb8;
	[tilespmem:$0x1FC00] =	vst v63  }
0x2ec: {  	_ = 	snop  }
0x2ed: {  	[tilespmem:s16], [sflag:$0x3] =	stream.indirect_vreg.gather [hbm4b:s14+s20], $0x80, v4, vm0, $0xb8;
	[tilespmem:$0x1FC00] =	vst v63  }
0x2ee: {  	_ = 	snop  }
0x2ef: {  	[tilespmem:s26], [sflag:$0x3] =	stream.indirect_vreg.gather [hbm4b:s3+s20], $0x80, v3, vm0, $0xb8;
	[tilespmem:$0x1FC00] =	vst v63  }
0x2f0: {  	_ = 	snop  }
0x2f1: {  	[tilespmem:s28], [sflag:$0x3] =	stream.indirect_vreg.gather [hbm4b:s13+s20], $0x80, v3, vm0, $0xb8;
	[tilespmem:$0x1FC00] =	vst v63  }
0x2f2: {  	_ = 	snop  }
0x2f3: {  	[tilespmem:s29], [sflag:$0x3] =	stream.indirect_vreg.gather [hbm4b:s14+s20], $0x80, v3, vm0, $0xb8;
	[tilespmem:$0x1FC00] =	vst v63  }
0x2f4: {  	_ =	swait.ge [sflag:s5], $0xD800  }
0x2f5: {  	[sflag:s5] =	ssyncset.done $0x0  }
0x2f6: {  	[sflag:s5] =	ssyncadd.s32 $0xFFFF2800  }
0x2f7: {  	_ =	swait.ge [sflag:s4], $0x3000  }
0x2f8: {  	[sflag:s4] =	ssyncset.done $0x0  }
0x2f9: {  	s1 =	simm.s32 $0x80;
	s21 =	simm.s32 $0x0;
	[sflag:s4] =	ssyncadd.s32 $0xFFFFD000  }
.LBB2_8:
0x2fa: {  	s22 =	sand.u32 $0x70, s21;
	s23 =	sand.u32 $0x1C00, s20  }
0x2fb: {  	s22 =	sor.u32 s22, s23  }
0x2fc: {  	v3 =	vld [tilespmem:s22+$0x100]  }
0x2fd: {  	v4 =	vld [tilespmem:s22+$0x1980]  }
0x2fe: {  	v5 =	vld [tilespmem:s22+$0x3200]  }
0x2ff: {  	v6 =	vld [tilespmem:s22+$0x4A80]  }
0x300: {  	v7 =	vld [tilespmem:s22+$0x6300]  }
0x301: {  	v8 =	vld [tilespmem:s22+$0x7B80]  }
0x302: {  	v9 =	vld [tilespmem:s22+$0x9400]  }
0x303: {  	v10 =	vld [tilespmem:s22+$0xAC80]  }
0x304: {  	v11 =	vld [tilespmem:s22+$0x180]  }
0x305: {  	v12 =	vld [tilespmem:s22+$0x1A00]  }
0x306: {  	v13 =	vld [tilespmem:s22+$0x3280]  }
0x307: {  	v14 =	vld [tilespmem:s22+$0x4B00]  }
0x308: {  	v15 =	vld [tilespmem:s22+$0x6380]  }
0x309: {  	v16 =	vld [tilespmem:s22+$0x7C00]  }
0x30a: {  	v17 =	vld [tilespmem:s22+$0x9480]  }
0x30b: {  	v18 =	vld [tilespmem:s22+$0xC100]  }
0x30c: {  	v19 =	vld [tilespmem:s22+$0x200]  }
0x30d: {  	v20 =	vld [tilespmem:s22+$0x1A80]  }
0x30e: {  	v21 =	vld [tilespmem:s22+$0x3300]  }
0x30f: {  	v22 =	vld [tilespmem:s22+$0x4B80]  }
0x310: {  	v23 =	vld [tilespmem:s22+$0x6400]  }
0x311: {  	v24 =	vld [tilespmem:s22+$0x7C80]  }
0x312: {  	v25 =	vld [tilespmem:s22+$0xA900]  }
0x313: {  	v26 =	vld [tilespmem:s22+$0xC180]  }
0x314: {  	v27 =	vld [tilespmem:s22+$0x280]  }
0x315: {  	v28 =	vld [tilespmem:s22+$0x1B00]  }
0x316: {  	v29 =	vld [tilespmem:s22+$0x3380]  }
0x317: {  	v30 =	vld [tilespmem:s22+$0x4C00]  }
0x318: {  	v31 =	vld [tilespmem:s22+$0x6480]  }
0x319: {  	v32 =	vld [tilespmem:s22+$0x9100]  }
0x31a: {  	v33 =	vld [tilespmem:s22+$0xA980]  }
0x31b: {  	v34 =	vld [tilespmem:s22+$0xC200]  }
0x31c: {  	v35 =	vld [tilespmem:s22+$0x300]  }
0x31d: {  	v36 =	vld [tilespmem:s22+$0x1B80]  }
0x31e: {  	v37 =	vld [tilespmem:s22+$0x3400]  }
0x31f: {  	v38 =	vld [tilespmem:s22+$0x4C80]  }
0x320: {  	v39 =	vld [tilespmem:s22+$0x7900]  }
0x321: {  	v40 =	vld [tilespmem:s22+$0x9180]  }
0x322: {  	v41 =	vld [tilespmem:s22+$0xAA00]  }
0x323: {  	v42 =	vld [tilespmem:s22+$0xC280]  }
0x324: {  	v43 =	vld [tilespmem:s22+$0x380]  }
0x325: {  	v44 =	vld [tilespmem:s22+$0x1C00]  }
0x326: {  	v45 =	vld [tilespmem:s22+$0x3480]  }
0x327: {  	v46 =	vld [tilespmem:s22+$0x6100]  }
0x328: {  	v47 =	vld [tilespmem:s22+$0x7980]  }
0x329: {  	v48 =	vld [tilespmem:s22+$0x9200]  }
0x32a: {  	v49 =	vld [tilespmem:s22+$0xAA80]  }
0x32b: {  	v50 =	vld [tilespmem:s22+$0xC300]  }
0x32c: {  	v51 =	vld [tilespmem:s22+$0x400]  }
0x32d: {  	v52 =	vld [tilespmem:s22+$0x1C80]  }
0x32e: {  	v53 =	vld [tilespmem:s22+$0x4900]  }
0x32f: {  	s30 =	sor.u32 s20, s21;
	v54 =	vld [tilespmem:s22+$0x6180]  }
0x330: {  	s23 =	sor.u32 $0x380, s30;
	v55 =	vld [tilespmem:s22+$0xC380];
	v3 =	vadd.f32 v11, v3;
	v4 =	vadd.f32 v12, v4  }
0x331: {  	v56 =	vld [tilespmem:s23+$0x100];
	v5 =	vadd.f32 v13, v5;
	v6 =	vadd.f32 v14, v6  }
0x332: {  	v57 =	vld [tilespmem:s22+$0x3100];
	v7 =	vadd.f32 v15, v7;
	v8 =	vadd.f32 v16, v8  }
0x333: {  	v58 =	vld [tilespmem:s22+$0x4980];
	v9 =	vadd.f32 v17, v9;
	v10 =	vadd.f32 v18, v10  }
0x334: {  	v59 =	vld [tilespmem:s22+$0x6200];
	v3 =	vadd.f32 v19, v3;
	v4 =	vadd.f32 v20, v4  }
0x335: {  	v60 =	vld [tilespmem:s22+$0x7A80];
	v5 =	vadd.f32 v21, v5;
	v6 =	vadd.f32 v22, v6  }
0x336: {  	v61 =	vld [tilespmem:s22+$0x9300];
	v7 =	vadd.f32 v23, v7;
	v8 =	vadd.f32 v24, v8  }
0x337: {  	v62 =	vld [tilespmem:s22+$0xAB80];
	v9 =	vadd.f32 v25, v9;
	v10 =	vadd.f32 v26, v10  }
0x338: {  	v63 =	vld [tilespmem:s22+$0xC400];
	v3 =	vadd.f32 v27, v3;
	v4 =	vadd.f32 v28, v4  }
0x339: {  	v11 =	vld [tilespmem:s22+$0x7A00];
	v5 =	vadd.f32 v29, v5;
	v6 =	vadd.f32 v30, v6  }
0x33a: {  	v12 =	vld [tilespmem:s22+$0x9280];
	v7 =	vadd.f32 v31, v7;
	v8 =	vadd.f32 v32, v8  }
0x33b: {  	v13 =	vld [tilespmem:s22+$0xAB00];
	v9 =	vadd.f32 v33, v9;
	v10 =	vadd.f32 v34, v10  }
0x33c: {  	v3 =	vadd.f32 v35, v3;
	v4 =	vadd.f32 v36, v4;
	v36 =	vld [tilespmem:s22+$0x1900]  }
0x33d: {  	v5 =	vadd.f32 v37, v5;
	v6 =	vadd.f32 v38, v6;
	v38 =	vld [tilespmem:s22+$0x3180]  }
0x33e: {  	v7 =	vadd.f32 v39, v7;
	v8 =	vadd.f32 v40, v8;
	v40 =	vld [tilespmem:s22+$0x4A00]  }
0x33f: {  	v9 =	vadd.f32 v41, v9;
	v10 =	vadd.f32 v42, v10;
	v42 =	vld [tilespmem:s22+$0x6280]  }
0x340: {  	v3 =	vadd.f32 v43, v3;
	v4 =	vadd.f32 v44, v4;
	v43 =	vld [tilespmem:s22+$0x7B00]  }
0x341: {  	v5 =	vadd.f32 v45, v5;
	v6 =	vadd.f32 v46, v6;
	v44 =	vld [tilespmem:s22+$0x9380]  }
0x342: {  	v7 =	vadd.f32 v47, v7;
	v8 =	vadd.f32 v48, v8;
	v45 =	vld [tilespmem:s22+$0xAC00]  }
0x343: {  	v9 =	vadd.f32 v49, v9;
	v10 =	vadd.f32 v50, v10;
	v46 =	vld [tilespmem:s22+$0xC480]  }
0x344: {  	v47 =	vld [tilespmem:s22+$0x1B100];
	v3 =	vadd.f32 v51, v3;
	v4 =	vadd.f32 v52, v4  }
0x345: {  	v48 =	vld [tilespmem:s22+$0x1B180];
	v5 =	vadd.f32 v53, v5;
	v6 =	vadd.f32 v54, v6  }
0x346: {  	v49 =	vld [tilespmem:s22+$0x1B200];
	v7 =	vadd.f32 v11, v7;
	v8 =	vadd.f32 v12, v8  }
0x347: {  	v50 =	vld [tilespmem:s22+$0x1B280];
	v9 =	vadd.f32 v13, v9;
	v10 =	vadd.f32 v55, v10  }
0x348: {  	v51 =	vld [tilespmem:s22+$0x1B300];
	v3 =	vadd.f32 v56, v3;
	v4 =	vadd.f32 v57, v4  }
0x349: {  	v52 =	vld [tilespmem:s22+$0x1B380];
	v5 =	vadd.f32 v58, v5;
	v6 =	vadd.f32 v59, v6  }
0x34a: {  	v53 =	vld [tilespmem:s22+$0x1B400];
	v7 =	vadd.f32 v60, v7;
	v8 =	vadd.f32 v61, v8  }
0x34b: {  	v54 =	vld [tilespmem:s23+$0x1B100];
	v9 =	vadd.f32 v62, v9;
	v10 =	vadd.f32 v63, v10  }
0x34c: {  	v55 =	vld [tilespmem:s22+$0x1C900];
	v3 =	vadd.f32 v36, v3;
	v4 =	vadd.f32 v38, v4  }
0x34d: {  	v56 =	vld [tilespmem:s22+$0x1C980];
	v5 =	vadd.f32 v40, v5;
	v6 =	vadd.f32 v42, v6  }
0x34e: {  	v57 =	vld [tilespmem:s22+$0x1CA00];
	v7 =	vadd.f32 v43, v7;
	v8 =	vadd.f32 v44, v8  }
0x34f: {  	v58 =	vld [tilespmem:s22+$0x1CA80];
	v9 =	vadd.f32 v45, v9;
	v3 =	vadd.f32 v47, v3  }
0x350: {  	v59 =	vld [tilespmem:s22+$0x1CB00];
	v10 =	vadd.f32 v46, v10;
	v4 =	vadd.f32 v48, v4  }
0x351: {  	v60 =	vld [tilespmem:s22+$0x1CB80];
	v5 =	vadd.f32 v49, v5;
	v3 =	vadd.f32 v55, v3  }
0x352: {  	v61 =	vld [tilespmem:s22+$0x1CC00];
	v6 =	vadd.f32 v50, v6;
	v4 =	vadd.f32 v56, v4  }
0x353: {  	v7 =	vadd.f32 v51, v7;
	v5 =	vadd.f32 v57, v5;
	[tilespmem:s22+$0x1E100] =	vst v3;
	v3 =	vld [tilespmem:s22+$0x1CC80]  }
0x354: {  	v8 =	vadd.f32 v52, v8;
	v6 =	vadd.f32 v58, v6;
	[tilespmem:s22+$0x1E180] =	vst v4  }
0x355: {  	p0 =	sne.s32 s21, $0x2F0;
	v62 =	vadd.f32 v53, v9;
	v7 =	vadd.f32 v59, v7;
	[tilespmem:s22+$0x1E200] =	vst v5  }
.Ltmp3:
0x356: {  	v63 =	vadd.f32 v54, v10;
	v8 =	vadd.f32 v60, v8;
	[tilespmem:s22+$0x1E280] =	vst v6;
	(pc) =	sbr.rel @p0 .LBB2_8-.Ltmp3, $4  }
0x357: {  	v4 =	vadd.f32 v61, v62;
	[tilespmem:s22+$0x1E300] =	vst v7  }
0x358: {  	[tilespmem:s22+$0x1E380] =	vst v8;
	v3 =	vadd.f32 v3, v63  }
0x359: {  	[tilespmem:s22+$0x1E400] =	vst v4  }
0x35a: {  	s20 =	sadd.s32 $0x80, s20;
	s21 =	sadd.s32 $0x10, s21;
	[tilespmem:s23+$0x1E100] =	vst v3  }
0x35b: {  	s21 =	rddreg [dreg:$0x12]  }
0x35c: {  	[hbm4b:s21+s6] =	stream.linear.scatter [tilespmem:s17], [sflag:$0x7], $0x80, $0x38;
	[tilespmem:$0x1FC00] =	vst v63  }
0x35d: {  	s22 =	simm.s32 $0x1E500;
	s20 =	sadd.s32 $0x80, s21  }
0x35e: {  	[hbm4b:s20+s6] =	stream.linear.scatter [tilespmem:s22], [sflag:$0x7], $0x80, $0x38;
	[tilespmem:$0x1FC00] =	vst v63  }
0x35f: {  	s30 =	simm.s32 $0x1E900;
	s23 =	sadd.s32 $0x100, s21  }
0x360: {  	[hbm4b:s23+s6] =	stream.linear.scatter [tilespmem:s30], [sflag:$0x7], $0x80, $0x38;
	[tilespmem:$0x1FC00] =	vst v63  }
0x361: {  	s23 =	sadd.s32 $0x180, s21;
	s30 =	simm.s32 $0x1ED00  }
0x362: {  	[hbm4b:s23+s6] =	stream.linear.scatter [tilespmem:s30], [sflag:$0x7], $0x80, $0x38;
	[tilespmem:$0x1FC00] =	vst v63  }
0x363: {  	s23 =	sadd.s32 $0x200, s21;
	s30 =	simm.s32 $0x1F100  }
0x364: {  	[hbm4b:s23+s6] =	stream.linear.scatter [tilespmem:s30], [sflag:$0x7], $0x80, $0x38;
	[tilespmem:$0x1FC00] =	vst v63  }
0x365: {  	s23 =	sadd.s32 $0x280, s21;
	s30 =	simm.s32 $0x1F500  }
0x366: {  	[hbm4b:s23+s6] =	stream.linear.scatter [tilespmem:s30], [sflag:$0x7], $0x80, $0x38;
	[tilespmem:$0x1FC00] =	vst v63  }
0x367: {  	_ =	swait.ge [sflag:s24], $0x300  }
0x368: {  	[sflag:s24] =	ssyncset.done $0x0  }
0x369: {  	s22 =	simm.s32 $0x1E180;
	s21 =	rddreg [dreg:$0x13];
	[sflag:s24] =	ssyncadd.s32 $0xFFFFFD00  }
0x36a: {  	[hbm4b:s21+s6] =	stream.linear.scatter [tilespmem:s22], [sflag:$0x7], $0x80, $0x38;
	[tilespmem:$0x1FC00] =	vst v63  }
0x36b: {  	s30 =	simm.s32 $0x1E580;
	s23 =	sadd.s32 $0x80, s21  }
0x36c: {  	[hbm4b:s23+s6] =	stream.linear.scatter [tilespmem:s30], [sflag:$0x7], $0x80, $0x38;
	[tilespmem:$0x1FC00] =	vst v63  }
0x36d: {  	s23 =	sadd.s32 $0x100, s21;
	s30 =	simm.s32 $0x1E980  }
0x36e: {  	[hbm4b:s23+s6] =	stream.linear.scatter [tilespmem:s30], [sflag:$0x7], $0x80, $0x38;
	[tilespmem:$0x1FC00] =	vst v63  }
0x36f: {  	s23 =	sadd.s32 $0x180, s21;
	s30 =	simm.s32 $0x1ED80  }
0x370: {  	[hbm4b:s23+s6] =	stream.linear.scatter [tilespmem:s30], [sflag:$0x7], $0x80, $0x38;
	[tilespmem:$0x1FC00] =	vst v63  }
0x371: {  	s23 =	sadd.s32 $0x200, s21;
	s30 =	simm.s32 $0x1F180  }
0x372: {  	[hbm4b:s23+s6] =	stream.linear.scatter [tilespmem:s30], [sflag:$0x7], $0x80, $0x38;
	[tilespmem:$0x1FC00] =	vst v63  }
0x373: {  	s23 =	sadd.s32 $0x280, s21;
	s30 =	simm.s32 $0x1F580  }
0x374: {  	[hbm4b:s23+s6] =	stream.linear.scatter [tilespmem:s30], [sflag:$0x7], $0x80, $0x38;
	[tilespmem:$0x1FC00] =	vst v63  }
0x375: {  	_ =	swait.ge [sflag:s24], $0x300  }
0x376: {  	[sflag:s24] =	ssyncset.done $0x0  }
0x377: {  	s22 =	simm.s32 $0x1E200;
	s21 =	rddreg [dreg:$0x14];
	[sflag:s24] =	ssyncadd.s32 $0xFFFFFD00  }
0x378: {  	[hbm4b:s21+s6] =	stream.linear.scatter [tilespmem:s22], [sflag:$0x7], $0x80, $0x38;
	[tilespmem:$0x1FC00] =	vst v63  }
0x379: {  	s30 =	simm.s32 $0x1E600;
	s23 =	sadd.s32 $0x80, s21  }
0x37a: {  	[hbm4b:s23+s6] =	stream.linear.scatter [tilespmem:s30], [sflag:$0x7], $0x80, $0x38;
	[tilespmem:$0x1FC00] =	vst v63  }
0x37b: {  	s23 =	sadd.s32 $0x100, s21;
	s30 =	simm.s32 $0x1EA00  }
0x37c: {  	[hbm4b:s23+s6] =	stream.linear.scatter [tilespmem:s30], [sflag:$0x7], $0x80, $0x38;
	[tilespmem:$0x1FC00] =	vst v63  }
0x37d: {  	s23 =	sadd.s32 $0x180, s21;
	s30 =	simm.s32 $0x1EE00  }
0x37e: {  	[hbm4b:s23+s6] =	stream.linear.scatter [tilespmem:s30], [sflag:$0x7], $0x80, $0x38;
	[tilespmem:$0x1FC00] =	vst v63  }
0x37f: {  	s23 =	sadd.s32 $0x200, s21;
	s30 =	simm.s32 $0x1F200  }
0x380: {  	[hbm4b:s23+s6] =	stream.linear.scatter [tilespmem:s30], [sflag:$0x7], $0x80, $0x38;
	[tilespmem:$0x1FC00] =	vst v63  }
0x381: {  	s23 =	sadd.s32 $0x280, s21;
	s30 =	simm.s32 $0x1F600  }
0x382: {  	[hbm4b:s23+s6] =	stream.linear.scatter [tilespmem:s30], [sflag:$0x7], $0x80, $0x38;
	[tilespmem:$0x1FC00] =	vst v63  }
0x383: {  	_ =	swait.ge [sflag:s24], $0x300  }
0x384: {  	[sflag:s24] =	ssyncset.done $0x0  }
0x385: {  	s22 =	simm.s32 $0x1E280;
	s21 =	rddreg [dreg:$0x15];
	[sflag:s24] =	ssyncadd.s32 $0xFFFFFD00  }
0x386: {  	[hbm4b:s21+s6] =	stream.linear.scatter [tilespmem:s22], [sflag:$0x7], $0x80, $0x38;
	[tilespmem:$0x1FC00] =	vst v63  }
0x387: {  	s30 =	simm.s32 $0x1E680;
	s23 =	sadd.s32 $0x80, s21  }
0x388: {  	[hbm4b:s23+s6] =	stream.linear.scatter [tilespmem:s30], [sflag:$0x7], $0x80, $0x38;
	[tilespmem:$0x1FC00] =	vst v63  }
0x389: {  	s23 =	sadd.s32 $0x100, s21;
	s30 =	simm.s32 $0x1EA80  }
0x38a: {  	[hbm4b:s23+s6] =	stream.linear.scatter [tilespmem:s30], [sflag:$0x7], $0x80, $0x38;
	[tilespmem:$0x1FC00] =	vst v63  }
0x38b: {  	s23 =	sadd.s32 $0x180, s21;
	s30 =	simm.s32 $0x1EE80  }
0x38c: {  	[hbm4b:s23+s6] =	stream.linear.scatter [tilespmem:s30], [sflag:$0x7], $0x80, $0x38;
	[tilespmem:$0x1FC00] =	vst v63  }
0x38d: {  	s23 =	sadd.s32 $0x200, s21;
	s30 =	simm.s32 $0x1F280  }
0x38e: {  	[hbm4b:s23+s6] =	stream.linear.scatter [tilespmem:s30], [sflag:$0x7], $0x80, $0x38;
	[tilespmem:$0x1FC00] =	vst v63  }
0x38f: {  	s23 =	sadd.s32 $0x280, s21;
	s30 =	simm.s32 $0x1F680  }
0x390: {  	[hbm4b:s23+s6] =	stream.linear.scatter [tilespmem:s30], [sflag:$0x7], $0x80, $0x38;
	[tilespmem:$0x1FC00] =	vst v63  }
0x391: {  	_ =	swait.ge [sflag:s24], $0x300  }
0x392: {  	[sflag:s24] =	ssyncset.done $0x0  }
0x393: {  	s22 =	simm.s32 $0x1E300;
	s21 =	rddreg [dreg:$0x16];
	[sflag:s24] =	ssyncadd.s32 $0xFFFFFD00  }
0x394: {  	[hbm4b:s21+s6] =	stream.linear.scatter [tilespmem:s22], [sflag:$0x7], $0x80, $0x38;
	[tilespmem:$0x1FC00] =	vst v63  }
0x395: {  	s30 =	simm.s32 $0x1E700;
	s23 =	sadd.s32 $0x80, s21  }
0x396: {  	[hbm4b:s23+s6] =	stream.linear.scatter [tilespmem:s30], [sflag:$0x7], $0x80, $0x38;
	[tilespmem:$0x1FC00] =	vst v63  }
0x397: {  	s23 =	sadd.s32 $0x100, s21;
	s30 =	simm.s32 $0x1EB00  }
0x398: {  	[hbm4b:s23+s6] =	stream.linear.scatter [tilespmem:s30], [sflag:$0x7], $0x80, $0x38;
	[tilespmem:$0x1FC00] =	vst v63  }
0x399: {  	s23 =	sadd.s32 $0x180, s21;
	s30 =	simm.s32 $0x1EF00  }
0x39a: {  	[hbm4b:s23+s6] =	stream.linear.scatter [tilespmem:s30], [sflag:$0x7], $0x80, $0x38;
	[tilespmem:$0x1FC00] =	vst v63  }
0x39b: {  	s23 =	sadd.s32 $0x200, s21;
	s30 =	simm.s32 $0x1F300  }
0x39c: {  	[hbm4b:s23+s6] =	stream.linear.scatter [tilespmem:s30], [sflag:$0x7], $0x80, $0x38;
	[tilespmem:$0x1FC00] =	vst v63  }
0x39d: {  	s23 =	sadd.s32 $0x280, s21;
	s30 =	simm.s32 $0x1F700  }
0x39e: {  	[hbm4b:s23+s6] =	stream.linear.scatter [tilespmem:s30], [sflag:$0x7], $0x80, $0x38;
	[tilespmem:$0x1FC00] =	vst v63  }
0x39f: {  	_ =	swait.ge [sflag:s24], $0x300  }
0x3a0: {  	[sflag:s24] =	ssyncset.done $0x0  }
0x3a1: {  	s22 =	simm.s32 $0x1E380;
	s21 =	rddreg [dreg:$0x17];
	[sflag:s24] =	ssyncadd.s32 $0xFFFFFD00  }
0x3a2: {  	[hbm4b:s21+s6] =	stream.linear.scatter [tilespmem:s22], [sflag:$0x7], $0x80, $0x38;
	[tilespmem:$0x1FC00] =	vst v63  }
0x3a3: {  	s30 =	simm.s32 $0x1E780;
	s23 =	sadd.s32 $0x80, s21  }
0x3a4: {  	[hbm4b:s23+s6] =	stream.linear.scatter [tilespmem:s30], [sflag:$0x7], $0x80, $0x38;
	[tilespmem:$0x1FC00] =	vst v63  }
0x3a5: {  	s23 =	sadd.s32 $0x100, s21;
	s30 =	simm.s32 $0x1EB80  }
0x3a6: {  	[hbm4b:s23+s6] =	stream.linear.scatter [tilespmem:s30], [sflag:$0x7], $0x80, $0x38;
	[tilespmem:$0x1FC00] =	vst v63  }
0x3a7: {  	s23 =	sadd.s32 $0x180, s21;
	s30 =	simm.s32 $0x1EF80  }
0x3a8: {  	[hbm4b:s23+s6] =	stream.linear.scatter [tilespmem:s30], [sflag:$0x7], $0x80, $0x38;
	[tilespmem:$0x1FC00] =	vst v63  }
0x3a9: {  	s23 =	sadd.s32 $0x200, s21;
	s30 =	simm.s32 $0x1F380  }
0x3aa: {  	[hbm4b:s23+s6] =	stream.linear.scatter [tilespmem:s30], [sflag:$0x7], $0x80, $0x38;
	[tilespmem:$0x1FC00] =	vst v63  }
0x3ab: {  	s23 =	sadd.s32 $0x280, s21;
	s30 =	simm.s32 $0x1F780  }
0x3ac: {  	[hbm4b:s23+s6] =	stream.linear.scatter [tilespmem:s30], [sflag:$0x7], $0x80, $0x38;
	[tilespmem:$0x1FC00] =	vst v63  }
0x3ad: {  	_ =	swait.ge [sflag:s24], $0x300  }
0x3ae: {  	[sflag:s24] =	ssyncset.done $0x0  }
0x3af: {  	s22 =	simm.s32 $0x1E400;
	s21 =	rddreg [dreg:$0x18];
	[sflag:s24] =	ssyncadd.s32 $0xFFFFFD00  }
0x3b0: {  	[hbm4b:s21+s6] =	stream.linear.scatter [tilespmem:s22], [sflag:$0x7], $0x80, $0x38;
	[tilespmem:$0x1FC00] =	vst v63  }
0x3b1: {  	s30 =	simm.s32 $0x1E800;
	s23 =	sadd.s32 $0x80, s21  }
0x3b2: {  	[hbm4b:s23+s6] =	stream.linear.scatter [tilespmem:s30], [sflag:$0x7], $0x80, $0x38;
	[tilespmem:$0x1FC00] =	vst v63  }
0x3b3: {  	s23 =	sadd.s32 $0x100, s21;
	s30 =	simm.s32 $0x1EC00  }
0x3b4: {  	[hbm4b:s23+s6] =	stream.linear.scatter [tilespmem:s30], [sflag:$0x7], $0x80, $0x38;
	[tilespmem:$0x1FC00] =	vst v63  }
0x3b5: {  	s23 =	sadd.s32 $0x180, s21;
	s30 =	simm.s32 $0x1F000  }
0x3b6: {  	[hbm4b:s23+s6] =	stream.linear.scatter [tilespmem:s30], [sflag:$0x7], $0x80, $0x38;
	[tilespmem:$0x1FC00] =	vst v63  }
0x3b7: {  	s23 =	sadd.s32 $0x200, s21;
	s30 =	simm.s32 $0x1F400  }
0x3b8: {  	[hbm4b:s23+s6] =	stream.linear.scatter [tilespmem:s30], [sflag:$0x7], $0x80, $0x38;
	[tilespmem:$0x1FC00] =	vst v63  }
0x3b9: {  	s23 =	sadd.s32 $0x280, s21;
	s30 =	simm.s32 $0x1F800  }
0x3ba: {  	[hbm4b:s23+s6] =	stream.linear.scatter [tilespmem:s30], [sflag:$0x7], $0x80, $0x38;
	[tilespmem:$0x1FC00] =	vst v63  }
0x3bb: {  	_ =	swait.ge [sflag:s24], $0x300  }
0x3bc: {  	[sflag:s24] =	ssyncset.done $0x0  }
0x3bd: {  	s22 =	simm.s32 $0x1E480;
	s21 =	rddreg [dreg:$0x19];
	[sflag:s24] =	ssyncadd.s32 $0xFFFFFD00  }
0x3be: {  	[hbm4b:s21+s6] =	stream.linear.scatter [tilespmem:s22], [sflag:$0x7], $0x80, $0x38;
	[tilespmem:$0x1FC00] =	vst v63  }
0x3bf: {  	s30 =	simm.s32 $0x1E880;
	s23 =	sadd.s32 $0x80, s21  }
0x3c0: {  	[hbm4b:s23+s6] =	stream.linear.scatter [tilespmem:s30], [sflag:$0x7], $0x80, $0x38;
	[tilespmem:$0x1FC00] =	vst v63  }
0x3c1: {  	s23 =	sadd.s32 $0x100, s21;
	s30 =	simm.s32 $0x1EC80  }
0x3c2: {  	[hbm4b:s23+s6] =	stream.linear.scatter [tilespmem:s30], [sflag:$0x7], $0x80, $0x38;
	[tilespmem:$0x1FC00] =	vst v63  }
0x3c3: {  	s23 =	sadd.s32 $0x180, s21;
	s30 =	simm.s32 $0x1F080  }
0x3c4: {  	[hbm4b:s23+s6] =	stream.linear.scatter [tilespmem:s30], [sflag:$0x7], $0x80, $0x38;
	[tilespmem:$0x1FC00] =	vst v63  }
0x3c5: {  	s23 =	sadd.s32 $0x200, s21;
	s30 =	simm.s32 $0x1F480  }
0x3c6: {  	[hbm4b:s23+s6] =	stream.linear.scatter [tilespmem:s30], [sflag:$0x7], $0x80, $0x38;
	[tilespmem:$0x1FC00] =	vst v63  }
0x3c7: {  	s22 =	simm.s32 $0x1F880;
	s21 =	sadd.s32 $0x280, s21  }
0x3c8: {  	[hbm4b:s21+s6] =	stream.linear.scatter [tilespmem:s22], [sflag:$0x7], $0x80, $0x38;
	[tilespmem:$0x1FC00] =	vst v63  }
0x3c9: {  	_ =	swait.ge [sflag:s24], $0x300  }
0x3ca: {  	s23 =	rddreg [dreg:$0x1b]  }
0x3cb: {  	s30 =	rddreg [dreg:$0x11];
	s21 =	sadd.s32 $0x1, s23  }
0x3cc: {  	p0 =	sne.s32 s21, s30  }
.Ltmp4:
0x3cd: {  	_ = 	snop;
	(pc) =	sbr.rel @p0 .LBB2_1-.Ltmp4, $3  }
0x3ce: {  	_ =	sdelay $0x1  }
0x3cf: {  	[sflag:s24] =	ssyncset.done $0x0  }
0x3d0: {  	[sflag:s24] =	ssyncadd.s32 $0xFFFFFD00  }
0x3d1: {  	_ =	sfence.sel $0x180000  }
0x3d2: {  	[bflag:$0x0] =	sbarrier.arrive $0xFFFF  }
0x3d3: {  	_ =	strace $0x90000047  }
0x3d4: {  	s0 =	stileid.u32;
	[bflag:$0x2] =	sbarrier.arrive $0xFFFF  }
0x3d5: {  	p0 =	sne.s32 s0, $0x0;
	s0 =	rddreg [dreg:$0x5]  }
0x3d6: {  	s0 =	sadd.s32 @!p0 $0x100000, s0  }
0x3d7: {  	[sflag:s0] =	ssyncadd.tile.s32 @!p0 $0x1;
	_ =	shalt  }
.Lfunc_end2:
_tile_overlayer_lowered:
.L_overlay_start_2:
0x3d8: {  	(tag) =	ssettag $0x2  }
0x3d9: {  	s0 =	rddreg [dreg:$0x0];
	s2 =	stileid.u32  }
0x3da: {  	s1 =	rddreg [dreg:$0x1];
	p0 =	sne.s32 s2, $0x0  }
0x3db: {  	s3 =	rddreg [dreg:$0x2];
	[bflag:$0x3] =	sbarrier.arrive $0xFFFF;
	s2 =	simm.s32 @!p0 $0x1C07  }
0x3dc: {  	[timem:s3], [sflag:s2] =	dma.local @!p0 [hbm:s0], s1  }
0x3dd: {  	s0 =	simm.s32 @!p0 $0x7  }
0x3de: {  	_ =	swait.ge @!p0 [sflag:s0], s1  }
0x3df: {  	s1 =	ssub.s32 @!p0 $0x0, s1;
	[sflag:s0] =	ssyncset.done @!p0 $0x0  }
0x3e0: {  	[sflag:s0] =	ssyncadd.s32 @!p0 s1  }
0x3e1: {  	[bflag:$0x3] =	sbarrier.arrive $0xFFFF  }
0x3e2: {  	_ =	shalt  }

</sc_bundles>
